<compile_context>
chip_gen: v7x
topology: tpu7x:2x2x1
jax: 0.10.2.dev20260603
libtpu: 0.0.44.dev20260713+nightly
codegen_flags: <defaults>
</compile_context>

<pallas_src>
import functools

import jax
import jax.numpy as jnp
from jax import lax
from jax.experimental import pallas as pl
from jax.experimental.pallas import tpu as pltpu
from jax.experimental.pallas import tpu_sc as plsc

N = 2048
D = 768
H = 12
DH = D // H
FF = 3072
E = 8
K = 2
EPS = 1e-05

T = 256
S = N * K + E * T
NT = S // T
FB = 1024
NJ = FF // FB

NB = 256
QB = 2048


def _qkv_body(x_ref, w_ref, b_ref, o_ref, ws_ref):
    @pl.when(pl.program_id(0) == 0)
    def _():
        ws_ref[...] = w_ref[...].astype(jnp.bfloat16)

    x = x_ref[...].astype(jnp.bfloat16)
    acc = lax.dot_general(ws_ref[...], x, (((1,), (1,)), ((), ())),
                          preferred_element_type=jnp.float32)
    acc = acc + b_ref[...]
    rio = lax.broadcasted_iota(jnp.int32, (3 * D, 1), 0)
    acc = acc * jnp.where(rio < D, 1.0 / (DH ** 0.5), 1.0)
    o_ref[...] = acc.astype(jnp.bfloat16).reshape(3 * H, DH, NB)


def _qkv(src, in_proj_w, in_proj_b):
    return pl.pallas_call(
        _qkv_body,
        grid=(N // NB,),
        in_specs=[
            pl.BlockSpec((NB, D), lambda i: (i, 0)),
            pl.BlockSpec((3 * D, D), lambda i: (0, 0)),
            pl.BlockSpec((3 * D, 1), lambda i: (0, 0)),
        ],
        out_specs=pl.BlockSpec((3 * H, DH, NB), lambda i: (0, 0, i)),
        out_shape=jax.ShapeDtypeStruct((3 * H, DH, N), jnp.bfloat16),
        scratch_shapes=[pltpu.VMEM((3 * D, D), jnp.bfloat16)],
    )(src, in_proj_w, in_proj_b.reshape(3 * D, 1))


def _attn_body(q_ref, k_ref, v_ref, o_ref):
    qt = q_ref[0]
    kt = k_ref[0]
    s = lax.dot_general(qt, kt, (((0,), (0,)), ((), ())),
                        preferred_element_type=jnp.float32)
    m = jnp.max(s, axis=1, keepdims=True)
    p = jnp.exp(s - m)
    l = jnp.sum(p, axis=1, keepdims=True)
    o = lax.dot_general(p.astype(jnp.bfloat16), v_ref[0],
                        (((1,), (1,)), ((), ())),
                        preferred_element_type=jnp.float32)
    o_ref[0] = (o * (1.0 / l)).astype(jnp.bfloat16)


def _attention(qkvt):
    return pl.pallas_call(
        _attn_body,
        grid=(H, N // QB),
        in_specs=[
            pl.BlockSpec((1, DH, QB), lambda h, i: (h, 0, i)),
            pl.BlockSpec((1, DH, N), lambda h, i: (H + h, 0, 0)),
            pl.BlockSpec((1, DH, N), lambda h, i: (2 * H + h, 0, 0)),
        ],
        out_specs=pl.BlockSpec((1, QB, DH), lambda h, i: (h, i, 0)),
        out_shape=jax.ShapeDtypeStruct((H, N, DH), jnp.bfloat16),
    )(qkvt, qkvt, qkvt)


def _post_attn_body(o_ref, src_ref, wo_ref, bo_ref, n1w_ref, n1b_ref,
                    gw_ref, gb_ref, x1_ref, topi_ref, topw_ref,
                    rank_ref, cnt_ref, ws_ref, tot_ref):
    @pl.when(pl.program_id(0) == 0)
    def _():
        ws_ref[...] = wo_ref[...].astype(jnp.bfloat16)
        tot_ref[...] = jnp.zeros_like(tot_ref)

    o = jnp.transpose(o_ref[...], (1, 0, 2)).reshape(NB, D)
    sa = lax.dot_general(o, ws_ref[...], (((1,), (1,)), ((), ())),
                         preferred_element_type=jnp.float32)
    y = sa + bo_ref[...] + src_ref[...]
    mu = jnp.mean(y, axis=1, keepdims=True)
    yc = y - mu
    var = jnp.mean(yc * yc, axis=1, keepdims=True)
    x1 = yc * lax.rsqrt(var + EPS) * n1w_ref[...] + n1b_ref[...]
    x1_ref[...] = x1

    logits = lax.dot_general(x1, gw_ref[...], (((1,), (1,)), ((), ())),
                             preferred_element_type=jnp.float32) + gb_ref[...]
    lm = jnp.max(logits, axis=1, keepdims=True)
    eg = jnp.exp(logits - lm)
    g = eg / jnp.sum(eg, axis=1, keepdims=True)
    eio = lax.broadcasted_iota(jnp.int32, (NB, E), 1)
    m1 = jnp.max(g, axis=1, keepdims=True)
    i1 = jnp.min(jnp.where(g == m1, eio, E), axis=1, keepdims=True)
    g2 = jnp.where(eio == i1, -1.0, g)
    m2 = jnp.max(g2, axis=1, keepdims=True)
    i2 = jnp.min(jnp.where(g2 == m2, eio, E), axis=1, keepdims=True)
    topi_ref[...] = jnp.where(eio == 0, i1, jnp.where(eio == 1, i2, 0))
    topw_ref[...] = jnp.where(eio == 0, m1, jnp.where(eio == 1, m2, 0.0))

    oh0 = (i1 == eio).astype(jnp.float32)
    oh1 = (i2 == eio).astype(jnp.float32)
    c = oh0 + oh1
    r = lax.broadcasted_iota(jnp.int32, (NB, NB), 0)
    cc = lax.broadcasted_iota(jnp.int32, (NB, NB), 1)
    strict_l = (r > cc).astype(jnp.float32)
    pre = lax.dot_general(strict_l, c, (((1,), (0,)), ((), ())),
                          preferred_element_type=jnp.float32)
    cbase = tot_ref[...] + pre
    r0 = jnp.sum(oh0 * cbase, axis=1, keepdims=True)
    r1 = jnp.sum(oh1 * cbase, axis=1, keepdims=True)
    rank_ref[...] = jnp.where(eio == 0, r0, jnp.where(eio == 1, r1, 0.0))
    tot_ref[...] = tot_ref[0:1, :] + jnp.sum(c, axis=0, keepdims=True)
    cnt_ref[...] = tot_ref[0:1, :]


def _post_attn(o, src, out_proj_w, out_proj_b, norm1_w, norm1_b, gate_w, gate_b):
    return pl.pallas_call(
        _post_attn_body,
        grid=(N // NB,),
        in_specs=[
            pl.BlockSpec((H, NB, DH), lambda i: (0, i, 0)),
            pl.BlockSpec((NB, D), lambda i: (i, 0)),
            pl.BlockSpec((D, D), lambda i: (0, 0)),
            pl.BlockSpec((1, D), lambda i: (0, 0)),
            pl.BlockSpec((1, D), lambda i: (0, 0)),
            pl.BlockSpec((1, D), lambda i: (0, 0)),
            pl.BlockSpec((E, D), lambda i: (0, 0)),
            pl.BlockSpec((1, E), lambda i: (0, 0)),
        ],
        out_specs=[
            pl.BlockSpec((NB, D), lambda i: (i, 0)),
            pl.BlockSpec((NB, E), lambda i: (i, 0)),
            pl.BlockSpec((NB, E), lambda i: (i, 0)),
            pl.BlockSpec((NB, E), lambda i: (i, 0)),
            pl.BlockSpec((1, E), lambda i: (0, 0)),
        ],
        out_shape=[
            jax.ShapeDtypeStruct((N, D), jnp.float32),
            jax.ShapeDtypeStruct((N, E), jnp.int32),
            jax.ShapeDtypeStruct((N, E), jnp.float32),
            jax.ShapeDtypeStruct((N, E), jnp.float32),
            jax.ShapeDtypeStruct((1, E), jnp.float32),
        ],
        scratch_shapes=[pltpu.VMEM((D, D), jnp.bfloat16),
                        pltpu.VMEM((1, E), jnp.float32)],
    )(o, src, out_proj_w, out_proj_b.reshape(1, D), norm1_w.reshape(1, D),
      norm1_b.reshape(1, D), gate_w, gate_b.reshape(1, E))


def _slots_body(rank_ref, topi_ref, cnt_ref, cntc_ref, spos_ref, te_ref):
    cnt = cnt_ref[...]
    pad_cnt = jnp.floor((cnt + (T - 1)) * (1.0 / T)) * T
    e_r = lax.broadcasted_iota(jnp.int32, (E, E), 0)
    e_c = lax.broadcasted_iota(jnp.int32, (E, E), 1)
    strict_u = (e_r < e_c).astype(jnp.float32)
    base = lax.dot_general(pad_cnt, strict_u, (((1,), (0,)), ((), ())),
                           preferred_element_type=jnp.float32)
    ends = base + pad_cnt

    eio = lax.broadcasted_iota(jnp.int32, (NB, E), 1)
    oh0 = (topi_ref[:, 0:1] == eio).astype(jnp.float32)
    oh1 = (topi_ref[:, 1:2] == eio).astype(jnp.float32)
    s0 = rank_ref[:, 0:1] + jnp.sum(oh0 * base, axis=1, keepdims=True)
    s1 = rank_ref[:, 1:2] + jnp.sum(oh1 * base, axis=1, keepdims=True)
    rio2 = lax.broadcasted_iota(jnp.int32, (2, NB), 0)
    spos_ref[...] = jnp.where(
        rio2 == 0, s0.reshape(1, NB), s1.reshape(1, NB)).astype(jnp.int32)

    tio = (lax.broadcasted_iota(jnp.int32, (NT, E), 0) * T).astype(jnp.float32)
    ge = (tio >= ends).astype(jnp.float32)
    te = jnp.minimum(jnp.sum(ge, axis=1), float(E - 1))
    te_row = te[None, :]

    k_r = lax.broadcasted_iota(jnp.int32, (NT, NT), 0)
    t_c = lax.broadcasted_iota(jnp.int32, (NT, NT), 1)
    shift = (k_r == t_c - 1).astype(jnp.float32)
    low_i = (k_r <= t_c).astype(jnp.float32)
    te_prev = lax.dot_general(te_row, shift, (((1,), (0,)), ((), ())),
                              preferred_element_type=jnp.float32)
    tlane = lax.broadcasted_iota(jnp.int32, (1, NT), 1)
    fr = jnp.where((te_row != te_prev) | (tlane == 0), 1.0, 0.0)
    rid = lax.dot_general(fr, low_i, (((1,), (0,)), ((), ())),
                          preferred_element_type=jnp.float32) - 1.0
    pr = rid - 2.0 * jnp.floor(rid * 0.5)

    cntc = cntc_ref[...]
    pad_cnt_c = jnp.floor((cntc + (T - 1)) * (1.0 / T)) * T
    e_col = lax.broadcasted_iota(jnp.int32, (E, 1), 0).astype(jnp.float32)
    used = jnp.sum(pad_cnt_c)
    present = (pad_cnt_c > 0.0) | ((e_col == E - 1) & (used < float(S)))
    cand = jnp.where(present & (e_col > te_row), e_col, float(E))
    nxe = jnp.min(cand, axis=0)[None, :]
    hn = jnp.where(nxe < float(E), 1.0, 0.0)
    nxe = jnp.minimum(nxe, float(E - 1))

    r8 = lax.broadcasted_iota(jnp.int32, (8, NT), 0)
    aux = jnp.where(r8 == 0, jnp.broadcast_to(te_row, (8, NT)),
          jnp.where(r8 == 1, jnp.broadcast_to(fr, (8, NT)),
          jnp.where(r8 == 2, jnp.broadcast_to(pr, (8, NT)),
          jnp.where(r8 == 3, jnp.broadcast_to(nxe, (8, NT)),
          jnp.where(r8 == 4, jnp.broadcast_to(hn, (8, NT)), 0.0)))))
    te_ref[...] = aux.astype(jnp.int32)


def _slots(rank, topi, cnt):
    return pl.pallas_call(
        _slots_body,
        grid=(N // NB,),
        in_specs=[
            pl.BlockSpec((NB, E), lambda i: (i, 0)),
            pl.BlockSpec((NB, E), lambda i: (i, 0)),
            pl.BlockSpec((1, E), lambda i: (0, 0)),
            pl.BlockSpec((E, 1), lambda i: (0, 0)),
        ],
        out_specs=[
            pl.BlockSpec((2, NB), lambda i: (0, i)),
            pl.BlockSpec((8, NT), lambda i: (0, 0)),
        ],
        out_shape=[
            jax.ShapeDtypeStruct((2, N), jnp.int32),
            jax.ShapeDtypeStruct((8, NT), jnp.int32),
        ],
    )(rank, topi, cnt, cnt.reshape(E, 1))


def _dispatch_scatter_sc(x1, idx_flat):
    info = plsc.get_sparse_core_info()
    nw = info.num_cores * info.num_subcores
    bpw = N // nw
    mesh = plsc.VectorSubcoreMesh(core_axis_name="c", subcore_axis_name="s")

    @functools.partial(
        pl.kernel,
        out_type=jax.ShapeDtypeStruct((S, D), jnp.float32),
        mesh=mesh,
        scratch_types=[
            pltpu.VMEM((bpw, D), jnp.float32),
            pltpu.VMEM((bpw,), jnp.int32),
            pltpu.VMEM((bpw,), jnp.int32),
            pltpu.SemaphoreType.DMA,
            pltpu.SemaphoreType.DMA,
        ],
    )
    def k(x_hbm, idx_hbm, xs_hbm, rows_v, i0_v, i1_v, sem0, sem1):
        wid = lax.axis_index("s") * info.num_cores + lax.axis_index("c")
        base = wid * bpw
        pltpu.sync_copy(x_hbm.at[pl.ds(base, bpw)], rows_v)
        pltpu.sync_copy(idx_hbm.at[pl.ds(base, bpw)], i0_v)
        pltpu.sync_copy(idx_hbm.at[pl.ds(N + base, bpw)], i1_v)
        c0 = pltpu.async_copy(rows_v, xs_hbm.at[i0_v], sem0)
        c1 = pltpu.async_copy(rows_v, xs_hbm.at[i1_v], sem1)
        c0.wait()
        c1.wait()

    return k(x1, idx_flat)


def _combine_gather_sc(xout, idx_flat):
    info = plsc.get_sparse_core_info()
    nw = info.num_cores * info.num_subcores
    bpw = N // nw
    mesh = plsc.VectorSubcoreMesh(core_axis_name="c", subcore_axis_name="s")

    @functools.partial(
        pl.kernel,
        out_type=[
            jax.ShapeDtypeStruct((N, D), jnp.float32),
            jax.ShapeDtypeStruct((N, D), jnp.float32),
        ],
        mesh=mesh,
        scratch_types=[
            pltpu.VMEM((bpw, D), jnp.float32),
            pltpu.VMEM((bpw, D), jnp.float32),
            pltpu.VMEM((bpw,), jnp.int32),
            pltpu.VMEM((bpw,), jnp.int32),
            pltpu.SemaphoreType.DMA,
            pltpu.SemaphoreType.DMA,
        ],
    )
    def k(xo_hbm, idx_hbm, g0_hbm, g1_hbm, r0_v, r1_v, i0_v, i1_v, sem0, sem1):
        wid = lax.axis_index("s") * info.num_cores + lax.axis_index("c")
        base = wid * bpw
        pltpu.sync_copy(idx_hbm.at[pl.ds(base, bpw)], i0_v)
        pltpu.sync_copy(idx_hbm.at[pl.ds(N + base, bpw)], i1_v)
        c0 = pltpu.async_copy(xo_hbm.at[i0_v], r0_v, sem0)
        c1 = pltpu.async_copy(xo_hbm.at[i1_v], r1_v, sem1)
        c0.wait()
        c1.wait()
        pltpu.sync_copy(r0_v, g0_hbm.at[pl.ds(base, bpw)])
        pltpu.sync_copy(r1_v, g1_hbm.at[pl.ds(base, bpw)])

    return k(xout, idx_flat)


def _ffn_body(te_ref, fr_ref, pr_ref, nxe_ref, hn_ref,
              xs_ref, b1_ref, b2_ref, bo_ref, w1_hbm, w2_hbm, wo_hbm,
              out_ref, w1s_ref, w2s_ref, wos_ref,
              w1b_ref, w2b_ref, wob_ref, sem):
    j = pl.program_id(0)
    i = pl.program_id(1)

    def _issue(e_, slot, jj=None):
        jb = j if jj is None else jj
        pltpu.make_async_copy(
            w1_hbm.at[e_, pl.ds(jb * FB, FB), :], w1s_ref.at[slot],
            sem.at[0, slot]).start()
        pltpu.make_async_copy(
            w2_hbm.at[e_, pl.ds(jb * FB, FB), :], w2s_ref.at[slot],
            sem.at[1, slot]).start()
        pltpu.make_async_copy(
            wo_hbm.at[e_, :, pl.ds(jb * FB, FB)], wos_ref.at[slot],
            sem.at[2, slot]).start()

    def _wait(e_, slot):
        pltpu.make_async_copy(
            w1_hbm.at[e_, pl.ds(j * FB, FB), :], w1s_ref.at[slot],
            sem.at[0, slot]).wait()
        pltpu.make_async_copy(
            w2_hbm.at[e_, pl.ds(j * FB, FB), :], w2s_ref.at[slot],
            sem.at[1, slot]).wait()
        pltpu.make_async_copy(
            wo_hbm.at[e_, :, pl.ds(j * FB, FB)], wos_ref.at[slot],
            sem.at[2, slot]).wait()

    @pl.when((i == 0) & (j == 0))
    def _():
        _issue(te_ref[0], 0)

    @pl.when(fr_ref[i] == 1)
    def _():
        slot = pr_ref[i]

        @pl.when(slot == 0)
        def _():
            _wait(te_ref[i], 0)
            w1b_ref[...] = w1s_ref[0].astype(jnp.bfloat16)
            w2b_ref[...] = w2s_ref[0].astype(jnp.bfloat16)
            wob_ref[...] = wos_ref[0].astype(jnp.bfloat16)

            @pl.when(hn_ref[i] == 1)
            def _():
                _issue(nxe_ref[i], 1)

            @pl.when((hn_ref[i] == 0) & (j < NJ - 1))
            def _():
                _issue(te_ref[0], 0, jj=j + 1)

        @pl.when(slot == 1)
        def _():
            _wait(te_ref[i], 1)
            w1b_ref[...] = w1s_ref[1].astype(jnp.bfloat16)
            w2b_ref[...] = w2s_ref[1].astype(jnp.bfloat16)
            wob_ref[...] = wos_ref[1].astype(jnp.bfloat16)

            @pl.when(hn_ref[i] == 1)
            def _():
                _issue(nxe_ref[i], 0)

            @pl.when((hn_ref[i] == 0) & (j < NJ - 1))
            def _():
                _issue(te_ref[0], 0, jj=j + 1)

    x = xs_ref[...].astype(jnp.bfloat16)
    h1 = lax.dot_general(x, w1b_ref[...], (((1,), (1,)), ((), ())),
                         preferred_element_type=jnp.float32) + b1_ref[0]
    h2 = lax.dot_general(x, w2b_ref[...], (((1,), (1,)), ((), ())),
                         preferred_element_type=jnp.float32) + b2_ref[0]
    g = (h1 / (1.0 + jnp.exp(-h1))) * h2
    g = g.astype(jnp.bfloat16)
    acc = lax.dot_general(g, wob_ref[...], (((1,), (1,)), ((), ())),
                          preferred_element_type=jnp.float32)

    @pl.when(j == 0)
    def _():
        out_ref[pl.ds(i * T, T), :] = acc + bo_ref[0]

    @pl.when(j > 0)
    def _():
        out_ref[pl.ds(i * T, T), :] += acc


def _grouped_ffn(te, fr, pr, nxe, hn, xs, W1, b1, W2, b2, Wout, bout):
    grid_spec = pltpu.PrefetchScalarGridSpec(
        num_scalar_prefetch=5,
        grid=(NJ, NT),
        in_specs=[
            pl.BlockSpec((T, D), lambda j, i, *_: (i, 0)),
            pl.BlockSpec((1, 1, FB),
                         lambda j, i, te, *_: (te[i] * NJ + j, 0, 0)),
            pl.BlockSpec((1, 1, FB),
                         lambda j, i, te, *_: (te[i] * NJ + j, 0, 0)),
            pl.BlockSpec((1, 1, D), lambda j, i, te, *_: (te[i], 0, 0)),
            pl.BlockSpec(memory_space=pltpu.MemorySpace.HBM),
            pl.BlockSpec(memory_space=pltpu.MemorySpace.HBM),
            pl.BlockSpec(memory_space=pltpu.MemorySpace.HBM),
        ],
        out_specs=pl.BlockSpec((S, D), lambda j, i, *_: (0, 0)),
        scratch_shapes=[
            pltpu.VMEM((2, FB, D), jnp.float32),
            pltpu.VMEM((2, FB, D), jnp.float32),
            pltpu.VMEM((2, D, FB), jnp.float32),
            pltpu.VMEM((FB, D), jnp.bfloat16),
            pltpu.VMEM((FB, D), jnp.bfloat16),
            pltpu.VMEM((D, FB), jnp.bfloat16),
            pltpu.SemaphoreType.DMA((3, 2)),
        ],
    )
    return pl.pallas_call(
        _ffn_body,
        grid_spec=grid_spec,
        out_shape=jax.ShapeDtypeStruct((S, D), jnp.float32),
    )(te, fr, pr, nxe, hn, xs, b1.reshape(E * NJ, 1, FB),
      b2.reshape(E * NJ, 1, FB), bout.reshape(E, 1, D), W1, W2, Wout)


def _final_body(x1_ref, g0_ref, g1_ref, tw_ref, n2w_ref, n2b_ref, o_ref):
    w0 = tw_ref[:, 0:1]
    w1 = tw_ref[:, 1:2]
    y = x1_ref[...] + w0 * g0_ref[...] + w1 * g1_ref[...]
    mu = jnp.mean(y, axis=1, keepdims=True)
    yc = y - mu
    var = jnp.mean(yc * yc, axis=1, keepdims=True)
    o_ref[...] = yc * lax.rsqrt(var + EPS) * n2w_ref[...] + n2b_ref[...]


def _final(x1, g0, g1, topw, norm2_w, norm2_b):
    return pl.pallas_call(
        _final_body,
        grid=(N // NB,),
        in_specs=[
            pl.BlockSpec((NB, D), lambda i: (i, 0)),
            pl.BlockSpec((NB, D), lambda i: (i, 0)),
            pl.BlockSpec((NB, D), lambda i: (i, 0)),
            pl.BlockSpec((NB, E), lambda i: (i, 0)),
            pl.BlockSpec((1, D), lambda i: (0, 0)),
            pl.BlockSpec((1, D), lambda i: (0, 0)),
        ],
        out_specs=pl.BlockSpec((NB, D), lambda i: (i, 0)),
        out_shape=jax.ShapeDtypeStruct((N, D), jnp.float32),
    )(x1, g0, g1, topw, norm2_w.reshape(1, D), norm2_b.reshape(1, D))


def kernel(src, in_proj_w, in_proj_b, out_proj_w, out_proj_b,
           norm1_w, norm1_b, norm2_w, norm2_b,
           gate_w, gate_b, W1, b1, W2, b2, Wout, bout):
    qkvh = _qkv(src, in_proj_w, in_proj_b)
    oh = _attention(qkvh)
    x1, topi, topw, rank, cnt = _post_attn(oh, src, out_proj_w, out_proj_b,
                                           norm1_w, norm1_b, gate_w, gate_b)
    spos, aux = _slots(rank, topi, cnt)
    idx_flat = spos.reshape(2 * N)
    xs = _dispatch_scatter_sc(x1, idx_flat)
    xout = _grouped_ffn(aux[0], aux[1], aux[2], aux[3], aux[4],
                        xs, W1, b1, W2, b2, Wout, bout)
    g0, g1 = _combine_gather_sc(xout, idx_flat)
    return _final(x1, g0, g1, topw, norm2_w, norm2_b)

# --- scband reference (transcript-rebuilt; emitter-appended) ---
"""Pipeline reference for scband-transformer-encoder-layer-1262720385383 (READ-ONLY COPY).

The authoritative reference and input builder live on the scoring server;
editing this copy changes nothing except your own understanding.
"""

import jax, jax.numpy as jnp
import numpy as np

N = 2048
D = 768
H = 12
FF = 3072
E = 8
K = 2
EPS = 1e-05


def setup_inputs(seed: int = 0) -> dict:
    key = jax.random.key(seed)
    ks = jax.random.split(key, 18)
    s = 0.02
    return {
        "src": jax.random.normal(ks[0], (N, D), dtype=jnp.float32),
        "in_proj_w": jax.random.normal(ks[1], (3 * D, D), dtype=jnp.float32) * s,
        "in_proj_b": jnp.zeros((3 * D,), dtype=jnp.float32),
        "out_proj_w": jax.random.normal(ks[2], (D, D), dtype=jnp.float32) * s,
        "out_proj_b": jnp.zeros((D,), dtype=jnp.float32),
        "norm1_w": jnp.ones((D,), dtype=jnp.float32),
        "norm1_b": jnp.zeros((D,), dtype=jnp.float32),
        "norm2_w": jnp.ones((D,), dtype=jnp.float32),
        "norm2_b": jnp.zeros((D,), dtype=jnp.float32),
        "gate_w": jax.random.normal(ks[3], (E, D), dtype=jnp.float32) * s,
        "gate_b": jnp.zeros((E,), dtype=jnp.float32),
        "W1": jax.random.normal(ks[4], (E, FF, D), dtype=jnp.float32) * s,
        "b1": jnp.zeros((E, FF), dtype=jnp.float32),
        "W2": jax.random.normal(ks[5], (E, FF, D), dtype=jnp.float32) * s,
        "b2": jnp.zeros((E, FF), dtype=jnp.float32),
        "Wout": jax.random.normal(ks[6], (E, D, FF), dtype=jnp.float32) * s,
        "bout": jnp.zeros((E, D), dtype=jnp.float32),
    }


def _layer_norm(x, w, b):
    mu = jnp.mean(x, axis=-1, keepdims=True)
    var = jnp.mean((x - mu) ** 2, axis=-1, keepdims=True)
    return (x - mu) / jnp.sqrt(var + EPS) * w + b


def reference(src, in_proj_w, in_proj_b, out_proj_w, out_proj_b,
              norm1_w, norm1_b, norm2_w, norm2_b,
              gate_w, gate_b, W1, b1, W2, b2, Wout, bout):
    x = src
    # --- self-attention block (unbatched 2D input [N, D]) ---
    qkv = x @ in_proj_w.T + in_proj_b
    q, k, v = jnp.split(qkv, 3, axis=-1)
    dh = D // H
    q = q.reshape(N, H, dh).transpose(1, 0, 2)
    k = k.reshape(N, H, dh).transpose(1, 0, 2)
    v = v.reshape(N, H, dh).transpose(1, 0, 2)
    attn = jax.nn.softmax(jnp.matmul(q, k.transpose(0, 2, 1)) / np.sqrt(dh), axis=-1)
    o = jnp.matmul(attn, v).transpose(1, 0, 2).reshape(N, D)
    sa = o @ out_proj_w.T + out_proj_b
    x = _layer_norm(x + sa, norm1_w, norm1_b)
    # --- MoE feed-forward block ---
    gating = jax.nn.softmax(x @ gate_w.T + gate_b, axis=-1)  # [N, E]
    top_scores, top_idx = jax.lax.top_k(gating, K)  # [N, K]
    combine = jnp.zeros((N, E), dtype=x.dtype)
    for j in range(K):
        combine = combine + jax.nn.one_hot(top_idx[:, j], E, dtype=x.dtype) * top_scores[:, j:j + 1]
    X1 = jnp.einsum('nd,efd->nef', x, W1) + b1
    X2 = jnp.einsum('nd,efd->nef', x, W2) + b2
    hmoe = jax.nn.silu(X1) * X2
    Oe = jnp.einsum('nef,edf->ned', hmoe, Wout) + bout
    ff = jnp.einsum('ned,ne->nd', Oe, combine)
    x = _layer_norm(x + ff, norm2_w, norm2_b)
    return x

if __name__ == "__main__":
    import jax
    _d = setup_inputs()
    print(jax.jit(kernel)(*tuple(_d.values())))

</pallas_src>

<mosaic_0001>
#map = affine_map<(d0, d1) -> (0, 0)>
#map1 = affine_map<(d0, d1) -> (0)>
module attributes {stable_mosaic.version = 14 : i64} {
  func.func @k(%arg0: i32, %arg1: i32, %arg2: memref<6144x768xf32, #tpu.memory_space<hbm>>, %arg3: memref<4096xi32, #tpu.memory_space<hbm>>, %arg4: memref<2048x768xf32, #tpu.memory_space<hbm>>, %arg5: memref<2048x768xf32, #tpu.memory_space<hbm>>, %arg6: memref<64x768xf32, #tpu.memory_space<vmem>>, %arg7: memref<64x768xf32, #tpu.memory_space<vmem>>, %arg8: memref<64xi32, #tpu.memory_space<vmem>>, %arg9: memref<64xi32, #tpu.memory_space<vmem>>, %arg10: memref<!tpu.dma_semaphore, #tpu.memory_space<semaphore_mem>>, %arg11: memref<!tpu.dma_semaphore, #tpu.memory_space<semaphore_mem>>) attributes {dimension_semantics = [#tpu.dimension_semantics<core_parallel>, #tpu.dimension_semantics<subcore_parallel>], iteration_bounds = array<i64: 2, 16>, scalar_prefetch = 0 : i64, scratch_operands = 6 : i64, tpu.core_type = #tpu.core_type<sc_vector_subcore>, window_params = [{transform_indices = #map}, {transform_indices = #map1}, {transform_indices = #map}, {transform_indices = #map}]} {
    %mul3A = arith.constant 2 : i32
    %mul3A_0 = arith.muli %arg1, %mul3A : i32
    %add3A = arith.addi %mul3A_0, %arg0 : i32
    %mul3A_1 = arith.constant 64 : i32
    %mul3A_2 = arith.muli %add3A, %mul3A_1 : i32
    "tpu.region"() ({
      %run_scoped3A = tpu.sem_alloc : memref<!tpu.dma_semaphore, #tpu.memory_space<semaphore_mem>>
      %dma_start3A_15 = tpu.memref_slice %arg3[%mul3A_2] : memref<4096xi32, #tpu.memory_space<hbm>> -> memref<64xi32, #tpu.memory_space<hbm>>
      %dma_start3A_16 = tpu.memref_slice %arg3[%mul3A_2] : memref<4096xi32, #tpu.memory_space<hbm>> -> memref<64xi32, #tpu.memory_space<hbm>>
      tpu.enqueue_dma source(%dma_start3A_16 : memref<64xi32, #tpu.memory_space<hbm>>) target(%arg8 : memref<64xi32, #tpu.memory_space<vmem>>) target_semaphore(%run_scoped3A : memref<!tpu.dma_semaphore, #tpu.memory_space<semaphore_mem>>)
      %dma_wait3A_17 = tpu.memref_slice %arg3[%mul3A_2] : memref<4096xi32, #tpu.memory_space<hbm>> -> memref<64xi32, #tpu.memory_space<hbm>>
      %dma_wait3A_18 = tpu.memref_slice %arg3[%mul3A_2] : memref<4096xi32, #tpu.memory_space<hbm>> -> memref<64xi32, #tpu.memory_space<hbm>>
      tpu.wait_dma2 semaphore(%run_scoped3A : memref<!tpu.dma_semaphore, #tpu.memory_space<semaphore_mem>>) src(%dma_wait3A_18 : memref<64xi32, #tpu.memory_space<hbm>>) dst(%arg8 : memref<64xi32, #tpu.memory_space<vmem>>)
      tpu.yield
    }) : () -> ()
    %add3A_3 = arith.constant 2048 : i32
    %add3A_4 = arith.addi %add3A_3, %mul3A_2 : i32
    "tpu.region"() ({
      %run_scoped3A = tpu.sem_alloc : memref<!tpu.dma_semaphore, #tpu.memory_space<semaphore_mem>>
      %dma_start3A_15 = tpu.memref_slice %arg3[%add3A_4] : memref<4096xi32, #tpu.memory_space<hbm>> -> memref<64xi32, #tpu.memory_space<hbm>>
      %dma_start3A_16 = tpu.memref_slice %arg3[%add3A_4] : memref<4096xi32, #tpu.memory_space<hbm>> -> memref<64xi32, #tpu.memory_space<hbm>>
      tpu.enqueue_dma source(%dma_start3A_16 : memref<64xi32, #tpu.memory_space<hbm>>) target(%arg9 : memref<64xi32, #tpu.memory_space<vmem>>) target_semaphore(%run_scoped3A : memref<!tpu.dma_semaphore, #tpu.memory_space<semaphore_mem>>)
      %dma_wait3A_17 = tpu.memref_slice %arg3[%add3A_4] : memref<4096xi32, #tpu.memory_space<hbm>> -> memref<64xi32, #tpu.memory_space<hbm>>
      %dma_wait3A_18 = tpu.memref_slice %arg3[%add3A_4] : memref<4096xi32, #tpu.memory_space<hbm>> -> memref<64xi32, #tpu.memory_space<hbm>>
      tpu.wait_dma2 semaphore(%run_scoped3A : memref<!tpu.dma_semaphore, #tpu.memory_space<semaphore_mem>>) src(%dma_wait3A_18 : memref<64xi32, #tpu.memory_space<hbm>>) dst(%arg9 : memref<64xi32, #tpu.memory_space<vmem>>)
      tpu.yield
    }) : () -> ()
    %dma_start3A = arith.constant 0 : i32
    %dma_start3A_5 = arith.constant 0 : i32
    %dma_start3A_6 = tpu.memref_slice %arg2[%dma_start3A, %dma_start3A_5] : memref<6144x768xf32, #tpu.memory_space<hbm>> -> memref<6144x768xf32, #tpu.memory_space<hbm>>
    tpu.enqueue_indirect_dma source(%dma_start3A_6 : memref<6144x768xf32, #tpu.memory_space<hbm>>) target(%arg6 : memref<64x768xf32, #tpu.memory_space<vmem>>) offsets(%arg8 : memref<64xi32, #tpu.memory_space<vmem>>) semaphore(%arg10 : memref<!tpu.dma_semaphore, #tpu.memory_space<semaphore_mem>>)
    %dma_start3A_7 = arith.constant 0 : i32
    %dma_start3A_8 = arith.constant 0 : i32
    %dma_start3A_9 = tpu.memref_slice %arg2[%dma_start3A_7, %dma_start3A_8] : memref<6144x768xf32, #tpu.memory_space<hbm>> -> memref<6144x768xf32, #tpu.memory_space<hbm>>
    tpu.enqueue_indirect_dma source(%dma_start3A_9 : memref<6144x768xf32, #tpu.memory_space<hbm>>) target(%arg7 : memref<64x768xf32, #tpu.memory_space<vmem>>) offsets(%arg9 : memref<64xi32, #tpu.memory_space<vmem>>) semaphore(%arg11 : memref<!tpu.dma_semaphore, #tpu.memory_space<semaphore_mem>>)
    %dma_wait3A = arith.constant 0 : i32
    %dma_wait3A_10 = arith.constant 0 : i32
    %dma_wait3A_11 = tpu.memref_slice %arg2[%dma_wait3A, %dma_wait3A_10] : memref<6144x768xf32, #tpu.memory_space<hbm>> -> memref<6144x768xf32, #tpu.memory_space<hbm>>
    tpu.wait_indirect_dma semaphore(%arg10 : memref<!tpu.dma_semaphore, #tpu.memory_space<semaphore_mem>>) src(%dma_wait3A_11 : memref<6144x768xf32, #tpu.memory_space<hbm>>) dst(%arg6 : memref<64x768xf32, #tpu.memory_space<vmem>>)
    %dma_wait3A_12 = arith.constant 0 : i32
    %dma_wait3A_13 = arith.constant 0 : i32
    %dma_wait3A_14 = tpu.memref_slice %arg2[%dma_wait3A_12, %dma_wait3A_13] : memref<6144x768xf32, #tpu.memory_space<hbm>> -> memref<6144x768xf32, #tpu.memory_space<hbm>>
    tpu.wait_indirect_dma semaphore(%arg11 : memref<!tpu.dma_semaphore, #tpu.memory_space<semaphore_mem>>) src(%dma_wait3A_14 : memref<6144x768xf32, #tpu.memory_space<hbm>>) dst(%arg7 : memref<64x768xf32, #tpu.memory_space<vmem>>)
    "tpu.region"() ({
      %run_scoped3A = tpu.sem_alloc : memref<!tpu.dma_semaphore, #tpu.memory_space<semaphore_mem>>
      %dma_start3A_15 = arith.constant 0 : i32
      %dma_start3A_16 = tpu.memref_slice %arg4[%mul3A_2, %dma_start3A_15] : memref<2048x768xf32, #tpu.memory_space<hbm>> -> memref<64x768xf32, #tpu.memory_space<hbm>>
      %dma_start3A_17 = arith.constant 0 : i32
      %dma_start3A_18 = tpu.memref_slice %arg4[%mul3A_2, %dma_start3A_17] : memref<2048x768xf32, #tpu.memory_space<hbm>> -> memref<64x768xf32, #tpu.memory_space<hbm>>
      tpu.enqueue_dma source(%arg6 : memref<64x768xf32, #tpu.memory_space<vmem>>) target(%dma_start3A_18 : memref<64x768xf32, #tpu.memory_space<hbm>>) target_semaphore(%run_scoped3A : memref<!tpu.dma_semaphore, #tpu.memory_space<semaphore_mem>>)
      %dma_wait3A_19 = arith.constant 0 : i32
      %dma_wait3A_20 = tpu.memref_slice %arg4[%mul3A_2, %dma_wait3A_19] : memref<2048x768xf32, #tpu.memory_space<hbm>> -> memref<64x768xf32, #tpu.memory_space<hbm>>
      %dma_wait3A_21 = arith.constant 0 : i32
      %dma_wait3A_22 = tpu.memref_slice %arg4[%mul3A_2, %dma_wait3A_21] : memref<2048x768xf32, #tpu.memory_space<hbm>> -> memref<64x768xf32, #tpu.memory_space<hbm>>
      tpu.wait_dma2 semaphore(%run_scoped3A : memref<!tpu.dma_semaphore, #tpu.memory_space<semaphore_mem>>) src(%arg6 : memref<64x768xf32, #tpu.memory_space<vmem>>) dst(%dma_wait3A_22 : memref<64x768xf32, #tpu.memory_space<hbm>>)
      tpu.yield
    }) : () -> ()
    "tpu.region"() ({
      %run_scoped3A = tpu.sem_alloc : memref<!tpu.dma_semaphore, #tpu.memory_space<semaphore_mem>>
      %dma_start3A_15 = arith.constant 0 : i32
      %dma_start3A_16 = tpu.memref_slice %arg5[%mul3A_2, %dma_start3A_15] : memref<2048x768xf32, #tpu.memory_space<hbm>> -> memref<64x768xf32, #tpu.memory_space<hbm>>
      %dma_start3A_17 = arith.constant 0 : i32
      %dma_start3A_18 = tpu.memref_slice %arg5[%mul3A_2, %dma_start3A_17] : memref<2048x768xf32, #tpu.memory_space<hbm>> -> memref<64x768xf32, #tpu.memory_space<hbm>>
      tpu.enqueue_dma source(%arg7 : memref<64x768xf32, #tpu.memory_space<vmem>>) target(%dma_start3A_18 : memref<64x768xf32, #tpu.memory_space<hbm>>) target_semaphore(%run_scoped3A : memref<!tpu.dma_semaphore, #tpu.memory_space<semaphore_mem>>)
      %dma_wait3A_19 = arith.constant 0 : i32
      %dma_wait3A_20 = tpu.memref_slice %arg5[%mul3A_2, %dma_wait3A_19] : memref<2048x768xf32, #tpu.memory_space<hbm>> -> memref<64x768xf32, #tpu.memory_space<hbm>>
      %dma_wait3A_21 = arith.constant 0 : i32
      %dma_wait3A_22 = tpu.memref_slice %arg5[%mul3A_2, %dma_wait3A_21] : memref<2048x768xf32, #tpu.memory_space<hbm>> -> memref<64x768xf32, #tpu.memory_space<hbm>>
      tpu.wait_dma2 semaphore(%run_scoped3A : memref<!tpu.dma_semaphore, #tpu.memory_space<semaphore_mem>>) src(%arg7 : memref<64x768xf32, #tpu.memory_space<vmem>>) dst(%dma_wait3A_22 : memref<64x768xf32, #tpu.memory_space<hbm>>)
      tpu.yield
    }) : () -> ()
    return
  }
}

#map = affine_map<(d0, d1) -> (0, 0)>
#map1 = affine_map<(d0, d1) -> (0)>
module attributes {stable_mosaic.version = 14 : i64} {
  func.func @k(%arg0: i32, %arg1: i32, %arg2: memref<2048x768xf32, #tpu.memory_space<hbm>>, %arg3: memref<4096xi32, #tpu.memory_space<hbm>>, %arg4: memref<6144x768xf32, #tpu.memory_space<hbm>>, %arg5: memref<64x768xf32, #tpu.memory_space<vmem>>, %arg6: memref<64xi32, #tpu.memory_space<vmem>>, %arg7: memref<64xi32, #tpu.memory_space<vmem>>, %arg8: memref<!tpu.dma_semaphore, #tpu.memory_space<semaphore_mem>>, %arg9: memref<!tpu.dma_semaphore, #tpu.memory_space<semaphore_mem>>) attributes {dimension_semantics = [#tpu.dimension_semantics<core_parallel>, #tpu.dimension_semantics<subcore_parallel>], iteration_bounds = array<i64: 2, 16>, scalar_prefetch = 0 : i64, scratch_operands = 5 : i64, tpu.core_type = #tpu.core_type<sc_vector_subcore>, window_params = [{transform_indices = #map}, {transform_indices = #map1}, {transform_indices = #map}]} {
    %mul3A = arith.constant 2 : i32
    %mul3A_0 = arith.muli %arg1, %mul3A : i32
    %add3A = arith.addi %mul3A_0, %arg0 : i32
    %mul3A_1 = arith.constant 64 : i32
    %mul3A_2 = arith.muli %add3A, %mul3A_1 : i32
    "tpu.region"() ({
      %run_scoped3A = tpu.sem_alloc : memref<!tpu.dma_semaphore, #tpu.memory_space<semaphore_mem>>
      %dma_start3A_15 = arith.constant 0 : i32
      %dma_start3A_16 = tpu.memref_slice %arg2[%mul3A_2, %dma_start3A_15] : memref<2048x768xf32, #tpu.memory_space<hbm>> -> memref<64x768xf32, #tpu.memory_space<hbm>>
      %dma_start3A_17 = arith.constant 0 : i32
      %dma_start3A_18 = tpu.memref_slice %arg2[%mul3A_2, %dma_start3A_17] : memref<2048x768xf32, #tpu.memory_space<hbm>> -> memref<64x768xf32, #tpu.memory_space<hbm>>
      tpu.enqueue_dma source(%dma_start3A_18 : memref<64x768xf32, #tpu.memory_space<hbm>>) target(%arg5 : memref<64x768xf32, #tpu.memory_space<vmem>>) target_semaphore(%run_scoped3A : memref<!tpu.dma_semaphore, #tpu.memory_space<semaphore_mem>>)
      %dma_wait3A_19 = arith.constant 0 : i32
      %dma_wait3A_20 = tpu.memref_slice %arg2[%mul3A_2, %dma_wait3A_19] : memref<2048x768xf32, #tpu.memory_space<hbm>> -> memref<64x768xf32, #tpu.memory_space<hbm>>
      %dma_wait3A_21 = arith.constant 0 : i32
      %dma_wait3A_22 = tpu.memref_slice %arg2[%mul3A_2, %dma_wait3A_21] : memref<2048x768xf32, #tpu.memory_space<hbm>> -> memref<64x768xf32, #tpu.memory_space<hbm>>
      tpu.wait_dma2 semaphore(%run_scoped3A : memref<!tpu.dma_semaphore, #tpu.memory_space<semaphore_mem>>) src(%dma_wait3A_22 : memref<64x768xf32, #tpu.memory_space<hbm>>) dst(%arg5 : memref<64x768xf32, #tpu.memory_space<vmem>>)
      tpu.yield
    }) : () -> ()
    "tpu.region"() ({
      %run_scoped3A = tpu.sem_alloc : memref<!tpu.dma_semaphore, #tpu.memory_space<semaphore_mem>>
      %dma_start3A_15 = tpu.memref_slice %arg3[%mul3A_2] : memref<4096xi32, #tpu.memory_space<hbm>> -> memref<64xi32, #tpu.memory_space<hbm>>
      %dma_start3A_16 = tpu.memref_slice %arg3[%mul3A_2] : memref<4096xi32, #tpu.memory_space<hbm>> -> memref<64xi32, #tpu.memory_space<hbm>>
      tpu.enqueue_dma source(%dma_start3A_16 : memref<64xi32, #tpu.memory_space<hbm>>) target(%arg6 : memref<64xi32, #tpu.memory_space<vmem>>) target_semaphore(%run_scoped3A : memref<!tpu.dma_semaphore, #tpu.memory_space<semaphore_mem>>)
      %dma_wait3A_17 = tpu.memref_slice %arg3[%mul3A_2] : memref<4096xi32, #tpu.memory_space<hbm>> -> memref<64xi32, #tpu.memory_space<hbm>>
      %dma_wait3A_18 = tpu.memref_slice %arg3[%mul3A_2] : memref<4096xi32, #tpu.memory_space<hbm>> -> memref<64xi32, #tpu.memory_space<hbm>>
      tpu.wait_dma2 semaphore(%run_scoped3A : memref<!tpu.dma_semaphore, #tpu.memory_space<semaphore_mem>>) src(%dma_wait3A_18 : memref<64xi32, #tpu.memory_space<hbm>>) dst(%arg6 : memref<64xi32, #tpu.memory_space<vmem>>)
      tpu.yield
    }) : () -> ()
    %add3A_3 = arith.constant 2048 : i32
    %add3A_4 = arith.addi %add3A_3, %mul3A_2 : i32
    "tpu.region"() ({
      %run_scoped3A = tpu.sem_alloc : memref<!tpu.dma_semaphore, #tpu.memory_space<semaphore_mem>>
      %dma_start3A_15 = tpu.memref_slice %arg3[%add3A_4] : memref<4096xi32, #tpu.memory_space<hbm>> -> memref<64xi32, #tpu.memory_space<hbm>>
      %dma_start3A_16 = tpu.memref_slice %arg3[%add3A_4] : memref<4096xi32, #tpu.memory_space<hbm>> -> memref<64xi32, #tpu.memory_space<hbm>>
      tpu.enqueue_dma source(%dma_start3A_16 : memref<64xi32, #tpu.memory_space<hbm>>) target(%arg7 : memref<64xi32, #tpu.memory_space<vmem>>) target_semaphore(%run_scoped3A : memref<!tpu.dma_semaphore, #tpu.memory_space<semaphore_mem>>)
      %dma_wait3A_17 = tpu.memref_slice %arg3[%add3A_4] : memref<4096xi32, #tpu.memory_space<hbm>> -> memref<64xi32, #tpu.memory_space<hbm>>
      %dma_wait3A_18 = tpu.memref_slice %arg3[%add3A_4] : memref<4096xi32, #tpu.memory_space<hbm>> -> memref<64xi32, #tpu.memory_space<hbm>>
      tpu.wait_dma2 semaphore(%run_scoped3A : memref<!tpu.dma_semaphore, #tpu.memory_space<semaphore_mem>>) src(%dma_wait3A_18 : memref<64xi32, #tpu.memory_space<hbm>>) dst(%arg7 : memref<64xi32, #tpu.memory_space<vmem>>)
      tpu.yield
    }) : () -> ()
    %dma_start3A = arith.constant 0 : i32
    %dma_start3A_5 = arith.constant 0 : i32
    %dma_start3A_6 = tpu.memref_slice %arg4[%dma_start3A, %dma_start3A_5] : memref<6144x768xf32, #tpu.memory_space<hbm>> -> memref<6144x768xf32, #tpu.memory_space<hbm>>
    tpu.enqueue_indirect_dma source(%arg5 : memref<64x768xf32, #tpu.memory_space<vmem>>) target(%dma_start3A_6 : memref<6144x768xf32, #tpu.memory_space<hbm>>) offsets(%arg6 : memref<64xi32, #tpu.memory_space<vmem>>) semaphore(%arg8 : memref<!tpu.dma_semaphore, #tpu.memory_space<semaphore_mem>>)
    %dma_start3A_7 = arith.constant 0 : i32
    %dma_start3A_8 = arith.constant 0 : i32
    %dma_start3A_9 = tpu.memref_slice %arg4[%dma_start3A_7, %dma_start3A_8] : memref<6144x768xf32, #tpu.memory_space<hbm>> -> memref<6144x768xf32, #tpu.memory_space<hbm>>
    tpu.enqueue_indirect_dma source(%arg5 : memref<64x768xf32, #tpu.memory_space<vmem>>) target(%dma_start3A_9 : memref<6144x768xf32, #tpu.memory_space<hbm>>) offsets(%arg7 : memref<64xi32, #tpu.memory_space<vmem>>) semaphore(%arg9 : memref<!tpu.dma_semaphore, #tpu.memory_space<semaphore_mem>>)
    %dma_wait3A = arith.constant 0 : i32
    %dma_wait3A_10 = arith.constant 0 : i32
    %dma_wait3A_11 = tpu.memref_slice %arg4[%dma_wait3A, %dma_wait3A_10] : memref<6144x768xf32, #tpu.memory_space<hbm>> -> memref<6144x768xf32, #tpu.memory_space<hbm>>
    tpu.wait_indirect_dma semaphore(%arg8 : memref<!tpu.dma_semaphore, #tpu.memory_space<semaphore_mem>>) src(%arg5 : memref<64x768xf32, #tpu.memory_space<vmem>>) dst(%dma_wait3A_11 : memref<6144x768xf32, #tpu.memory_space<hbm>>)
    %dma_wait3A_12 = arith.constant 0 : i32
    %dma_wait3A_13 = arith.constant 0 : i32
    %dma_wait3A_14 = tpu.memref_slice %arg4[%dma_wait3A_12, %dma_wait3A_13] : memref<6144x768xf32, #tpu.memory_space<hbm>> -> memref<6144x768xf32, #tpu.memory_space<hbm>>
    tpu.wait_indirect_dma semaphore(%arg9 : memref<!tpu.dma_semaphore, #tpu.memory_space<semaphore_mem>>) src(%arg5 : memref<64x768xf32, #tpu.memory_space<vmem>>) dst(%dma_wait3A_14 : memref<6144x768xf32, #tpu.memory_space<hbm>>)
    return
  }
}

module attributes {stable_mosaic.version = 14 : i64} {
  func.func @_post_attn_body(%arg0: i32, %arg1: memref<12x256x64xbf16, #tpu.memory_space<vmem>>, %arg2: memref<256x768xf32, #tpu.memory_space<vmem>>, %arg3: memref<768x768xf32, #tpu.memory_space<vmem>>, %arg4: memref<1x768xf32, #tpu.memory_space<vmem>>, %arg5: memref<1x768xf32, #tpu.memory_space<vmem>>, %arg6: memref<1x768xf32, #tpu.memory_space<vmem>>, %arg7: memref<8x768xf32, #tpu.memory_space<vmem>>, %arg8: memref<1x8xf32, #tpu.memory_space<vmem>>, %arg9: memref<256x768xf32, #tpu.memory_space<vmem>>, %arg10: memref<256x8xi32, #tpu.memory_space<vmem>>, %arg11: memref<256x8xf32, #tpu.memory_space<vmem>>, %arg12: memref<256x8xf32, #tpu.memory_space<vmem>>, %arg13: memref<1x8xf32, #tpu.memory_space<vmem>>, %arg14: memref<768x768xbf16, #tpu.memory_space<vmem>>, %arg15: memref<1x8xf32, #tpu.memory_space<vmem>>) attributes {dimension_semantics = [#tpu.dimension_semantics<arbitrary>], iteration_bounds = array<i64: 8>, scalar_prefetch = 0 : i64, scratch_operands = 2 : i64, tpu.core_type = #tpu.core_type<tc>, window_params = [{transform_indices = @transform_0, window_bounds = array<i64: 12, 256, 64>}, {transform_indices = @transform_1, window_bounds = array<i64: 256, 768>}, {pipeline_mode = #tpu.pipeline_mode<synchronous>, transform_indices = @transform_2, window_bounds = array<i64: 768, 768>}, {pipeline_mode = #tpu.pipeline_mode<synchronous>, transform_indices = @transform_3, window_bounds = array<i64: 1, 768>}, {pipeline_mode = #tpu.pipeline_mode<synchronous>, transform_indices = @transform_4, window_bounds = array<i64: 1, 768>}, {pipeline_mode = #tpu.pipeline_mode<synchronous>, transform_indices = @transform_5, window_bounds = array<i64: 1, 768>}, {pipeline_mode = #tpu.pipeline_mode<synchronous>, transform_indices = @transform_6, window_bounds = array<i64: 8, 768>}, {pipeline_mode = #tpu.pipeline_mode<synchronous>, transform_indices = @transform_7, window_bounds = array<i64: 1, 8>}, {transform_indices = @transform_8, window_bounds = array<i64: 256, 768>}, {transform_indices = @transform_9, window_bounds = array<i64: 256, 8>}, {transform_indices = @transform_10, window_bounds = array<i64: 256, 8>}, {transform_indices = @transform_11, window_bounds = array<i64: 256, 8>}, {pipeline_mode = #tpu.pipeline_mode<synchronous>, transform_indices = @transform_12, window_bounds = array<i64: 1, 8>}]} {
    %eq3A = arith.constant 0 : i32
    %eq3A_0 = arith.cmpi eq, %arg0, %eq3A : i32
    %convert_element_type3A = arith.extui %eq3A_0 : i1 to i32
    %cond3A = arith.constant 0 : i32
    %cond3A_1 = arith.cmpi ne, %convert_element_type3A, %cond3A : i32
    scf.if %cond3A_1 {
      %get3A_182 = arith.constant 0 : index
      %get3A_183 = arith.constant 0 : index
      %get3A_184 = vector.load %arg3[%get3A_182, %get3A_183] : memref<768x768xf32, #tpu.memory_space<vmem>>, vector<768x768xf32>
      %convert_element_type3A_185 = arith.truncf %get3A_184 : vector<768x768xf32> to vector<768x768xbf16>
      %swap3A_186 = arith.constant 0 : index
      %swap3A_187 = arith.constant 0 : index
      %swap3A_188 = vector.load %arg14[%swap3A_186, %swap3A_187] : memref<768x768xbf16, #tpu.memory_space<vmem>>, vector<768x768xbf16>
      tpu.vector_store %arg14[%swap3A_186, %swap3A_187], %convert_element_type3A_185 {strides = array<i32>} : memref<768x768xbf16, #tpu.memory_space<vmem>>, vector<768x768xbf16>,
      %broadcast_in_dim3A_189 = arith.constant 0.000000e+00 : f32
      %broadcast_in_dim3A_190 = vector.broadcast %broadcast_in_dim3A_189 : f32 to vector<1x8xf32>
      %swap3A_191 = arith.constant 0 : index
      %swap3A_192 = arith.constant 0 : index
      %swap3A_193 = vector.load %arg15[%swap3A_191, %swap3A_192] : memref<1x8xf32, #tpu.memory_space<vmem>>, vector<1x8xf32>
      tpu.vector_store %arg15[%swap3A_191, %swap3A_192], %broadcast_in_dim3A_190 {strides = array<i32>} : memref<1x8xf32, #tpu.memory_space<vmem>>, vector<1x8xf32>,
    } else {
    }
    %get3A = arith.constant 0 : index
    %get3A_2 = arith.constant 0 : index
    %get3A_3 = arith.constant 0 : index
    %get3A_4 = vector.load %arg1[%get3A, %get3A_2, %get3A_3] : memref<12x256x64xbf16, #tpu.memory_space<vmem>>, vector<12x256x64xbf16>
    %transpose3A = tpu.transpose %get3A_4, [1, 0, 2] : vector<12x256x64xbf16> -> vector<256x12x64xbf16>
    %reshape3A = vector.shape_cast %transpose3A : vector<256x12x64xbf16> to vector<256x768xbf16>
    %get3A_5 = arith.constant 0 : index
    %get3A_6 = arith.constant 0 : index
    %get3A_7 = vector.load %arg14[%get3A_5, %get3A_6] : memref<768x768xbf16, #tpu.memory_space<vmem>>, vector<768x768xbf16>
    %dot_general3A = arith.constant dense<0.000000e+00> : vector<256x768xf32>
    %dot_general3A_8 = tpu.matmul %reshape3A, %get3A_7, %dot_general3A {dimension_numbers = #tpu.dot_dimension_numbers<[1], [1], [0], [0], [0, 0, 1, 0], [], []>, transpose_lhs_hint = false} : vector<256x768xbf16>, vector<768x768xbf16>, vector<256x768xf32> -> vector<256x768xf32>
    %get3A_9 = arith.constant 0 : index
    %get3A_10 = arith.constant 0 : index
    %get3A_11 = vector.load %arg4[%get3A_9, %get3A_10] : memref<1x768xf32, #tpu.memory_space<vmem>>, vector<1x768xf32>
    %add3A = vector.broadcast %get3A_11 : vector<1x768xf32> to vector<256x768xf32>
    %add3A_12 = arith.addf %dot_general3A_8, %add3A : vector<256x768xf32>
    %get3A_13 = arith.constant 0 : index
    %get3A_14 = arith.constant 0 : index
    %get3A_15 = vector.load %arg2[%get3A_13, %get3A_14] : memref<256x768xf32, #tpu.memory_space<vmem>>, vector<256x768xf32>
    %add3A_16 = arith.addf %add3A_12, %get3A_15 : vector<256x768xf32>
    %reduce_sum3A = arith.constant dense<0.000000e+00> : vector<256xf32>
    %reduce_sum3A_17 = vector.multi_reduction <add>, %add3A_16, %reduce_sum3A [1] : vector<256x768xf32> to vector<256xf32>
    %broadcast_in_dim3A = vector.shape_cast %reduce_sum3A_17 : vector<256xf32> to vector<256x1xf32>
    %div3A = arith.constant 7.680000e+02 : f32
    %div3A_18 = vector.broadcast %div3A : f32 to vector<256x1xf32>
    %div3A_19 = arith.divf %broadcast_in_dim3A, %div3A_18 : vector<256x1xf32>
    %sub3A = vector.broadcast %div3A_19 : vector<256x1xf32> to vector<256x768xf32>
    %sub3A_20 = arith.subf %add3A_16, %sub3A : vector<256x768xf32>
    %mul3A = arith.mulf %sub3A_20, %sub3A_20 : vector<256x768xf32>
    %reduce_sum3A_21 = arith.constant dense<0.000000e+00> : vector<256xf32>
    %reduce_sum3A_22 = vector.multi_reduction <add>, %mul3A, %reduce_sum3A_21 [1] : vector<256x768xf32> to vector<256xf32>
    %broadcast_in_dim3A_23 = vector.shape_cast %reduce_sum3A_22 : vector<256xf32> to vector<256x1xf32>
    %div3A_24 = arith.constant 7.680000e+02 : f32
    %div3A_25 = vector.broadcast %div3A_24 : f32 to vector<256x1xf32>
    %div3A_26 = arith.divf %broadcast_in_dim3A_23, %div3A_25 : vector<256x1xf32>
    %add3A_27 = arith.constant 9.99999974E-6 : f32
    %add3A_28 = vector.broadcast %add3A_27 : f32 to vector<256x1xf32>
    %add3A_29 = arith.addf %div3A_26, %add3A_28 : vector<256x1xf32>
    %rsqrt3A = math.rsqrt %add3A_29 : vector<256x1xf32>
    %mul3A_30 = vector.broadcast %rsqrt3A : vector<256x1xf32> to vector<256x768xf32>
    %mul3A_31 = arith.mulf %sub3A_20, %mul3A_30 : vector<256x768xf32>
    %get3A_32 = arith.constant 0 : index
    %get3A_33 = arith.constant 0 : index
    %get3A_34 = vector.load %arg5[%get3A_32, %get3A_33] : memref<1x768xf32, #tpu.memory_space<vmem>>, vector<1x768xf32>
    %mul3A_35 = vector.broadcast %get3A_34 : vector<1x768xf32> to vector<256x768xf32>
    %mul3A_36 = arith.mulf %mul3A_31, %mul3A_35 : vector<256x768xf32>
    %get3A_37 = arith.constant 0 : index
    %get3A_38 = arith.constant 0 : index
    %get3A_39 = vector.load %arg6[%get3A_37, %get3A_38] : memref<1x768xf32, #tpu.memory_space<vmem>>, vector<1x768xf32>
    %add3A_40 = vector.broadcast %get3A_39 : vector<1x768xf32> to vector<256x768xf32>
    %add3A_41 = arith.addf %mul3A_36, %add3A_40 : vector<256x768xf32>
    %swap3A = arith.constant 0 : index
    %swap3A_42 = arith.constant 0 : index
    %swap3A_43 = vector.load %arg9[%swap3A, %swap3A_42] : memref<256x768xf32, #tpu.memory_space<vmem>>, vector<256x768xf32>
    tpu.vector_store %arg9[%swap3A, %swap3A_42], %add3A_41 {strides = array<i32>} : memref<256x768xf32, #tpu.memory_space<vmem>>, vector<256x768xf32>,
    %get3A_44 = arith.constant 0 : index
    %get3A_45 = arith.constant 0 : index
    %get3A_46 = vector.load %arg7[%get3A_44, %get3A_45] : memref<8x768xf32, #tpu.memory_space<vmem>>, vector<8x768xf32>
    %dot_general3A_47 = arith.constant dense<0.000000e+00> : vector<256x8xf32>
    %dot_general3A_48 = tpu.matmul %add3A_41, %get3A_46, %dot_general3A_47 {dimension_numbers = #tpu.dot_dimension_numbers<[1], [1], [0], [0], [0, 0, 1, 0], [], []>, transpose_lhs_hint = false} : vector<256x768xf32>, vector<8x768xf32>, vector<256x8xf32> -> vector<256x8xf32>
    %get3A_49 = arith.constant 0 : index
    %get3A_50 = arith.constant 0 : index
    %get3A_51 = vector.load %arg8[%get3A_49, %get3A_50] : memref<1x8xf32, #tpu.memory_space<vmem>>, vector<1x8xf32>
    %add3A_52 = vector.broadcast %get3A_51 : vector<1x8xf32> to vector<256x8xf32>
    %add3A_53 = arith.addf %dot_general3A_48, %add3A_52 : vector<256x8xf32>
    %reduce_max3A = arith.constant dense<0xFF800000> : vector<256xf32>
    %reduce_max3A_54 = vector.multi_reduction <maximumf>, %add3A_53, %reduce_max3A [1] : vector<256x8xf32> to vector<256xf32>
    %broadcast_in_dim3A_55 = vector.shape_cast %reduce_max3A_54 : vector<256xf32> to vector<256x1xf32>
    %sub3A_56 = vector.broadcast %broadcast_in_dim3A_55 : vector<256x1xf32> to vector<256x8xf32>
    %sub3A_57 = arith.subf %add3A_53, %sub3A_56 : vector<256x8xf32>
    %exp3A = math.exp %sub3A_57 : vector<256x8xf32>
    %reduce_sum3A_58 = arith.constant dense<0.000000e+00> : vector<256xf32>
    %reduce_sum3A_59 = vector.multi_reduction <add>, %exp3A, %reduce_sum3A_58 [1] : vector<256x8xf32> to vector<256xf32>
    %broadcast_in_dim3A_60 = vector.shape_cast %reduce_sum3A_59 : vector<256xf32> to vector<256x1xf32>
    %div3A_61 = vector.broadcast %broadcast_in_dim3A_60 : vector<256x1xf32> to vector<256x8xf32>
    %div3A_62 = arith.divf %exp3A, %div3A_61 : vector<256x8xf32>
    %iota3A = tpu.iota {dimensions = array<i32: 1>} : vector<256x8xi32>
    %reduce_max3A_63 = arith.constant dense<0xFF800000> : vector<256xf32>
    %reduce_max3A_64 = vector.multi_reduction <maximumf>, %div3A_62, %reduce_max3A_63 [1] : vector<256x8xf32> to vector<256xf32>
    %broadcast_in_dim3A_65 = vector.shape_cast %reduce_max3A_64 : vector<256xf32> to vector<256x1xf32>
    %eq3A_66 = vector.broadcast %broadcast_in_dim3A_65 : vector<256x1xf32> to vector<256x8xf32>
    %eq3A_67 = arith.cmpf oeq, %div3A_62, %eq3A_66 : vector<256x8xf32>
    %jit3A = arith.constant 8 : i32
    %broadcast_in_dim3A_68 = vector.broadcast %jit3A : i32 to vector<256x8xi32>
    %select_n3A = arith.select %eq3A_67, %iota3A, %broadcast_in_dim3A_68 : vector<256x8xi1>, vector<256x8xi32>
    %reduce_min3A = arith.constant dense<2147483647> : vector<256xi32>
    %reduce_min3A_69 = vector.multi_reduction <minsi>, %select_n3A, %reduce_min3A [1] : vector<256x8xi32> to vector<256xi32>
    %broadcast_in_dim3A_70 = vector.shape_cast %reduce_min3A_69 : vector<256xi32> to vector<256x1xi32>
    %eq3A_71 = vector.broadcast %broadcast_in_dim3A_70 : vector<256x1xi32> to vector<256x8xi32>
    %eq3A_72 = arith.cmpi eq, %iota3A, %eq3A_71 : vector<256x8xi32>
    %jit3A_73 = arith.constant -1.000000e+00 : f32
    %broadcast_in_dim3A_74 = vector.broadcast %jit3A_73 : f32 to vector<256x8xf32>
    %select_n3A_75 = arith.select %eq3A_72, %broadcast_in_dim3A_74, %div3A_62 : vector<256x8xi1>, vector<256x8xf32>
    %reduce_max3A_76 = arith.constant dense<0xFF800000> : vector<256xf32>
    %reduce_max3A_77 = vector.multi_reduction <maximumf>, %select_n3A_75, %reduce_max3A_76 [1] : vector<256x8xf32> to vector<256xf32>
    %broadcast_in_dim3A_78 = vector.shape_cast %reduce_max3A_77 : vector<256xf32> to vector<256x1xf32>
    %eq3A_79 = vector.broadcast %broadcast_in_dim3A_78 : vector<256x1xf32> to vector<256x8xf32>
    %eq3A_80 = arith.cmpf oeq, %select_n3A_75, %eq3A_79 : vector<256x8xf32>
    %jit3A_81 = arith.constant 8 : i32
    %broadcast_in_dim3A_82 = vector.broadcast %jit3A_81 : i32 to vector<256x8xi32>
    %select_n3A_83 = arith.select %eq3A_80, %iota3A, %broadcast_in_dim3A_82 : vector<256x8xi1>, vector<256x8xi32>
    %reduce_min3A_84 = arith.constant dense<2147483647> : vector<256xi32>
    %reduce_min3A_85 = vector.multi_reduction <minsi>, %select_n3A_83, %reduce_min3A_84 [1] : vector<256x8xi32> to vector<256xi32>
    %broadcast_in_dim3A_86 = vector.shape_cast %reduce_min3A_85 : vector<256xi32> to vector<256x1xi32>
    %eq3A_87 = arith.constant 0 : i32
    %eq3A_88 = vector.broadcast %eq3A_87 : i32 to vector<256x8xi32>
    %eq3A_89 = arith.cmpi eq, %iota3A, %eq3A_88 : vector<256x8xi32>
    %eq3A_90 = arith.constant 1 : i32
    %eq3A_91 = vector.broadcast %eq3A_90 : i32 to vector<256x8xi32>
    %eq3A_92 = arith.cmpi eq, %iota3A, %eq3A_91 : vector<256x8xi32>
    %jit3A_93 = arith.constant 0 : i32
    %broadcast_in_dim3A_94 = vector.shape_cast %broadcast_in_dim3A_86 : vector<256x1xi32> to vector<256x1xi32>
    %broadcast_in_dim3A_95 = vector.broadcast %broadcast_in_dim3A_94 : vector<256x1xi32> to vector<256x8xi32>
    %broadcast_in_dim3A_96 = vector.broadcast %jit3A_93 : i32 to vector<256x8xi32>
    %select_n3A_97 = arith.select %eq3A_92, %broadcast_in_dim3A_95, %broadcast_in_dim3A_96 : vector<256x8xi1>, vector<256x8xi32>
    %broadcast_in_dim3A_98 = vector.shape_cast %broadcast_in_dim3A_70 : vector<256x1xi32> to vector<256x1xi32>
    %broadcast_in_dim3A_99 = vector.broadcast %broadcast_in_dim3A_98 : vector<256x1xi32> to vector<256x8xi32>
    %select_n3A_100 = arith.select %eq3A_89, %broadcast_in_dim3A_99, %select_n3A_97 : vector<256x8xi1>, vector<256x8xi32>
    %swap3A_101 = arith.constant 0 : index
    %swap3A_102 = arith.constant 0 : index
    %swap3A_103 = vector.load %arg10[%swap3A_101, %swap3A_102] : memref<256x8xi32, #tpu.memory_space<vmem>>, vector<256x8xi32>
    tpu.vector_store %arg10[%swap3A_101, %swap3A_102], %select_n3A_100 {strides = array<i32>} : memref<256x8xi32, #tpu.memory_space<vmem>>, vector<256x8xi32>,
    %eq3A_104 = arith.constant 0 : i32
    %eq3A_105 = vector.broadcast %eq3A_104 : i32 to vector<256x8xi32>
    %eq3A_106 = arith.cmpi eq, %iota3A, %eq3A_105 : vector<256x8xi32>
    %eq3A_107 = arith.constant 1 : i32
    %eq3A_108 = vector.broadcast %eq3A_107 : i32 to vector<256x8xi32>
    %eq3A_109 = arith.cmpi eq, %iota3A, %eq3A_108 : vector<256x8xi32>
    %jit3A_110 = arith.constant 0.000000e+00 : f32
    %broadcast_in_dim3A_111 = vector.shape_cast %broadcast_in_dim3A_78 : vector<256x1xf32> to vector<256x1xf32>
    %broadcast_in_dim3A_112 = vector.broadcast %broadcast_in_dim3A_111 : vector<256x1xf32> to vector<256x8xf32>
    %broadcast_in_dim3A_113 = vector.broadcast %jit3A_110 : f32 to vector<256x8xf32>
    %select_n3A_114 = arith.select %eq3A_109, %broadcast_in_dim3A_112, %broadcast_in_dim3A_113 : vector<256x8xi1>, vector<256x8xf32>
    %broadcast_in_dim3A_115 = vector.shape_cast %broadcast_in_dim3A_65 : vector<256x1xf32> to vector<256x1xf32>
    %broadcast_in_dim3A_116 = vector.broadcast %broadcast_in_dim3A_115 : vector<256x1xf32> to vector<256x8xf32>
    %select_n3A_117 = arith.select %eq3A_106, %broadcast_in_dim3A_116, %select_n3A_114 : vector<256x8xi1>, vector<256x8xf32>
    %swap3A_118 = arith.constant 0 : index
    %swap3A_119 = arith.constant 0 : index
    %swap3A_120 = vector.load %arg11[%swap3A_118, %swap3A_119] : memref<256x8xf32, #tpu.memory_space<vmem>>, vector<256x8xf32>
    tpu.vector_store %arg11[%swap3A_118, %swap3A_119], %select_n3A_117 {strides = array<i32>} : memref<256x8xf32, #tpu.memory_space<vmem>>, vector<256x8xf32>,
    %eq3A_121 = vector.broadcast %broadcast_in_dim3A_70 : vector<256x1xi32> to vector<256x8xi32>
    %eq3A_122 = arith.cmpi eq, %eq3A_121, %iota3A : vector<256x8xi32>
    %convert_element_type3A_123 = arith.extui %eq3A_122 : vector<256x8xi1> to vector<256x8xi32>
    %convert_element_type3A_124 = arith.sitofp %convert_element_type3A_123 : vector<256x8xi32> to vector<256x8xf32>
    %eq3A_125 = vector.broadcast %broadcast_in_dim3A_86 : vector<256x1xi32> to vector<256x8xi32>
    %eq3A_126 = arith.cmpi eq, %eq3A_125, %iota3A : vector<256x8xi32>
    %convert_element_type3A_127 = arith.extui %eq3A_126 : vector<256x8xi1> to vector<256x8xi32>
    %convert_element_type3A_128 = arith.sitofp %convert_element_type3A_127 : vector<256x8xi32> to vector<256x8xf32>
    %add3A_129 = arith.addf %convert_element_type3A_124, %convert_element_type3A_128 : vector<256x8xf32>
    %iota3A_130 = tpu.iota {dimensions = array<i32: 0>} : vector<256x256xi32>
    %iota3A_131 = tpu.iota {dimensions = array<i32: 1>} : vector<256x256xi32>
    %gt3A = arith.cmpi sgt, %iota3A_130, %iota3A_131 : vector<256x256xi32>
    %convert_element_type3A_132 = arith.extui %gt3A : vector<256x256xi1> to vector<256x256xi32>
    %convert_element_type3A_133 = arith.sitofp %convert_element_type3A_132 : vector<256x256xi32> to vector<256x256xf32>
    %dot_general3A_134 = arith.constant dense<0.000000e+00> : vector<256x8xf32>
    %dot_general3A_135 = tpu.matmul %convert_element_type3A_133, %add3A_129, %dot_general3A_134 {dimension_numbers = #tpu.dot_dimension_numbers<[1], [0], [0], [1], [0, 0, 1, 1], [], []>, transpose_lhs_hint = false} : vector<256x256xf32>, vector<256x8xf32>, vector<256x8xf32> -> vector<256x8xf32>
    %get3A_136 = arith.constant 0 : index
    %get3A_137 = arith.constant 0 : index
    %get3A_138 = vector.load %arg15[%get3A_136, %get3A_137] : memref<1x8xf32, #tpu.memory_space<vmem>>, vector<1x8xf32>
    %add3A_139 = vector.broadcast %get3A_138 : vector<1x8xf32> to vector<256x8xf32>
    %add3A_140 = arith.addf %add3A_139, %dot_general3A_135 : vector<256x8xf32>
    %mul3A_141 = arith.mulf %convert_element_type3A_124, %add3A_140 : vector<256x8xf32>
    %reduce_sum3A_142 = arith.constant dense<0.000000e+00> : vector<256xf32>
    %reduce_sum3A_143 = vector.multi_reduction <add>, %mul3A_141, %reduce_sum3A_142 [1] : vector<256x8xf32> to vector<256xf32>
    %broadcast_in_dim3A_144 = vector.shape_cast %reduce_sum3A_143 : vector<256xf32> to vector<256x1xf32>
    %mul3A_145 = arith.mulf %convert_element_type3A_128, %add3A_140 : vector<256x8xf32>
    %reduce_sum3A_146 = arith.constant dense<0.000000e+00> : vector<256xf32>
    %reduce_sum3A_147 = vector.multi_reduction <add>, %mul3A_145, %reduce_sum3A_146 [1] : vector<256x8xf32> to vector<256xf32>
    %broadcast_in_dim3A_148 = vector.shape_cast %reduce_sum3A_147 : vector<256xf32> to vector<256x1xf32>
    %eq3A_149 = arith.constant 0 : i32
    %eq3A_150 = vector.broadcast %eq3A_149 : i32 to vector<256x8xi32>
    %eq3A_151 = arith.cmpi eq, %iota3A, %eq3A_150 : vector<256x8xi32>
    %eq3A_152 = arith.constant 1 : i32
    %eq3A_153 = vector.broadcast %eq3A_152 : i32 to vector<256x8xi32>
    %eq3A_154 = arith.cmpi eq, %iota3A, %eq3A_153 : vector<256x8xi32>
    %jit3A_155 = arith.constant 0.000000e+00 : f32
    %broadcast_in_dim3A_156 = vector.shape_cast %broadcast_in_dim3A_148 : vector<256x1xf32> to vector<256x1xf32>
    %broadcast_in_dim3A_157 = vector.broadcast %broadcast_in_dim3A_156 : vector<256x1xf32> to vector<256x8xf32>
    %broadcast_in_dim3A_158 = vector.broadcast %jit3A_155 : f32 to vector<256x8xf32>
    %select_n3A_159 = arith.select %eq3A_154, %broadcast_in_dim3A_157, %broadcast_in_dim3A_158 : vector<256x8xi1>, vector<256x8xf32>
    %broadcast_in_dim3A_160 = vector.shape_cast %broadcast_in_dim3A_144 : vector<256x1xf32> to vector<256x1xf32>
    %broadcast_in_dim3A_161 = vector.broadcast %broadcast_in_dim3A_160 : vector<256x1xf32> to vector<256x8xf32>
    %select_n3A_162 = arith.select %eq3A_151, %broadcast_in_dim3A_161, %select_n3A_159 : vector<256x8xi1>, vector<256x8xf32>
    %swap3A_163 = arith.constant 0 : index
    %swap3A_164 = arith.constant 0 : index
    %swap3A_165 = vector.load %arg12[%swap3A_163, %swap3A_164] : memref<256x8xf32, #tpu.memory_space<vmem>>, vector<256x8xf32>
    tpu.vector_store %arg12[%swap3A_163, %swap3A_164], %select_n3A_162 {strides = array<i32>} : memref<256x8xf32, #tpu.memory_space<vmem>>, vector<256x8xf32>,
    %get3A_166 = arith.constant 0 : index
    %get3A_167 = arith.constant 0 : index
    %get3A_168 = vector.load %arg15[%get3A_166, %get3A_167] : memref<1x8xf32, #tpu.memory_space<vmem>>, vector<1x8xf32>
    %reduce_sum3A_169 = arith.constant dense<0.000000e+00> : vector<8xf32>
    %reduce_sum3A_170 = vector.multi_reduction <add>, %add3A_129, %reduce_sum3A_169 [0] : vector<256x8xf32> to vector<8xf32>
    %broadcast_in_dim3A_171 = vector.shape_cast %reduce_sum3A_170 : vector<8xf32> to vector<1x8xf32>
    %add3A_172 = arith.addf %get3A_168, %broadcast_in_dim3A_171 : vector<1x8xf32>
    %swap3A_173 = arith.constant 0 : index
    %swap3A_174 = arith.constant 0 : index
    %swap3A_175 = vector.load %arg15[%swap3A_173, %swap3A_174] : memref<1x8xf32, #tpu.memory_space<vmem>>, vector<1x8xf32>
    tpu.vector_store %arg15[%swap3A_173, %swap3A_174], %add3A_172 {strides = array<i32>} : memref<1x8xf32, #tpu.memory_space<vmem>>, vector<1x8xf32>,
    %get3A_176 = arith.constant 0 : index
    %get3A_177 = arith.constant 0 : index
    %get3A_178 = vector.load %arg15[%get3A_176, %get3A_177] : memref<1x8xf32, #tpu.memory_space<vmem>>, vector<1x8xf32>
    %swap3A_179 = arith.constant 0 : index
    %swap3A_180 = arith.constant 0 : index
    %swap3A_181 = vector.load %arg13[%swap3A_179, %swap3A_180] : memref<1x8xf32, #tpu.memory_space<vmem>>, vector<1x8xf32>
    tpu.vector_store %arg13[%swap3A_179, %swap3A_180], %get3A_178 {strides = array<i32>} : memref<1x8xf32, #tpu.memory_space<vmem>>, vector<1x8xf32>,
    return
  }
  func.func @transform_0(%arg0: i32) -> (i32, i32, i32) {
    %c0_i32 = arith.constant 0 : i32
    %c0_i32_0 = arith.constant 0 : i32
    %c0_i32_1 = arith.constant 0 : i32
    return %c0_i32, %arg0, %c0_i32_0 : i32, i32, i32
  }
  func.func @transform_1(%arg0: i32) -> (i32, i32) {
    %c0_i32 = arith.constant 0 : i32
    %c0_i32_0 = arith.constant 0 : i32
    return %arg0, %c0_i32 : i32, i32
  }
  func.func @transform_2(%arg0: i32) -> (i32, i32) {
    %c0_i32 = arith.constant 0 : i32
    %c0_i32_0 = arith.constant 0 : i32
    %c0_i32_1 = arith.constant 0 : i32
    return %c0_i32, %c0_i32_0 : i32, i32
  }
  func.func @transform_3(%arg0: i32) -> (i32, i32) {
    %c0_i32 = arith.constant 0 : i32
    %c0_i32_0 = arith.constant 0 : i32
    %c0_i32_1 = arith.constant 0 : i32
    return %c0_i32, %c0_i32_0 : i32, i32
  }
  func.func @transform_4(%arg0: i32) -> (i32, i32) {
    %c0_i32 = arith.constant 0 : i32
    %c0_i32_0 = arith.constant 0 : i32
    %c0_i32_1 = arith.constant 0 : i32
    return %c0_i32, %c0_i32_0 : i32, i32
  }
  func.func @transform_5(%arg0: i32) -> (i32, i32) {
    %c0_i32 = arith.constant 0 : i32
    %c0_i32_0 = arith.constant 0 : i32
    %c0_i32_1 = arith.constant 0 : i32
    return %c0_i32, %c0_i32_0 : i32, i32
  }
  func.func @transform_6(%arg0: i32) -> (i32, i32) {
    %c0_i32 = arith.constant 0 : i32
    %c0_i32_0 = arith.constant 0 : i32
    %c0_i32_1 = arith.constant 0 : i32
    return %c0_i32, %c0_i32_0 : i32, i32
  }
  func.func @transform_7(%arg0: i32) -> (i32, i32) {
    %c0_i32 = arith.constant 0 : i32
    %c0_i32_0 = arith.constant 0 : i32
    %c0_i32_1 = arith.constant 0 : i32
    return %c0_i32, %c0_i32_0 : i32, i32
  }
  func.func @transform_8(%arg0: i32) -> (i32, i32) {
    %c0_i32 = arith.constant 0 : i32
    %c0_i32_0 = arith.constant 0 : i32
    return %arg0, %c0_i32 : i32, i32
  }
  func.func @transform_9(%arg0: i32) -> (i32, i32) {
    %c0_i32 = arith.constant 0 : i32
    %c0_i32_0 = arith.constant 0 : i32
    return %arg0, %c0_i32 : i32, i32
  }
  func.func @transform_10(%arg0: i32) -> (i32, i32) {
    %c0_i32 = arith.constant 0 : i32
    %c0_i32_0 = arith.constant 0 : i32
    return %arg0, %c0_i32 : i32, i32
  }
  func.func @transform_11(%arg0: i32) -> (i32, i32) {
    %c0_i32 = arith.constant 0 : i32
    %c0_i32_0 = arith.constant 0 : i32
    return %arg0, %c0_i32 : i32, i32
  }
  func.func @transform_12(%arg0: i32) -> (i32, i32) {
    %c0_i32 = arith.constant 0 : i32
    %c0_i32_0 = arith.constant 0 : i32
    %c0_i32_1 = arith.constant 0 : i32
    return %c0_i32, %c0_i32_0 : i32, i32
  }
}

module attributes {stable_mosaic.version = 14 : i64} {
  func.func @_attn_body(%arg0: i32, %arg1: i32, %arg2: memref<1x64x2048xbf16, #tpu.memory_space<vmem>>, %arg3: memref<1x64x2048xbf16, #tpu.memory_space<vmem>>, %arg4: memref<1x64x2048xbf16, #tpu.memory_space<vmem>>, %arg5: memref<1x2048x64xbf16, #tpu.memory_space<vmem>>) attributes {dimension_semantics = [#tpu.dimension_semantics<arbitrary>, #tpu.dimension_semantics<arbitrary>], iteration_bounds = array<i64: 12, 1>, scalar_prefetch = 0 : i64, scratch_operands = 0 : i64, tpu.core_type = #tpu.core_type<tc>, window_params = [{transform_indices = @transform_0, window_bounds = array<i64: 1, 64, 2048>}, {transform_indices = @transform_1, window_bounds = array<i64: 1, 64, 2048>}, {transform_indices = @transform_2, window_bounds = array<i64: 1, 64, 2048>}, {transform_indices = @transform_3, window_bounds = array<i64: 1, 2048, 64>}]} {
    %get3A = arith.constant 0 : index
    %get3A_0 = arith.constant 0 : index
    %get3A_1 = arith.constant 0 : index
    %get3A_2 = vector.load %arg2[%get3A, %get3A_0, %get3A_1] : memref<1x64x2048xbf16, #tpu.memory_space<vmem>>, vector<1x64x2048xbf16>
    %get3A_3 = vector.shape_cast %get3A_2 : vector<1x64x2048xbf16> to vector<64x2048xbf16>
    %get3A_4 = arith.constant 0 : index
    %get3A_5 = arith.constant 0 : index
    %get3A_6 = arith.constant 0 : index
    %get3A_7 = vector.load %arg3[%get3A_4, %get3A_5, %get3A_6] : memref<1x64x2048xbf16, #tpu.memory_space<vmem>>, vector<1x64x2048xbf16>
    %get3A_8 = vector.shape_cast %get3A_7 : vector<1x64x2048xbf16> to vector<64x2048xbf16>
    %dot_general3A = arith.constant dense<0.000000e+00> : vector<2048x2048xf32>
    %dot_general3A_9 = tpu.matmul %get3A_3, %get3A_8, %dot_general3A {dimension_numbers = #tpu.dot_dimension_numbers<[0], [0], [1], [1], [0, 1, 1, 1], [], []>, transpose_lhs_hint = false} : vector<64x2048xbf16>, vector<64x2048xbf16>, vector<2048x2048xf32> -> vector<2048x2048xf32>
    %reduce_max3A = arith.constant dense<0xFF800000> : vector<2048xf32>
    %reduce_max3A_10 = vector.multi_reduction <maximumf>, %dot_general3A_9, %reduce_max3A [1] : vector<2048x2048xf32> to vector<2048xf32>
    %broadcast_in_dim3A = vector.shape_cast %reduce_max3A_10 : vector<2048xf32> to vector<2048x1xf32>
    %sub3A = vector.broadcast %broadcast_in_dim3A : vector<2048x1xf32> to vector<2048x2048xf32>
    %sub3A_11 = arith.subf %dot_general3A_9, %sub3A : vector<2048x2048xf32>
    %exp3A = math.exp %sub3A_11 : vector<2048x2048xf32>
    %reduce_sum3A = arith.constant dense<0.000000e+00> : vector<2048xf32>
    %reduce_sum3A_12 = vector.multi_reduction <add>, %exp3A, %reduce_sum3A [1] : vector<2048x2048xf32> to vector<2048xf32>
    %broadcast_in_dim3A_13 = vector.shape_cast %reduce_sum3A_12 : vector<2048xf32> to vector<2048x1xf32>
    %convert_element_type3A = arith.truncf %exp3A : vector<2048x2048xf32> to vector<2048x2048xbf16>
    %get3A_14 = arith.constant 0 : index
    %get3A_15 = arith.constant 0 : index
    %get3A_16 = arith.constant 0 : index
    %get3A_17 = vector.load %arg4[%get3A_14, %get3A_15, %get3A_16] : memref<1x64x2048xbf16, #tpu.memory_space<vmem>>, vector<1x64x2048xbf16>
    %get3A_18 = vector.shape_cast %get3A_17 : vector<1x64x2048xbf16> to vector<64x2048xbf16>
    %dot_general3A_19 = arith.constant dense<0.000000e+00> : vector<2048x64xf32>
    %dot_general3A_20 = tpu.matmul %convert_element_type3A, %get3A_18, %dot_general3A_19 {dimension_numbers = #tpu.dot_dimension_numbers<[1], [1], [0], [0], [0, 0, 1, 0], [], []>, transpose_lhs_hint = false} : vector<2048x2048xbf16>, vector<64x2048xbf16>, vector<2048x64xf32> -> vector<2048x64xf32>
    %div3A = arith.constant 1.000000e+00 : f32
    %div3A_21 = vector.broadcast %div3A : f32 to vector<2048x1xf32>
    %div3A_22 = arith.divf %div3A_21, %broadcast_in_dim3A_13 : vector<2048x1xf32>
    %mul3A = vector.broadcast %div3A_22 : vector<2048x1xf32> to vector<2048x64xf32>
    %mul3A_23 = arith.mulf %dot_general3A_20, %mul3A : vector<2048x64xf32>
    %convert_element_type3A_24 = arith.truncf %mul3A_23 : vector<2048x64xf32> to vector<2048x64xbf16>
    %swap3A = arith.constant 0 : index
    %swap3A_25 = arith.constant 0 : index
    %swap3A_26 = arith.constant 0 : index
    %swap3A_27 = vector.load %arg5[%swap3A, %swap3A_25, %swap3A_26] : memref<1x2048x64xbf16, #tpu.memory_space<vmem>>, vector<1x2048x64xbf16>
    %swap3A_28 = vector.shape_cast %swap3A_27 : vector<1x2048x64xbf16> to vector<2048x64xbf16>
    %swap3A_29 = vector.shape_cast %convert_element_type3A_24 : vector<2048x64xbf16> to vector<1x2048x64xbf16>
    tpu.vector_store %arg5[%swap3A, %swap3A_25, %swap3A_26], %swap3A_29 {strides = array<i32>} : memref<1x2048x64xbf16, #tpu.memory_space<vmem>>, vector<1x2048x64xbf16>,
    return
  }
  func.func @transform_0(%arg0: i32, %arg1: i32) -> (i32, i32, i32) {
    %c0_i32 = arith.constant 0 : i32
    %c0_i32_0 = arith.constant 0 : i32
    return %arg0, %c0_i32, %arg1 : i32, i32, i32
  }
  func.func @transform_1(%arg0: i32, %arg1: i32) -> (i32, i32, i32) {
    %add3A = arith.constant 12 : i32
    %add3A_0 = arith.addi %add3A, %arg0 : i32
    %c0_i32 = arith.constant 0 : i32
    %c0_i32_1 = arith.constant 0 : i32
    %c0_i32_2 = arith.constant 0 : i32
    return %add3A_0, %c0_i32, %c0_i32_1 : i32, i32, i32
  }
  func.func @transform_2(%arg0: i32, %arg1: i32) -> (i32, i32, i32) {
    %add3A = arith.constant 24 : i32
    %add3A_0 = arith.addi %add3A, %arg0 : i32
    %c0_i32 = arith.constant 0 : i32
    %c0_i32_1 = arith.constant 0 : i32
    %c0_i32_2 = arith.constant 0 : i32
    return %add3A_0, %c0_i32, %c0_i32_1 : i32, i32, i32
  }
  func.func @transform_3(%arg0: i32, %arg1: i32) -> (i32, i32, i32) {
    %c0_i32 = arith.constant 0 : i32
    %c0_i32_0 = arith.constant 0 : i32
    return %arg0, %arg1, %c0_i32 : i32, i32, i32
  }
}

module attributes {stable_mosaic.version = 14 : i64} {
  func.func @_qkv_body(%arg0: i32, %arg1: memref<256x768xf32, #tpu.memory_space<vmem>>, %arg2: memref<2304x768xf32, #tpu.memory_space<vmem>>, %arg3: memref<2304x1xf32, #tpu.memory_space<vmem>>, %arg4: memref<36x64x256xbf16, #tpu.memory_space<vmem>>, %arg5: memref<2304x768xbf16, #tpu.memory_space<vmem>>) attributes {dimension_semantics = [#tpu.dimension_semantics<arbitrary>], iteration_bounds = array<i64: 8>, scalar_prefetch = 0 : i64, scratch_operands = 1 : i64, tpu.core_type = #tpu.core_type<tc>, window_params = [{transform_indices = @transform_0, window_bounds = array<i64: 256, 768>}, {pipeline_mode = #tpu.pipeline_mode<synchronous>, transform_indices = @transform_1, window_bounds = array<i64: 2304, 768>}, {pipeline_mode = #tpu.pipeline_mode<synchronous>, transform_indices = @transform_2, window_bounds = array<i64: 2304, 1>}, {transform_indices = @transform_3, window_bounds = array<i64: 36, 64, 256>}]} {
    %eq3A = arith.constant 0 : i32
    %eq3A_0 = arith.cmpi eq, %arg0, %eq3A : i32
    %convert_element_type3A = arith.extui %eq3A_0 : i1 to i32
    %cond3A = arith.constant 0 : i32
    %cond3A_1 = arith.cmpi ne, %convert_element_type3A, %cond3A : i32
    scf.if %cond3A_1 {
      %get3A_22 = arith.constant 0 : index
      %get3A_23 = arith.constant 0 : index
      %get3A_24 = vector.load %arg2[%get3A_22, %get3A_23] : memref<2304x768xf32, #tpu.memory_space<vmem>>, vector<2304x768xf32>
      %convert_element_type3A_25 = arith.truncf %get3A_24 : vector<2304x768xf32> to vector<2304x768xbf16>
      %swap3A_26 = arith.constant 0 : index
      %swap3A_27 = arith.constant 0 : index
      %swap3A_28 = vector.load %arg5[%swap3A_26, %swap3A_27] : memref<2304x768xbf16, #tpu.memory_space<vmem>>, vector<2304x768xbf16>
      tpu.vector_store %arg5[%swap3A_26, %swap3A_27], %convert_element_type3A_25 {strides = array<i32>} : memref<2304x768xbf16, #tpu.memory_space<vmem>>, vector<2304x768xbf16>,
    } else {
    }
    %get3A = arith.constant 0 : index
    %get3A_2 = arith.constant 0 : index
    %get3A_3 = vector.load %arg1[%get3A, %get3A_2] : memref<256x768xf32, #tpu.memory_space<vmem>>, vector<256x768xf32>
    %convert_element_type3A_4 = arith.truncf %get3A_3 : vector<256x768xf32> to vector<256x768xbf16>
    %get3A_5 = arith.constant 0 : index
    %get3A_6 = arith.constant 0 : index
    %get3A_7 = vector.load %arg5[%get3A_5, %get3A_6] : memref<2304x768xbf16, #tpu.memory_space<vmem>>, vector<2304x768xbf16>
    %dot_general3A = arith.constant dense<0.000000e+00> : vector<2304x256xf32>
    %dot_general3A_8 = tpu.matmul %get3A_7, %convert_element_type3A_4, %dot_general3A {dimension_numbers = #tpu.dot_dimension_numbers<[1], [1], [0], [0], [0, 0, 1, 0], [], []>, transpose_lhs_hint = false} : vector<2304x768xbf16>, vector<256x768xbf16>, vector<2304x256xf32> -> vector<2304x256xf32>
    %get3A_9 = arith.constant 0 : index
    %get3A_10 = arith.constant 0 : index
    %get3A_11 = vector.load %arg3[%get3A_9, %get3A_10] : memref<2304x1xf32, #tpu.memory_space<vmem>>, vector<2304x1xf32>
    %add3A = vector.broadcast %get3A_11 : vector<2304x1xf32> to vector<2304x256xf32>
    %add3A_12 = arith.addf %dot_general3A_8, %add3A : vector<2304x256xf32>
    %iota3A = tpu.iota {dimensions = array<i32: 0>} : vector<2304x1xi32>
    %lt3A = arith.constant 768 : i32
    %lt3A_13 = vector.broadcast %lt3A : i32 to vector<2304x1xi32>
    %lt3A_14 = arith.cmpi slt, %iota3A, %lt3A_13 : vector<2304x1xi32>
    %jit3A = arith.constant 1.250000e-01 : f32
    %jit3A_15 = arith.constant 1.000000e+00 : f32
    %broadcast_in_dim3A = vector.broadcast %jit3A : f32 to vector<2304x1xf32>
    %broadcast_in_dim3A_16 = vector.broadcast %jit3A_15 : f32 to vector<2304x1xf32>
    %select_n3A = arith.select %lt3A_14, %broadcast_in_dim3A, %broadcast_in_dim3A_16 : vector<2304x1xi1>, vector<2304x1xf32>
    %mul3A = vector.broadcast %select_n3A : vector<2304x1xf32> to vector<2304x256xf32>
    %mul3A_17 = arith.mulf %add3A_12, %mul3A : vector<2304x256xf32>
    %convert_element_type3A_18 = arith.truncf %mul3A_17 : vector<2304x256xf32> to vector<2304x256xbf16>
    %reshape3A = vector.shape_cast %convert_element_type3A_18 : vector<2304x256xbf16> to vector<36x64x256xbf16>
    %swap3A = arith.constant 0 : index
    %swap3A_19 = arith.constant 0 : index
    %swap3A_20 = arith.constant 0 : index
    %swap3A_21 = vector.load %arg4[%swap3A, %swap3A_19, %swap3A_20] : memref<36x64x256xbf16, #tpu.memory_space<vmem>>, vector<36x64x256xbf16>
    tpu.vector_store %arg4[%swap3A, %swap3A_19, %swap3A_20], %reshape3A {strides = array<i32>} : memref<36x64x256xbf16, #tpu.memory_space<vmem>>, vector<36x64x256xbf16>,
    return
  }
  func.func @transform_0(%arg0: i32) -> (i32, i32) {
    %c0_i32 = arith.constant 0 : i32
    %c0_i32_0 = arith.constant 0 : i32
    return %arg0, %c0_i32 : i32, i32
  }
  func.func @transform_1(%arg0: i32) -> (i32, i32) {
    %c0_i32 = arith.constant 0 : i32
    %c0_i32_0 = arith.constant 0 : i32
    %c0_i32_1 = arith.constant 0 : i32
    return %c0_i32, %c0_i32_0 : i32, i32
  }
  func.func @transform_2(%arg0: i32) -> (i32, i32) {
    %c0_i32 = arith.constant 0 : i32
    %c0_i32_0 = arith.constant 0 : i32
    %c0_i32_1 = arith.constant 0 : i32
    return %c0_i32, %c0_i32_0 : i32, i32
  }
  func.func @transform_3(%arg0: i32) -> (i32, i32, i32) {
    %c0_i32 = arith.constant 0 : i32
    %c0_i32_0 = arith.constant 0 : i32
    %c0_i32_1 = arith.constant 0 : i32
    return %c0_i32, %c0_i32_0, %arg0 : i32, i32, i32
  }
}

module attributes {stable_mosaic.version = 14 : i64} {
  func.func @_slots_body(%arg0: i32, %arg1: memref<256x8xf32, #tpu.memory_space<vmem>>, %arg2: memref<256x8xi32, #tpu.memory_space<vmem>>, %arg3: memref<1x8xf32, #tpu.memory_space<vmem>>, %arg4: memref<8x1xf32, #tpu.memory_space<vmem>>, %arg5: memref<2x256xi32, #tpu.memory_space<vmem>>, %arg6: memref<8x24xi32, #tpu.memory_space<vmem>>) attributes {dimension_semantics = [#tpu.dimension_semantics<arbitrary>], iteration_bounds = array<i64: 8>, scalar_prefetch = 0 : i64, scratch_operands = 0 : i64, tpu.core_type = #tpu.core_type<tc>, window_params = [{transform_indices = @transform_0, window_bounds = array<i64: 256, 8>}, {transform_indices = @transform_1, window_bounds = array<i64: 256, 8>}, {pipeline_mode = #tpu.pipeline_mode<synchronous>, transform_indices = @transform_2, window_bounds = array<i64: 1, 8>}, {pipeline_mode = #tpu.pipeline_mode<synchronous>, transform_indices = @transform_3, window_bounds = array<i64: 8, 1>}, {transform_indices = @transform_4, window_bounds = array<i64: 2, 256>}, {pipeline_mode = #tpu.pipeline_mode<synchronous>, transform_indices = @transform_5, window_bounds = array<i64: 8, 24>}]} {
    %get3A = arith.constant 0 : index
    %get3A_0 = arith.constant 0 : index
    %get3A_1 = vector.load %arg3[%get3A, %get3A_0] : memref<1x8xf32, #tpu.memory_space<vmem>>, vector<1x8xf32>
    %add3A = arith.constant 2.550000e+02 : f32
    %add3A_2 = vector.broadcast %add3A : f32 to vector<1x8xf32>
    %add3A_3 = arith.addf %get3A_1, %add3A_2 : vector<1x8xf32>
    %mul3A = arith.constant 3.906250e-03 : f32
    %mul3A_4 = vector.broadcast %mul3A : f32 to vector<1x8xf32>
    %mul3A_5 = arith.mulf %add3A_3, %mul3A_4 : vector<1x8xf32>
    %floor3A = math.floor %mul3A_5 : vector<1x8xf32>
    %mul3A_6 = arith.constant 2.560000e+02 : f32
    %mul3A_7 = vector.broadcast %mul3A_6 : f32 to vector<1x8xf32>
    %mul3A_8 = arith.mulf %floor3A, %mul3A_7 : vector<1x8xf32>
    %iota3A = tpu.iota {dimensions = array<i32: 0>} : vector<8x8xi32>
    %iota3A_9 = tpu.iota {dimensions = array<i32: 1>} : vector<8x8xi32>
    %lt3A = arith.cmpi slt, %iota3A, %iota3A_9 : vector<8x8xi32>
    %convert_element_type3A = arith.extui %lt3A : vector<8x8xi1> to vector<8x8xi32>
    %convert_element_type3A_10 = arith.sitofp %convert_element_type3A : vector<8x8xi32> to vector<8x8xf32>
    %dot_general3A = arith.constant dense<0.000000e+00> : vector<1x8xf32>
    %dot_general3A_11 = tpu.matmul %mul3A_8, %convert_element_type3A_10, %dot_general3A {dimension_numbers = #tpu.dot_dimension_numbers<[1], [0], [0], [1], [0, 0, 1, 1], [], []>, transpose_lhs_hint = false} : vector<1x8xf32>, vector<8x8xf32>, vector<1x8xf32> -> vector<1x8xf32>
    %add3A_12 = arith.addf %dot_general3A_11, %mul3A_8 : vector<1x8xf32>
    %iota3A_13 = tpu.iota {dimensions = array<i32: 1>} : vector<256x8xi32>
    %get3A_14 = arith.constant 0 : index
    %get3A_15 = arith.constant 0 : index
    %get3A_16 = vector.load %arg2[%get3A_14, %get3A_15] : memref<256x8xi32, #tpu.memory_space<vmem>>, vector<256x1xi32>
    %eq3A = vector.broadcast %get3A_16 : vector<256x1xi32> to vector<256x8xi32>
    %eq3A_17 = arith.cmpi eq, %eq3A, %iota3A_13 : vector<256x8xi32>
    %convert_element_type3A_18 = arith.extui %eq3A_17 : vector<256x8xi1> to vector<256x8xi32>
    %convert_element_type3A_19 = arith.sitofp %convert_element_type3A_18 : vector<256x8xi32> to vector<256x8xf32>
    %get3A_20 = arith.constant 0 : index
    %get3A_21 = arith.constant 1 : index
    %get3A_22 = vector.load %arg2[%get3A_20, %get3A_21] : memref<256x8xi32, #tpu.memory_space<vmem>>, vector<256x1xi32>
    %eq3A_23 = vector.broadcast %get3A_22 : vector<256x1xi32> to vector<256x8xi32>
    %eq3A_24 = arith.cmpi eq, %eq3A_23, %iota3A_13 : vector<256x8xi32>
    %convert_element_type3A_25 = arith.extui %eq3A_24 : vector<256x8xi1> to vector<256x8xi32>
    %convert_element_type3A_26 = arith.sitofp %convert_element_type3A_25 : vector<256x8xi32> to vector<256x8xf32>
    %get3A_27 = arith.constant 0 : index
    %get3A_28 = arith.constant 0 : index
    %get3A_29 = vector.load %arg1[%get3A_27, %get3A_28] : memref<256x8xf32, #tpu.memory_space<vmem>>, vector<256x1xf32>
    %mul3A_30 = vector.broadcast %dot_general3A_11 : vector<1x8xf32> to vector<256x8xf32>
    %mul3A_31 = arith.mulf %convert_element_type3A_19, %mul3A_30 : vector<256x8xf32>
    %reduce_sum3A = arith.constant dense<0.000000e+00> : vector<256xf32>
    %reduce_sum3A_32 = vector.multi_reduction <add>, %mul3A_31, %reduce_sum3A [1] : vector<256x8xf32> to vector<256xf32>
    %broadcast_in_dim3A = vector.shape_cast %reduce_sum3A_32 : vector<256xf32> to vector<256x1xf32>
    %add3A_33 = arith.addf %get3A_29, %broadcast_in_dim3A : vector<256x1xf32>
    %get3A_34 = arith.constant 0 : index
    %get3A_35 = arith.constant 1 : index
    %get3A_36 = vector.load %arg1[%get3A_34, %get3A_35] : memref<256x8xf32, #tpu.memory_space<vmem>>, vector<256x1xf32>
    %mul3A_37 = vector.broadcast %dot_general3A_11 : vector<1x8xf32> to vector<256x8xf32>
    %mul3A_38 = arith.mulf %convert_element_type3A_26, %mul3A_37 : vector<256x8xf32>
    %reduce_sum3A_39 = arith.constant dense<0.000000e+00> : vector<256xf32>
    %reduce_sum3A_40 = vector.multi_reduction <add>, %mul3A_38, %reduce_sum3A_39 [1] : vector<256x8xf32> to vector<256xf32>
    %broadcast_in_dim3A_41 = vector.shape_cast %reduce_sum3A_40 : vector<256xf32> to vector<256x1xf32>
    %add3A_42 = arith.addf %get3A_36, %broadcast_in_dim3A_41 : vector<256x1xf32>
    %iota3A_43 = tpu.iota {dimensions = array<i32: 0>} : vector<2x256xi32>
    %eq3A_44 = arith.constant 0 : i32
    %eq3A_45 = vector.broadcast %eq3A_44 : i32 to vector<2x256xi32>
    %eq3A_46 = arith.cmpi eq, %iota3A_43, %eq3A_45 : vector<2x256xi32>
    %reshape3A = vector.shape_cast %add3A_33 : vector<256x1xf32> to vector<1x256xf32>
    %reshape3A_47 = vector.shape_cast %add3A_42 : vector<256x1xf32> to vector<1x256xf32>
    %broadcast_in_dim3A_48 = vector.shape_cast %reshape3A : vector<1x256xf32> to vector<1x256xf32>
    %broadcast_in_dim3A_49 = vector.broadcast %broadcast_in_dim3A_48 : vector<1x256xf32> to vector<2x256xf32>
    %broadcast_in_dim3A_50 = vector.shape_cast %reshape3A_47 : vector<1x256xf32> to vector<1x256xf32>
    %broadcast_in_dim3A_51 = vector.broadcast %broadcast_in_dim3A_50 : vector<1x256xf32> to vector<2x256xf32>
    %select_n3A = arith.select %eq3A_46, %broadcast_in_dim3A_49, %broadcast_in_dim3A_51 : vector<2x256xi1>, vector<2x256xf32>
    %convert_element_type3A_52 = arith.fptosi %select_n3A : vector<2x256xf32> to vector<2x256xi32>
    %swap3A = arith.constant 0 : index
    %swap3A_53 = arith.constant 0 : index
    %swap3A_54 = vector.load %arg5[%swap3A, %swap3A_53] : memref<2x256xi32, #tpu.memory_space<vmem>>, vector<2x256xi32>
    tpu.vector_store %arg5[%swap3A, %swap3A_53], %convert_element_type3A_52 {strides = array<i32>} : memref<2x256xi32, #tpu.memory_space<vmem>>, vector<2x256xi32>,
    %iota3A_55 = tpu.iota {dimensions = array<i32: 0>} : vector<24x8xi32>
    %mul3A_56 = arith.constant 256 : i32
    %mul3A_57 = vector.broadcast %mul3A_56 : i32 to vector<24x8xi32>
    %mul3A_58 = arith.muli %iota3A_55, %mul3A_57 : vector<24x8xi32>
    %convert_element_type3A_59 = arith.sitofp %mul3A_58 : vector<24x8xi32> to vector<24x8xf32>
    %ge3A = vector.broadcast %add3A_12 : vector<1x8xf32> to vector<24x8xf32>
    %ge3A_60 = arith.cmpf oge, %convert_element_type3A_59, %ge3A : vector<24x8xf32>
    %convert_element_type3A_61 = arith.extui %ge3A_60 : vector<24x8xi1> to vector<24x8xi32>
    %convert_element_type3A_62 = arith.sitofp %convert_element_type3A_61 : vector<24x8xi32> to vector<24x8xf32>
    %reduce_sum3A_63 = arith.constant dense<0.000000e+00> : vector<24xf32>
    %reduce_sum3A_64 = vector.multi_reduction <add>, %convert_element_type3A_62, %reduce_sum3A_63 [1] : vector<24x8xf32> to vector<24xf32>
    %min3A = arith.constant 7.000000e+00 : f32
    %min3A_65 = vector.broadcast %min3A : f32 to vector<24xf32>
    %min3A_66 = arith.minimumf %reduce_sum3A_64, %min3A_65 : vector<24xf32>
    %broadcast_in_dim3A_67 = vector.shape_cast %min3A_66 : vector<24xf32> to vector<1x24xf32>
    %iota3A_68 = tpu.iota {dimensions = array<i32: 0>} : vector<24x24xi32>
    %iota3A_69 = tpu.iota {dimensions = array<i32: 1>} : vector<24x24xi32>
    %sub3A = arith.constant 1 : i32
    %sub3A_70 = vector.broadcast %sub3A : i32 to vector<24x24xi32>
    %sub3A_71 = arith.subi %iota3A_69, %sub3A_70 : vector<24x24xi32>
    %eq3A_72 = arith.cmpi eq, %iota3A_68, %sub3A_71 : vector<24x24xi32>
    %convert_element_type3A_73 = arith.extui %eq3A_72 : vector<24x24xi1> to vector<24x24xi32>
    %convert_element_type3A_74 = arith.sitofp %convert_element_type3A_73 : vector<24x24xi32> to vector<24x24xf32>
    %le3A = arith.cmpi sle, %iota3A_68, %iota3A_69 : vector<24x24xi32>
    %convert_element_type3A_75 = arith.extui %le3A : vector<24x24xi1> to vector<24x24xi32>
    %convert_element_type3A_76 = arith.sitofp %convert_element_type3A_75 : vector<24x24xi32> to vector<24x24xf32>
    %dot_general3A_77 = arith.constant dense<0.000000e+00> : vector<1x24xf32>
    %dot_general3A_78 = tpu.matmul %broadcast_in_dim3A_67, %convert_element_type3A_74, %dot_general3A_77 {dimension_numbers = #tpu.dot_dimension_numbers<[1], [0], [0], [1], [0, 0, 1, 1], [], []>, transpose_lhs_hint = false} : vector<1x24xf32>, vector<24x24xf32>, vector<1x24xf32> -> vector<1x24xf32>
    %iota3A_79 = tpu.iota {dimensions = array<i32: 1>} : vector<1x24xi32>
    %ne3A = arith.cmpf one, %broadcast_in_dim3A_67, %dot_general3A_78 : vector<1x24xf32>
    %eq3A_80 = arith.constant 0 : i32
    %eq3A_81 = vector.broadcast %eq3A_80 : i32 to vector<1x24xi32>
    %eq3A_82 = arith.cmpi eq, %iota3A_79, %eq3A_81 : vector<1x24xi32>
    %or3A = arith.ori %ne3A, %eq3A_82 : vector<1x24xi1>
    %jit3A = arith.constant 1.000000e+00 : f32
    %jit3A_83 = arith.constant 0.000000e+00 : f32
    %broadcast_in_dim3A_84 = vector.broadcast %jit3A : f32 to vector<1x24xf32>
    %broadcast_in_dim3A_85 = vector.broadcast %jit3A_83 : f32 to vector<1x24xf32>
    %select_n3A_86 = arith.select %or3A, %broadcast_in_dim3A_84, %broadcast_in_dim3A_85 : vector<1x24xi1>, vector<1x24xf32>
    %dot_general3A_87 = arith.constant dense<0.000000e+00> : vector<1x24xf32>
    %dot_general3A_88 = tpu.matmul %select_n3A_86, %convert_element_type3A_76, %dot_general3A_87 {dimension_numbers = #tpu.dot_dimension_numbers<[1], [0], [0], [1], [0, 0, 1, 1], [], []>, transpose_lhs_hint = false} : vector<1x24xf32>, vector<24x24xf32>, vector<1x24xf32> -> vector<1x24xf32>
    %sub3A_89 = arith.constant 1.000000e+00 : f32
    %sub3A_90 = vector.broadcast %sub3A_89 : f32 to vector<1x24xf32>
    %sub3A_91 = arith.subf %dot_general3A_88, %sub3A_90 : vector<1x24xf32>
    %mul3A_92 = arith.constant 5.000000e-01 : f32
    %mul3A_93 = vector.broadcast %mul3A_92 : f32 to vector<1x24xf32>
    %mul3A_94 = arith.mulf %sub3A_91, %mul3A_93 : vector<1x24xf32>
    %floor3A_95 = math.floor %mul3A_94 : vector<1x24xf32>
    %mul3A_96 = arith.constant 2.000000e+00 : f32
    %mul3A_97 = vector.broadcast %mul3A_96 : f32 to vector<1x24xf32>
    %mul3A_98 = arith.mulf %mul3A_97, %floor3A_95 : vector<1x24xf32>
    %sub3A_99 = arith.subf %sub3A_91, %mul3A_98 : vector<1x24xf32>
    %get3A_100 = arith.constant 0 : index
    %get3A_101 = arith.constant 0 : index
    %get3A_102 = vector.load %arg4[%get3A_100, %get3A_101] : memref<8x1xf32, #tpu.memory_space<vmem>>, vector<8x1xf32>
    %add3A_103 = arith.constant 2.550000e+02 : f32
    %add3A_104 = vector.broadcast %add3A_103 : f32 to vector<8x1xf32>
    %add3A_105 = arith.addf %get3A_102, %add3A_104 : vector<8x1xf32>
    %mul3A_106 = arith.constant 3.906250e-03 : f32
    %mul3A_107 = vector.broadcast %mul3A_106 : f32 to vector<8x1xf32>
    %mul3A_108 = arith.mulf %add3A_105, %mul3A_107 : vector<8x1xf32>
    %floor3A_109 = math.floor %mul3A_108 : vector<8x1xf32>
    %mul3A_110 = arith.constant 2.560000e+02 : f32
    %mul3A_111 = vector.broadcast %mul3A_110 : f32 to vector<8x1xf32>
    %mul3A_112 = arith.mulf %floor3A_109, %mul3A_111 : vector<8x1xf32>
    %iota3A_113 = tpu.iota {dimensions = array<i32: 0>} : vector<8x1xi32>
    %convert_element_type3A_114 = arith.sitofp %iota3A_113 : vector<8x1xi32> to vector<8x1xf32>
    %reduce_sum3A_115 = vector.shape_cast %mul3A_112 : vector<8x1xf32> to vector<1x8x1xf32>
    %reduce_sum3A_116 = arith.constant dense<0.000000e+00> : vector<1xf32>
    %reduce_sum3A_117 = vector.multi_reduction <add>, %reduce_sum3A_115, %reduce_sum3A_116 [1, 2] : vector<1x8x1xf32> to vector<1xf32>
    %reduce_sum3A_118 = vector.shape_cast %reduce_sum3A_117 : vector<1xf32> to vector<1x1x1xf32>
    %reduce_sum3A_119 = vector.extract %reduce_sum3A_118[0, 0, 0] : f32 from vector<1x1x1xf32>
    %gt3A = arith.constant 0.000000e+00 : f32
    %gt3A_120 = vector.broadcast %gt3A : f32 to vector<8x1xf32>
    %gt3A_121 = arith.cmpf ogt, %mul3A_112, %gt3A_120 : vector<8x1xf32>
    %eq3A_122 = arith.constant 7.000000e+00 : f32
    %eq3A_123 = vector.broadcast %eq3A_122 : f32 to vector<8x1xf32>
    %eq3A_124 = arith.cmpf oeq, %convert_element_type3A_114, %eq3A_123 : vector<8x1xf32>
    %lt3A_125 = arith.constant 6.144000e+03 : f32
    %lt3A_126 = arith.cmpf olt, %reduce_sum3A_119, %lt3A_125 : f32
    %and3A = vector.broadcast %lt3A_126 : i1 to vector<8x1xi1>
    %and3A_127 = arith.andi %eq3A_124, %and3A : vector<8x1xi1>
    %or3A_128 = arith.ori %gt3A_121, %and3A_127 : vector<8x1xi1>
    %gt3A_129 = vector.broadcast %convert_element_type3A_114 : vector<8x1xf32> to vector<8x24xf32>
    %gt3A_130 = vector.broadcast %broadcast_in_dim3A_67 : vector<1x24xf32> to vector<8x24xf32>
    %gt3A_131 = arith.cmpf ogt, %gt3A_129, %gt3A_130 : vector<8x24xf32>
    %and3A_132 = vector.broadcast %or3A_128 : vector<8x1xi1> to vector<8x24xi1>
    %and3A_133 = arith.andi %and3A_132, %gt3A_131 : vector<8x24xi1>
    %jit3A_134 = arith.constant 8.000000e+00 : f32
    %broadcast_in_dim3A_135 = vector.shape_cast %convert_element_type3A_114 : vector<8x1xf32> to vector<8x1xf32>
    %broadcast_in_dim3A_136 = vector.broadcast %broadcast_in_dim3A_135 : vector<8x1xf32> to vector<8x24xf32>
    %broadcast_in_dim3A_137 = vector.broadcast %jit3A_134 : f32 to vector<8x24xf32>
    %select_n3A_138 = arith.select %and3A_133, %broadcast_in_dim3A_136, %broadcast_in_dim3A_137 : vector<8x24xi1>, vector<8x24xf32>
    %reduce_min3A = arith.constant dense<0x7F800000> : vector<24xf32>
    %reduce_min3A_139 = vector.multi_reduction <minimumf>, %select_n3A_138, %reduce_min3A [0] : vector<8x24xf32> to vector<24xf32>
    %broadcast_in_dim3A_140 = vector.shape_cast %reduce_min3A_139 : vector<24xf32> to vector<1x24xf32>
    %lt3A_141 = arith.constant 8.000000e+00 : f32
    %lt3A_142 = vector.broadcast %lt3A_141 : f32 to vector<1x24xf32>
    %lt3A_143 = arith.cmpf olt, %broadcast_in_dim3A_140, %lt3A_142 : vector<1x24xf32>
    %jit3A_144 = arith.constant 1.000000e+00 : f32
    %jit3A_145 = arith.constant 0.000000e+00 : f32
    %broadcast_in_dim3A_146 = vector.broadcast %jit3A_144 : f32 to vector<1x24xf32>
    %broadcast_in_dim3A_147 = vector.broadcast %jit3A_145 : f32 to vector<1x24xf32>
    %select_n3A_148 = arith.select %lt3A_143, %broadcast_in_dim3A_146, %broadcast_in_dim3A_147 : vector<1x24xi1>, vector<1x24xf32>
    %min3A_149 = arith.constant 7.000000e+00 : f32
    %min3A_150 = vector.broadcast %min3A_149 : f32 to vector<1x24xf32>
    %min3A_151 = arith.minimumf %broadcast_in_dim3A_140, %min3A_150 : vector<1x24xf32>
    %iota3A_152 = tpu.iota {dimensions = array<i32: 0>} : vector<8x24xi32>
    %eq3A_153 = arith.constant 0 : i32
    %eq3A_154 = vector.broadcast %eq3A_153 : i32 to vector<8x24xi32>
    %eq3A_155 = arith.cmpi eq, %iota3A_152, %eq3A_154 : vector<8x24xi32>
    %broadcast_in_dim3A_156 = vector.shape_cast %broadcast_in_dim3A_67 : vector<1x24xf32> to vector<1x24xf32>
    %broadcast_in_dim3A_157 = vector.broadcast %broadcast_in_dim3A_156 : vector<1x24xf32> to vector<8x24xf32>
    %eq3A_158 = arith.constant 1 : i32
    %eq3A_159 = vector.broadcast %eq3A_158 : i32 to vector<8x24xi32>
    %eq3A_160 = arith.cmpi eq, %iota3A_152, %eq3A_159 : vector<8x24xi32>
    %broadcast_in_dim3A_161 = vector.shape_cast %select_n3A_86 : vector<1x24xf32> to vector<1x24xf32>
    %broadcast_in_dim3A_162 = vector.broadcast %broadcast_in_dim3A_161 : vector<1x24xf32> to vector<8x24xf32>
    %eq3A_163 = arith.constant 2 : i32
    %eq3A_164 = vector.broadcast %eq3A_163 : i32 to vector<8x24xi32>
    %eq3A_165 = arith.cmpi eq, %iota3A_152, %eq3A_164 : vector<8x24xi32>
    %broadcast_in_dim3A_166 = vector.shape_cast %sub3A_99 : vector<1x24xf32> to vector<1x24xf32>
    %broadcast_in_dim3A_167 = vector.broadcast %broadcast_in_dim3A_166 : vector<1x24xf32> to vector<8x24xf32>
    %eq3A_168 = arith.constant 3 : i32
    %eq3A_169 = vector.broadcast %eq3A_168 : i32 to vector<8x24xi32>
    %eq3A_170 = arith.cmpi eq, %iota3A_152, %eq3A_169 : vector<8x24xi32>
    %broadcast_in_dim3A_171 = vector.shape_cast %min3A_151 : vector<1x24xf32> to vector<1x24xf32>
    %broadcast_in_dim3A_172 = vector.broadcast %broadcast_in_dim3A_171 : vector<1x24xf32> to vector<8x24xf32>
    %eq3A_173 = arith.constant 4 : i32
    %eq3A_174 = vector.broadcast %eq3A_173 : i32 to vector<8x24xi32>
    %eq3A_175 = arith.cmpi eq, %iota3A_152, %eq3A_174 : vector<8x24xi32>
    %broadcast_in_dim3A_176 = vector.shape_cast %select_n3A_148 : vector<1x24xf32> to vector<1x24xf32>
    %broadcast_in_dim3A_177 = vector.broadcast %broadcast_in_dim3A_176 : vector<1x24xf32> to vector<8x24xf32>
    %jit3A_178 = arith.constant 0.000000e+00 : f32
    %broadcast_in_dim3A_179 = vector.broadcast %jit3A_178 : f32 to vector<8x24xf32>
    %select_n3A_180 = arith.select %eq3A_175, %broadcast_in_dim3A_177, %broadcast_in_dim3A_179 : vector<8x24xi1>, vector<8x24xf32>
    %select_n3A_181 = arith.select %eq3A_170, %broadcast_in_dim3A_172, %select_n3A_180 : vector<8x24xi1>, vector<8x24xf32>
    %select_n3A_182 = arith.select %eq3A_165, %broadcast_in_dim3A_167, %select_n3A_181 : vector<8x24xi1>, vector<8x24xf32>
    %select_n3A_183 = arith.select %eq3A_160, %broadcast_in_dim3A_162, %select_n3A_182 : vector<8x24xi1>, vector<8x24xf32>
    %select_n3A_184 = arith.select %eq3A_155, %broadcast_in_dim3A_157, %select_n3A_183 : vector<8x24xi1>, vector<8x24xf32>
    %convert_element_type3A_185 = arith.fptosi %select_n3A_184 : vector<8x24xf32> to vector<8x24xi32>
    %swap3A_186 = arith.constant 0 : index
    %swap3A_187 = arith.constant 0 : index
    %swap3A_188 = vector.load %arg6[%swap3A_186, %swap3A_187] : memref<8x24xi32, #tpu.memory_space<vmem>>, vector<8x24xi32>
    tpu.vector_store %arg6[%swap3A_186, %swap3A_187], %convert_element_type3A_185 {strides = array<i32>} : memref<8x24xi32, #tpu.memory_space<vmem>>, vector<8x24xi32>,
    return
  }
  func.func @transform_0(%arg0: i32) -> (i32, i32) {
    %c0_i32 = arith.constant 0 : i32
    %c0_i32_0 = arith.constant 0 : i32
    return %arg0, %c0_i32 : i32, i32
  }
  func.func @transform_1(%arg0: i32) -> (i32, i32) {
    %c0_i32 = arith.constant 0 : i32
    %c0_i32_0 = arith.constant 0 : i32
    return %arg0, %c0_i32 : i32, i32
  }
  func.func @transform_2(%arg0: i32) -> (i32, i32) {
    %c0_i32 = arith.constant 0 : i32
    %c0_i32_0 = arith.constant 0 : i32
    %c0_i32_1 = arith.constant 0 : i32
    return %c0_i32, %c0_i32_0 : i32, i32
  }
  func.func @transform_3(%arg0: i32) -> (i32, i32) {
    %c0_i32 = arith.constant 0 : i32
    %c0_i32_0 = arith.constant 0 : i32
    %c0_i32_1 = arith.constant 0 : i32
    return %c0_i32, %c0_i32_0 : i32, i32
  }
  func.func @transform_4(%arg0: i32) -> (i32, i32) {
    %c0_i32 = arith.constant 0 : i32
    %c0_i32_0 = arith.constant 0 : i32
    return %c0_i32, %arg0 : i32, i32
  }
  func.func @transform_5(%arg0: i32) -> (i32, i32) {
    %c0_i32 = arith.constant 0 : i32
    %c0_i32_0 = arith.constant 0 : i32
    %c0_i32_1 = arith.constant 0 : i32
    return %c0_i32, %c0_i32_0 : i32, i32
  }
}

module attributes {stable_mosaic.version = 14 : i64} {
  func.func @_ffn_body(%arg0: i32, %arg1: i32, %arg2: memref<24xi32, #tpu.memory_space<smem>>, %arg3: memref<24xi32, #tpu.memory_space<smem>>, %arg4: memref<24xi32, #tpu.memory_space<smem>>, %arg5: memref<24xi32, #tpu.memory_space<smem>>, %arg6: memref<24xi32, #tpu.memory_space<smem>>, %arg7: memref<256x768xf32, #tpu.memory_space<vmem>>, %arg8: memref<1x1x1024xf32, #tpu.memory_space<vmem>>, %arg9: memref<1x1x1024xf32, #tpu.memory_space<vmem>>, %arg10: memref<1x1x768xf32, #tpu.memory_space<vmem>>, %arg11: memref<8x3072x768xf32, #tpu.memory_space<hbm>>, %arg12: memref<8x3072x768xf32, #tpu.memory_space<hbm>>, %arg13: memref<8x768x3072xf32, #tpu.memory_space<hbm>>, %arg14: memref<6144x768xf32, #tpu.memory_space<vmem>>, %arg15: memref<2x1024x768xf32, #tpu.memory_space<vmem>>, %arg16: memref<2x1024x768xf32, #tpu.memory_space<vmem>>, %arg17: memref<2x768x1024xf32, #tpu.memory_space<vmem>>, %arg18: memref<1024x768xbf16, #tpu.memory_space<vmem>>, %arg19: memref<1024x768xbf16, #tpu.memory_space<vmem>>, %arg20: memref<768x1024xbf16, #tpu.memory_space<vmem>>, %arg21: memref<3x2x!tpu.dma_semaphore, #tpu.memory_space<semaphore_mem>>) attributes {dimension_semantics = [#tpu.dimension_semantics<arbitrary>, #tpu.dimension_semantics<arbitrary>], iteration_bounds = array<i64: 3, 24>, scalar_prefetch = 5 : i64, scratch_operands = 7 : i64, tpu.core_type = #tpu.core_type<tc>, window_params = [{transform_indices = @transform_0, window_bounds = array<i64: 256, 768>}, {transform_indices = @transform_1, window_bounds = array<i64: 1, 1, 1024>}, {transform_indices = @transform_2, window_bounds = array<i64: 1, 1, 1024>}, {transform_indices = @transform_3, window_bounds = array<i64: 1, 1, 768>}, {}, {}, {}, {pipeline_mode = #tpu.pipeline_mode<synchronous>, transform_indices = @transform_7, window_bounds = array<i64: 6144, 768>}]} {
    %eq3A = arith.constant 0 : i32
    %eq3A_0 = arith.cmpi eq, %arg1, %eq3A : i32
    %eq3A_1 = arith.constant 0 : i32
    %eq3A_2 = arith.cmpi eq, %arg0, %eq3A_1 : i32
    %and3A = arith.andi %eq3A_0, %eq3A_2 : i1
    %convert_element_type3A = arith.extui %and3A : i1 to i32
    %cond3A = arith.constant 0 : i32
    %cond3A_3 = arith.cmpi ne, %convert_element_type3A, %cond3A : i32
    scf.if %cond3A_3 {
      %get3A_56 = arith.constant 0 : index
      %get3A_57 = memref.load %arg2[%get3A_56] : memref<24xi32, #tpu.memory_space<smem>>
      %mul3A_58 = arith.constant 1024 : i32
      %mul3A_59 = arith.muli %arg0, %mul3A_58 : i32
      %dma_start3A = arith.constant 0 : i32
      %dma_start3A_60 = arith.constant 0 : i32
      %dma_start3A_61 = arith.constant 0 : i32
      %dma_start3A_62 = tpu.memref_slice %arg21[%dma_start3A_60, %dma_start3A_61] : memref<3x2x!tpu.dma_semaphore, #tpu.memory_space<semaphore_mem>> -> memref<1x1x!tpu.dma_semaphore, #tpu.memory_space<semaphore_mem>>
      %dma_start3A_63 = tpu.memref_squeeze %dma_start3A_62 : memref<1x1x!tpu.dma_semaphore, #tpu.memory_space<semaphore_mem>> -> memref<!tpu.dma_semaphore, #tpu.memory_space<semaphore_mem>>
      %dma_start3A_64 = arith.constant 0 : i32
      %dma_start3A_65 = arith.constant 0 : i32
      %dma_start3A_66 = tpu.memref_slice %arg15[%dma_start3A, %dma_start3A_64, %dma_start3A_65] : memref<2x1024x768xf32, #tpu.memory_space<vmem>> -> memref<1x1024x768xf32, #tpu.memory_space<vmem>>
      %dma_start3A_67 = tpu.memref_squeeze %dma_start3A_66 : memref<1x1024x768xf32, #tpu.memory_space<vmem>> -> memref<1024x768xf32, #tpu.memory_space<vmem>>
      %dma_start3A_68 = arith.constant 0 : i32
      %dma_start3A_69 = tpu.memref_slice %arg11[%get3A_57, %mul3A_59, %dma_start3A_68] : memref<8x3072x768xf32, #tpu.memory_space<hbm>> -> memref<1x1024x768xf32, #tpu.memory_space<hbm>>
      %dma_start3A_70 = tpu.memref_squeeze %dma_start3A_69 : memref<1x1024x768xf32, #tpu.memory_space<hbm>> -> memref<1024x768xf32, #tpu.memory_space<hbm>>
      tpu.enqueue_dma source(%dma_start3A_70 : memref<1024x768xf32, #tpu.memory_space<hbm>>) target(%dma_start3A_67 : memref<1024x768xf32, #tpu.memory_space<vmem>>) target_semaphore(%dma_start3A_63 : memref<!tpu.dma_semaphore, #tpu.memory_space<semaphore_mem>>)
      %mul3A_71 = arith.constant 1024 : i32
      %mul3A_72 = arith.muli %arg0, %mul3A_71 : i32
      %dma_start3A_73 = arith.constant 0 : i32
      %dma_start3A_74 = arith.constant 1 : i32
      %dma_start3A_75 = arith.constant 0 : i32
      %dma_start3A_76 = tpu.memref_slice %arg21[%dma_start3A_74, %dma_start3A_75] : memref<3x2x!tpu.dma_semaphore, #tpu.memory_space<semaphore_mem>> -> memref<1x1x!tpu.dma_semaphore, #tpu.memory_space<semaphore_mem>>
      %dma_start3A_77 = tpu.memref_squeeze %dma_start3A_76 : memref<1x1x!tpu.dma_semaphore, #tpu.memory_space<semaphore_mem>> -> memref<!tpu.dma_semaphore, #tpu.memory_space<semaphore_mem>>
      %dma_start3A_78 = arith.constant 0 : i32
      %dma_start3A_79 = arith.constant 0 : i32
      %dma_start3A_80 = tpu.memref_slice %arg16[%dma_start3A_73, %dma_start3A_78, %dma_start3A_79] : memref<2x1024x768xf32, #tpu.memory_space<vmem>> -> memref<1x1024x768xf32, #tpu.memory_space<vmem>>
      %dma_start3A_81 = tpu.memref_squeeze %dma_start3A_80 : memref<1x1024x768xf32, #tpu.memory_space<vmem>> -> memref<1024x768xf32, #tpu.memory_space<vmem>>
      %dma_start3A_82 = arith.constant 0 : i32
      %dma_start3A_83 = tpu.memref_slice %arg12[%get3A_57, %mul3A_72, %dma_start3A_82] : memref<8x3072x768xf32, #tpu.memory_space<hbm>> -> memref<1x1024x768xf32, #tpu.memory_space<hbm>>
      %dma_start3A_84 = tpu.memref_squeeze %dma_start3A_83 : memref<1x1024x768xf32, #tpu.memory_space<hbm>> -> memref<1024x768xf32, #tpu.memory_space<hbm>>
      tpu.enqueue_dma source(%dma_start3A_84 : memref<1024x768xf32, #tpu.memory_space<hbm>>) target(%dma_start3A_81 : memref<1024x768xf32, #tpu.memory_space<vmem>>) target_semaphore(%dma_start3A_77 : memref<!tpu.dma_semaphore, #tpu.memory_space<semaphore_mem>>)
      %mul3A_85 = arith.constant 1024 : i32
      %mul3A_86 = arith.muli %arg0, %mul3A_85 : i32
      %dma_start3A_87 = arith.constant 0 : i32
      %dma_start3A_88 = arith.constant 2 : i32
      %dma_start3A_89 = arith.constant 0 : i32
      %dma_start3A_90 = tpu.memref_slice %arg21[%dma_start3A_88, %dma_start3A_89] : memref<3x2x!tpu.dma_semaphore, #tpu.memory_space<semaphore_mem>> -> memref<1x1x!tpu.dma_semaphore, #tpu.memory_space<semaphore_mem>>
      %dma_start3A_91 = tpu.memref_squeeze %dma_start3A_90 : memref<1x1x!tpu.dma_semaphore, #tpu.memory_space<semaphore_mem>> -> memref<!tpu.dma_semaphore, #tpu.memory_space<semaphore_mem>>
      %dma_start3A_92 = arith.constant 0 : i32
      %dma_start3A_93 = arith.constant 0 : i32
      %dma_start3A_94 = tpu.memref_slice %arg17[%dma_start3A_87, %dma_start3A_92, %dma_start3A_93] : memref<2x768x1024xf32, #tpu.memory_space<vmem>> -> memref<1x768x1024xf32, #tpu.memory_space<vmem>>
      %dma_start3A_95 = tpu.memref_squeeze %dma_start3A_94 : memref<1x768x1024xf32, #tpu.memory_space<vmem>> -> memref<768x1024xf32, #tpu.memory_space<vmem>>
      %dma_start3A_96 = arith.constant 0 : i32
      %dma_start3A_97 = tpu.memref_slice %arg13[%get3A_57, %dma_start3A_96, %mul3A_86] : memref<8x768x3072xf32, #tpu.memory_space<hbm>> -> memref<1x768x1024xf32, #tpu.memory_space<hbm>>
      %dma_start3A_98 = tpu.memref_squeeze %dma_start3A_97 : memref<1x768x1024xf32, #tpu.memory_space<hbm>> -> memref<768x1024xf32, #tpu.memory_space<hbm>>
      tpu.enqueue_dma source(%dma_start3A_98 : memref<768x1024xf32, #tpu.memory_space<hbm>>) target(%dma_start3A_95 : memref<768x1024xf32, #tpu.memory_space<vmem>>) target_semaphore(%dma_start3A_91 : memref<!tpu.dma_semaphore, #tpu.memory_space<semaphore_mem>>)
    } else {
    }
    %get3A = arith.index_cast %arg1 : i32 to index
    %get3A_4 = memref.load %arg3[%get3A] : memref<24xi32, #tpu.memory_space<smem>>
    %eq3A_5 = arith.constant 1 : i32
    %eq3A_6 = arith.cmpi eq, %get3A_4, %eq3A_5 : i32
    %convert_element_type3A_7 = arith.extui %eq3A_6 : i1 to i32
    %cond3A_8 = arith.constant 0 : i32
    %cond3A_9 = arith.cmpi ne, %convert_element_type3A_7, %cond3A_8 : i32
    scf.if %cond3A_9 {
      %get3A_56 = arith.index_cast %arg1 : i32 to index
      %get3A_57 = memref.load %arg4[%get3A_56] : memref<24xi32, #tpu.memory_space<smem>>
      %eq3A_58 = arith.constant 0 : i32
      %eq3A_59 = arith.cmpi eq, %get3A_57, %eq3A_58 : i32
      %convert_element_type3A_60 = arith.extui %eq3A_59 : i1 to i32
      %cond3A_61 = arith.constant 0 : i32
      %cond3A_62 = arith.cmpi ne, %convert_element_type3A_60, %cond3A_61 : i32
      scf.if %cond3A_62 {
        %get3A_68 = arith.index_cast %arg1 : i32 to index
        %get3A_69 = memref.load %arg2[%get3A_68] : memref<24xi32, #tpu.memory_space<smem>>
        %mul3A_70 = arith.constant 1024 : i32
        %mul3A_71 = arith.muli %arg0, %mul3A_70 : i32
        %dma_wait3A = arith.constant 0 : i32
        %dma_wait3A_72 = arith.constant 0 : i32
        %dma_wait3A_73 = arith.constant 0 : i32
        %dma_wait3A_74 = tpu.memref_slice %arg21[%dma_wait3A_72, %dma_wait3A_73] : memref<3x2x!tpu.dma_semaphore, #tpu.memory_space<semaphore_mem>> -> memref<1x1x!tpu.dma_semaphore, #tpu.memory_space<semaphore_mem>>
        %dma_wait3A_75 = tpu.memref_squeeze %dma_wait3A_74 : memref<1x1x!tpu.dma_semaphore, #tpu.memory_space<semaphore_mem>> -> memref<!tpu.dma_semaphore, #tpu.memory_space<semaphore_mem>>
        %dma_wait3A_76 = arith.constant 0 : i32
        %dma_wait3A_77 = arith.constant 0 : i32
        %dma_wait3A_78 = tpu.memref_slice %arg15[%dma_wait3A, %dma_wait3A_76, %dma_wait3A_77] : memref<2x1024x768xf32, #tpu.memory_space<vmem>> -> memref<1x1024x768xf32, #tpu.memory_space<vmem>>
        %dma_wait3A_79 = tpu.memref_squeeze %dma_wait3A_78 : memref<1x1024x768xf32, #tpu.memory_space<vmem>> -> memref<1024x768xf32, #tpu.memory_space<vmem>>
        %dma_wait3A_80 = arith.constant 0 : i32
        %dma_wait3A_81 = tpu.memref_slice %arg11[%get3A_69, %mul3A_71, %dma_wait3A_80] : memref<8x3072x768xf32, #tpu.memory_space<hbm>> -> memref<1x1024x768xf32, #tpu.memory_space<hbm>>
        %dma_wait3A_82 = tpu.memref_squeeze %dma_wait3A_81 : memref<1x1024x768xf32, #tpu.memory_space<hbm>> -> memref<1024x768xf32, #tpu.memory_space<hbm>>
        tpu.wait_dma2 semaphore(%dma_wait3A_75 : memref<!tpu.dma_semaphore, #tpu.memory_space<semaphore_mem>>) src(%dma_wait3A_82 : memref<1024x768xf32, #tpu.memory_space<hbm>>) dst(%dma_wait3A_79 : memref<1024x768xf32, #tpu.memory_space<vmem>>)
        %mul3A_83 = arith.constant 1024 : i32
        %mul3A_84 = arith.muli %arg0, %mul3A_83 : i32
        %dma_wait3A_85 = arith.constant 0 : i32
        %dma_wait3A_86 = arith.constant 1 : i32
        %dma_wait3A_87 = arith.constant 0 : i32
        %dma_wait3A_88 = tpu.memref_slice %arg21[%dma_wait3A_86, %dma_wait3A_87] : memref<3x2x!tpu.dma_semaphore, #tpu.memory_space<semaphore_mem>> -> memref<1x1x!tpu.dma_semaphore, #tpu.memory_space<semaphore_mem>>
        %dma_wait3A_89 = tpu.memref_squeeze %dma_wait3A_88 : memref<1x1x!tpu.dma_semaphore, #tpu.memory_space<semaphore_mem>> -> memref<!tpu.dma_semaphore, #tpu.memory_space<semaphore_mem>>
        %dma_wait3A_90 = arith.constant 0 : i32
        %dma_wait3A_91 = arith.constant 0 : i32
        %dma_wait3A_92 = tpu.memref_slice %arg16[%dma_wait3A_85, %dma_wait3A_90, %dma_wait3A_91] : memref<2x1024x768xf32, #tpu.memory_space<vmem>> -> memref<1x1024x768xf32, #tpu.memory_space<vmem>>
        %dma_wait3A_93 = tpu.memref_squeeze %dma_wait3A_92 : memref<1x1024x768xf32, #tpu.memory_space<vmem>> -> memref<1024x768xf32, #tpu.memory_space<vmem>>
        %dma_wait3A_94 = arith.constant 0 : i32
        %dma_wait3A_95 = tpu.memref_slice %arg12[%get3A_69, %mul3A_84, %dma_wait3A_94] : memref<8x3072x768xf32, #tpu.memory_space<hbm>> -> memref<1x1024x768xf32, #tpu.memory_space<hbm>>
        %dma_wait3A_96 = tpu.memref_squeeze %dma_wait3A_95 : memref<1x1024x768xf32, #tpu.memory_space<hbm>> -> memref<1024x768xf32, #tpu.memory_space<hbm>>
        tpu.wait_dma2 semaphore(%dma_wait3A_89 : memref<!tpu.dma_semaphore, #tpu.memory_space<semaphore_mem>>) src(%dma_wait3A_96 : memref<1024x768xf32, #tpu.memory_space<hbm>>) dst(%dma_wait3A_93 : memref<1024x768xf32, #tpu.memory_space<vmem>>)
        %mul3A_97 = arith.constant 1024 : i32
        %mul3A_98 = arith.muli %arg0, %mul3A_97 : i32
        %dma_wait3A_99 = arith.constant 0 : i32
        %dma_wait3A_100 = arith.constant 2 : i32
        %dma_wait3A_101 = arith.constant 0 : i32
        %dma_wait3A_102 = tpu.memref_slice %arg21[%dma_wait3A_100, %dma_wait3A_101] : memref<3x2x!tpu.dma_semaphore, #tpu.memory_space<semaphore_mem>> -> memref<1x1x!tpu.dma_semaphore, #tpu.memory_space<semaphore_mem>>
        %dma_wait3A_103 = tpu.memref_squeeze %dma_wait3A_102 : memref<1x1x!tpu.dma_semaphore, #tpu.memory_space<semaphore_mem>> -> memref<!tpu.dma_semaphore, #tpu.memory_space<semaphore_mem>>
        %dma_wait3A_104 = arith.constant 0 : i32
        %dma_wait3A_105 = arith.constant 0 : i32
        %dma_wait3A_106 = tpu.memref_slice %arg17[%dma_wait3A_99, %dma_wait3A_104, %dma_wait3A_105] : memref<2x768x1024xf32, #tpu.memory_space<vmem>> -> memref<1x768x1024xf32, #tpu.memory_space<vmem>>
        %dma_wait3A_107 = tpu.memref_squeeze %dma_wait3A_106 : memref<1x768x1024xf32, #tpu.memory_space<vmem>> -> memref<768x1024xf32, #tpu.memory_space<vmem>>
        %dma_wait3A_108 = arith.constant 0 : i32
        %dma_wait3A_109 = tpu.memref_slice %arg13[%get3A_69, %dma_wait3A_108, %mul3A_98] : memref<8x768x3072xf32, #tpu.memory_space<hbm>> -> memref<1x768x1024xf32, #tpu.memory_space<hbm>>
        %dma_wait3A_110 = tpu.memref_squeeze %dma_wait3A_109 : memref<1x768x1024xf32, #tpu.memory_space<hbm>> -> memref<768x1024xf32, #tpu.memory_space<hbm>>
        tpu.wait_dma2 semaphore(%dma_wait3A_103 : memref<!tpu.dma_semaphore, #tpu.memory_space<semaphore_mem>>) src(%dma_wait3A_110 : memref<768x1024xf32, #tpu.memory_space<hbm>>) dst(%dma_wait3A_107 : memref<768x1024xf32, #tpu.memory_space<vmem>>)
        %get3A_111 = arith.constant 0 : index
        %get3A_112 = arith.constant 0 : index
        %get3A_113 = arith.constant 0 : index
        %get3A_114 = vector.load %arg15[%get3A_111, %get3A_112, %get3A_113] : memref<2x1024x768xf32, #tpu.memory_space<vmem>>, vector<1x1024x768xf32>
        %get3A_115 = vector.shape_cast %get3A_114 : vector<1x1024x768xf32> to vector<1024x768xf32>
        %convert_element_type3A_116 = arith.truncf %get3A_115 : vector<1024x768xf32> to vector<1024x768xbf16>
        %swap3A = arith.constant 0 : index
        %swap3A_117 = arith.constant 0 : index
        %swap3A_118 = vector.load %arg18[%swap3A, %swap3A_117] : memref<1024x768xbf16, #tpu.memory_space<vmem>>, vector<1024x768xbf16>
        tpu.vector_store %arg18[%swap3A, %swap3A_117], %convert_element_type3A_116 {strides = array<i32>} : memref<1024x768xbf16, #tpu.memory_space<vmem>>, vector<1024x768xbf16>,
        %get3A_119 = arith.constant 0 : index
        %get3A_120 = arith.constant 0 : index
        %get3A_121 = arith.constant 0 : index
        %get3A_122 = vector.load %arg16[%get3A_119, %get3A_120, %get3A_121] : memref<2x1024x768xf32, #tpu.memory_space<vmem>>, vector<1x1024x768xf32>
        %get3A_123 = vector.shape_cast %get3A_122 : vector<1x1024x768xf32> to vector<1024x768xf32>
        %convert_element_type3A_124 = arith.truncf %get3A_123 : vector<1024x768xf32> to vector<1024x768xbf16>
        %swap3A_125 = arith.constant 0 : index
        %swap3A_126 = arith.constant 0 : index
        %swap3A_127 = vector.load %arg19[%swap3A_125, %swap3A_126] : memref<1024x768xbf16, #tpu.memory_space<vmem>>, vector<1024x768xbf16>
        tpu.vector_store %arg19[%swap3A_125, %swap3A_126], %convert_element_type3A_124 {strides = array<i32>} : memref<1024x768xbf16, #tpu.memory_space<vmem>>, vector<1024x768xbf16>,
        %get3A_128 = arith.constant 0 : index
        %get3A_129 = arith.constant 0 : index
        %get3A_130 = arith.constant 0 : index
        %get3A_131 = vector.load %arg17[%get3A_128, %get3A_129, %get3A_130] : memref<2x768x1024xf32, #tpu.memory_space<vmem>>, vector<1x768x1024xf32>
        %get3A_132 = vector.shape_cast %get3A_131 : vector<1x768x1024xf32> to vector<768x1024xf32>
        %convert_element_type3A_133 = arith.truncf %get3A_132 : vector<768x1024xf32> to vector<768x1024xbf16>
        %swap3A_134 = arith.constant 0 : index
        %swap3A_135 = arith.constant 0 : index
        %swap3A_136 = vector.load %arg20[%swap3A_134, %swap3A_135] : memref<768x1024xbf16, #tpu.memory_space<vmem>>, vector<768x1024xbf16>
        tpu.vector_store %arg20[%swap3A_134, %swap3A_135], %convert_element_type3A_133 {strides = array<i32>} : memref<768x1024xbf16, #tpu.memory_space<vmem>>, vector<768x1024xbf16>,
        %get3A_137 = arith.index_cast %arg1 : i32 to index
        %get3A_138 = memref.load %arg6[%get3A_137] : memref<24xi32, #tpu.memory_space<smem>>
        %eq3A_139 = arith.constant 1 : i32
        %eq3A_140 = arith.cmpi eq, %get3A_138, %eq3A_139 : i32
        %convert_element_type3A_141 = arith.extui %eq3A_140 : i1 to i32
        %cond3A_142 = arith.constant 0 : i32
        %cond3A_143 = arith.cmpi ne, %convert_element_type3A_141, %cond3A_142 : i32
        scf.if %cond3A_143 {
          %get3A_153 = arith.index_cast %arg1 : i32 to index
          %get3A_154 = memref.load %arg5[%get3A_153] : memref<24xi32, #tpu.memory_space<smem>>
          %mul3A_155 = arith.constant 1024 : i32
          %mul3A_156 = arith.muli %arg0, %mul3A_155 : i32
          %dma_start3A = arith.constant 1 : i32
          %dma_start3A_157 = arith.constant 0 : i32
          %dma_start3A_158 = arith.constant 1 : i32
          %dma_start3A_159 = tpu.memref_slice %arg21[%dma_start3A_157, %dma_start3A_158] : memref<3x2x!tpu.dma_semaphore, #tpu.memory_space<semaphore_mem>> -> memref<1x1x!tpu.dma_semaphore, #tpu.memory_space<semaphore_mem>>
          %dma_start3A_160 = tpu.memref_squeeze %dma_start3A_159 : memref<1x1x!tpu.dma_semaphore, #tpu.memory_space<semaphore_mem>> -> memref<!tpu.dma_semaphore, #tpu.memory_space<semaphore_mem>>
          %dma_start3A_161 = arith.constant 0 : i32
          %dma_start3A_162 = arith.constant 0 : i32
          %dma_start3A_163 = tpu.memref_slice %arg15[%dma_start3A, %dma_start3A_161, %dma_start3A_162] : memref<2x1024x768xf32, #tpu.memory_space<vmem>> -> memref<1x1024x768xf32, #tpu.memory_space<vmem>>
          %dma_start3A_164 = tpu.memref_squeeze %dma_start3A_163 : memref<1x1024x768xf32, #tpu.memory_space<vmem>> -> memref<1024x768xf32, #tpu.memory_space<vmem>>
          %dma_start3A_165 = arith.constant 0 : i32
          %dma_start3A_166 = tpu.memref_slice %arg11[%get3A_154, %mul3A_156, %dma_start3A_165] : memref<8x3072x768xf32, #tpu.memory_space<hbm>> -> memref<1x1024x768xf32, #tpu.memory_space<hbm>>
          %dma_start3A_167 = tpu.memref_squeeze %dma_start3A_166 : memref<1x1024x768xf32, #tpu.memory_space<hbm>> -> memref<1024x768xf32, #tpu.memory_space<hbm>>
          tpu.enqueue_dma source(%dma_start3A_167 : memref<1024x768xf32, #tpu.memory_space<hbm>>) target(%dma_start3A_164 : memref<1024x768xf32, #tpu.memory_space<vmem>>) target_semaphore(%dma_start3A_160 : memref<!tpu.dma_semaphore, #tpu.memory_space<semaphore_mem>>)
          %mul3A_168 = arith.constant 1024 : i32
          %mul3A_169 = arith.muli %arg0, %mul3A_168 : i32
          %dma_start3A_170 = arith.constant 1 : i32
          %dma_start3A_171 = arith.constant 1 : i32
          %dma_start3A_172 = arith.constant 1 : i32
          %dma_start3A_173 = tpu.memref_slice %arg21[%dma_start3A_171, %dma_start3A_172] : memref<3x2x!tpu.dma_semaphore, #tpu.memory_space<semaphore_mem>> -> memref<1x1x!tpu.dma_semaphore, #tpu.memory_space<semaphore_mem>>
          %dma_start3A_174 = tpu.memref_squeeze %dma_start3A_173 : memref<1x1x!tpu.dma_semaphore, #tpu.memory_space<semaphore_mem>> -> memref<!tpu.dma_semaphore, #tpu.memory_space<semaphore_mem>>
          %dma_start3A_175 = arith.constant 0 : i32
          %dma_start3A_176 = arith.constant 0 : i32
          %dma_start3A_177 = tpu.memref_slice %arg16[%dma_start3A_170, %dma_start3A_175, %dma_start3A_176] : memref<2x1024x768xf32, #tpu.memory_space<vmem>> -> memref<1x1024x768xf32, #tpu.memory_space<vmem>>
          %dma_start3A_178 = tpu.memref_squeeze %dma_start3A_177 : memref<1x1024x768xf32, #tpu.memory_space<vmem>> -> memref<1024x768xf32, #tpu.memory_space<vmem>>
          %dma_start3A_179 = arith.constant 0 : i32
          %dma_start3A_180 = tpu.memref_slice %arg12[%get3A_154, %mul3A_169, %dma_start3A_179] : memref<8x3072x768xf32, #tpu.memory_space<hbm>> -> memref<1x1024x768xf32, #tpu.memory_space<hbm>>
          %dma_start3A_181 = tpu.memref_squeeze %dma_start3A_180 : memref<1x1024x768xf32, #tpu.memory_space<hbm>> -> memref<1024x768xf32, #tpu.memory_space<hbm>>
          tpu.enqueue_dma source(%dma_start3A_181 : memref<1024x768xf32, #tpu.memory_space<hbm>>) target(%dma_start3A_178 : memref<1024x768xf32, #tpu.memory_space<vmem>>) target_semaphore(%dma_start3A_174 : memref<!tpu.dma_semaphore, #tpu.memory_space<semaphore_mem>>)
          %mul3A_182 = arith.constant 1024 : i32
          %mul3A_183 = arith.muli %arg0, %mul3A_182 : i32
          %dma_start3A_184 = arith.constant 1 : i32
          %dma_start3A_185 = arith.constant 2 : i32
          %dma_start3A_186 = arith.constant 1 : i32
          %dma_start3A_187 = tpu.memref_slice %arg21[%dma_start3A_185, %dma_start3A_186] : memref<3x2x!tpu.dma_semaphore, #tpu.memory_space<semaphore_mem>> -> memref<1x1x!tpu.dma_semaphore, #tpu.memory_space<semaphore_mem>>
          %dma_start3A_188 = tpu.memref_squeeze %dma_start3A_187 : memref<1x1x!tpu.dma_semaphore, #tpu.memory_space<semaphore_mem>> -> memref<!tpu.dma_semaphore, #tpu.memory_space<semaphore_mem>>
          %dma_start3A_189 = arith.constant 0 : i32
          %dma_start3A_190 = arith.constant 0 : i32
          %dma_start3A_191 = tpu.memref_slice %arg17[%dma_start3A_184, %dma_start3A_189, %dma_start3A_190] : memref<2x768x1024xf32, #tpu.memory_space<vmem>> -> memref<1x768x1024xf32, #tpu.memory_space<vmem>>
          %dma_start3A_192 = tpu.memref_squeeze %dma_start3A_191 : memref<1x768x1024xf32, #tpu.memory_space<vmem>> -> memref<768x1024xf32, #tpu.memory_space<vmem>>
          %dma_start3A_193 = arith.constant 0 : i32
          %dma_start3A_194 = tpu.memref_slice %arg13[%get3A_154, %dma_start3A_193, %mul3A_183] : memref<8x768x3072xf32, #tpu.memory_space<hbm>> -> memref<1x768x1024xf32, #tpu.memory_space<hbm>>
          %dma_start3A_195 = tpu.memref_squeeze %dma_start3A_194 : memref<1x768x1024xf32, #tpu.memory_space<hbm>> -> memref<768x1024xf32, #tpu.memory_space<hbm>>
          tpu.enqueue_dma source(%dma_start3A_195 : memref<768x1024xf32, #tpu.memory_space<hbm>>) target(%dma_start3A_192 : memref<768x1024xf32, #tpu.memory_space<vmem>>) target_semaphore(%dma_start3A_188 : memref<!tpu.dma_semaphore, #tpu.memory_space<semaphore_mem>>)
        } else {
        }
        %get3A_144 = arith.index_cast %arg1 : i32 to index
        %get3A_145 = memref.load %arg6[%get3A_144] : memref<24xi32, #tpu.memory_space<smem>>
        %eq3A_146 = arith.constant 0 : i32
        %eq3A_147 = arith.cmpi eq, %get3A_145, %eq3A_146 : i32
        %lt3A = arith.constant 2 : i32
        %lt3A_148 = arith.cmpi slt, %arg0, %lt3A : i32
        %and3A_149 = arith.andi %eq3A_147, %lt3A_148 : i1
        %convert_element_type3A_150 = arith.extui %and3A_149 : i1 to i32
        %cond3A_151 = arith.constant 0 : i32
        %cond3A_152 = arith.cmpi ne, %convert_element_type3A_150, %cond3A_151 : i32
        scf.if %cond3A_152 {
          %get3A_153 = arith.constant 0 : index
          %get3A_154 = memref.load %arg2[%get3A_153] : memref<24xi32, #tpu.memory_space<smem>>
          %add3A_155 = arith.constant 1 : i32
          %add3A_156 = arith.addi %arg0, %add3A_155 : i32
          %mul3A_157 = arith.constant 1024 : i32
          %mul3A_158 = arith.muli %add3A_156, %mul3A_157 : i32
          %dma_start3A = arith.constant 0 : i32
          %dma_start3A_159 = arith.constant 0 : i32
          %dma_start3A_160 = arith.constant 0 : i32
          %dma_start3A_161 = tpu.memref_slice %arg21[%dma_start3A_159, %dma_start3A_160] : memref<3x2x!tpu.dma_semaphore, #tpu.memory_space<semaphore_mem>> -> memref<1x1x!tpu.dma_semaphore, #tpu.memory_space<semaphore_mem>>
          %dma_start3A_162 = tpu.memref_squeeze %dma_start3A_161 : memref<1x1x!tpu.dma_semaphore, #tpu.memory_space<semaphore_mem>> -> memref<!tpu.dma_semaphore, #tpu.memory_space<semaphore_mem>>
          %dma_start3A_163 = arith.constant 0 : i32
          %dma_start3A_164 = arith.constant 0 : i32
          %dma_start3A_165 = tpu.memref_slice %arg15[%dma_start3A, %dma_start3A_163, %dma_start3A_164] : memref<2x1024x768xf32, #tpu.memory_space<vmem>> -> memref<1x1024x768xf32, #tpu.memory_space<vmem>>
          %dma_start3A_166 = tpu.memref_squeeze %dma_start3A_165 : memref<1x1024x768xf32, #tpu.memory_space<vmem>> -> memref<1024x768xf32, #tpu.memory_space<vmem>>
          %dma_start3A_167 = arith.constant 0 : i32
          %dma_start3A_168 = tpu.memref_slice %arg11[%get3A_154, %mul3A_158, %dma_start3A_167] : memref<8x3072x768xf32, #tpu.memory_space<hbm>> -> memref<1x1024x768xf32, #tpu.memory_space<hbm>>
          %dma_start3A_169 = tpu.memref_squeeze %dma_start3A_168 : memref<1x1024x768xf32, #tpu.memory_space<hbm>> -> memref<1024x768xf32, #tpu.memory_space<hbm>>
          tpu.enqueue_dma source(%dma_start3A_169 : memref<1024x768xf32, #tpu.memory_space<hbm>>) target(%dma_start3A_166 : memref<1024x768xf32, #tpu.memory_space<vmem>>) target_semaphore(%dma_start3A_162 : memref<!tpu.dma_semaphore, #tpu.memory_space<semaphore_mem>>)
          %mul3A_170 = arith.constant 1024 : i32
          %mul3A_171 = arith.muli %add3A_156, %mul3A_170 : i32
          %dma_start3A_172 = arith.constant 0 : i32
          %dma_start3A_173 = arith.constant 1 : i32
          %dma_start3A_174 = arith.constant 0 : i32
          %dma_start3A_175 = tpu.memref_slice %arg21[%dma_start3A_173, %dma_start3A_174] : memref<3x2x!tpu.dma_semaphore, #tpu.memory_space<semaphore_mem>> -> memref<1x1x!tpu.dma_semaphore, #tpu.memory_space<semaphore_mem>>
          %dma_start3A_176 = tpu.memref_squeeze %dma_start3A_175 : memref<1x1x!tpu.dma_semaphore, #tpu.memory_space<semaphore_mem>> -> memref<!tpu.dma_semaphore, #tpu.memory_space<semaphore_mem>>
          %dma_start3A_177 = arith.constant 0 : i32
          %dma_start3A_178 = arith.constant 0 : i32
          %dma_start3A_179 = tpu.memref_slice %arg16[%dma_start3A_172, %dma_start3A_177, %dma_start3A_178] : memref<2x1024x768xf32, #tpu.memory_space<vmem>> -> memref<1x1024x768xf32, #tpu.memory_space<vmem>>
          %dma_start3A_180 = tpu.memref_squeeze %dma_start3A_179 : memref<1x1024x768xf32, #tpu.memory_space<vmem>> -> memref<1024x768xf32, #tpu.memory_space<vmem>>
          %dma_start3A_181 = arith.constant 0 : i32
          %dma_start3A_182 = tpu.memref_slice %arg12[%get3A_154, %mul3A_171, %dma_start3A_181] : memref<8x3072x768xf32, #tpu.memory_space<hbm>> -> memref<1x1024x768xf32, #tpu.memory_space<hbm>>
          %dma_start3A_183 = tpu.memref_squeeze %dma_start3A_182 : memref<1x1024x768xf32, #tpu.memory_space<hbm>> -> memref<1024x768xf32, #tpu.memory_space<hbm>>
          tpu.enqueue_dma source(%dma_start3A_183 : memref<1024x768xf32, #tpu.memory_space<hbm>>) target(%dma_start3A_180 : memref<1024x768xf32, #tpu.memory_space<vmem>>) target_semaphore(%dma_start3A_176 : memref<!tpu.dma_semaphore, #tpu.memory_space<semaphore_mem>>)
          %mul3A_184 = arith.constant 1024 : i32
          %mul3A_185 = arith.muli %add3A_156, %mul3A_184 : i32
          %dma_start3A_186 = arith.constant 0 : i32
          %dma_start3A_187 = arith.constant 2 : i32
          %dma_start3A_188 = arith.constant 0 : i32
          %dma_start3A_189 = tpu.memref_slice %arg21[%dma_start3A_187, %dma_start3A_188] : memref<3x2x!tpu.dma_semaphore, #tpu.memory_space<semaphore_mem>> -> memref<1x1x!tpu.dma_semaphore, #tpu.memory_space<semaphore_mem>>
          %dma_start3A_190 = tpu.memref_squeeze %dma_start3A_189 : memref<1x1x!tpu.dma_semaphore, #tpu.memory_space<semaphore_mem>> -> memref<!tpu.dma_semaphore, #tpu.memory_space<semaphore_mem>>
          %dma_start3A_191 = arith.constant 0 : i32
          %dma_start3A_192 = arith.constant 0 : i32
          %dma_start3A_193 = tpu.memref_slice %arg17[%dma_start3A_186, %dma_start3A_191, %dma_start3A_192] : memref<2x768x1024xf32, #tpu.memory_space<vmem>> -> memref<1x768x1024xf32, #tpu.memory_space<vmem>>
          %dma_start3A_194 = tpu.memref_squeeze %dma_start3A_193 : memref<1x768x1024xf32, #tpu.memory_space<vmem>> -> memref<768x1024xf32, #tpu.memory_space<vmem>>
          %dma_start3A_195 = arith.constant 0 : i32
          %dma_start3A_196 = tpu.memref_slice %arg13[%get3A_154, %dma_start3A_195, %mul3A_185] : memref<8x768x3072xf32, #tpu.memory_space<hbm>> -> memref<1x768x1024xf32, #tpu.memory_space<hbm>>
          %dma_start3A_197 = tpu.memref_squeeze %dma_start3A_196 : memref<1x768x1024xf32, #tpu.memory_space<hbm>> -> memref<768x1024xf32, #tpu.memory_space<hbm>>
          tpu.enqueue_dma source(%dma_start3A_197 : memref<768x1024xf32, #tpu.memory_space<hbm>>) target(%dma_start3A_194 : memref<768x1024xf32, #tpu.memory_space<vmem>>) target_semaphore(%dma_start3A_190 : memref<!tpu.dma_semaphore, #tpu.memory_space<semaphore_mem>>)
        } else {
        }
      } else {
      }
      %eq3A_63 = arith.constant 1 : i32
      %eq3A_64 = arith.cmpi eq, %get3A_57, %eq3A_63 : i32
      %convert_element_type3A_65 = arith.extui %eq3A_64 : i1 to i32
      %cond3A_66 = arith.constant 0 : i32
      %cond3A_67 = arith.cmpi ne, %convert_element_type3A_65, %cond3A_66 : i32
      scf.if %cond3A_67 {
        %get3A_68 = arith.index_cast %arg1 : i32 to index
        %get3A_69 = memref.load %arg2[%get3A_68] : memref<24xi32, #tpu.memory_space<smem>>
        %mul3A_70 = arith.constant 1024 : i32
        %mul3A_71 = arith.muli %arg0, %mul3A_70 : i32
        %dma_wait3A = arith.constant 1 : i32
        %dma_wait3A_72 = arith.constant 0 : i32
        %dma_wait3A_73 = arith.constant 1 : i32
        %dma_wait3A_74 = tpu.memref_slice %arg21[%dma_wait3A_72, %dma_wait3A_73] : memref<3x2x!tpu.dma_semaphore, #tpu.memory_space<semaphore_mem>> -> memref<1x1x!tpu.dma_semaphore, #tpu.memory_space<semaphore_mem>>
        %dma_wait3A_75 = tpu.memref_squeeze %dma_wait3A_74 : memref<1x1x!tpu.dma_semaphore, #tpu.memory_space<semaphore_mem>> -> memref<!tpu.dma_semaphore, #tpu.memory_space<semaphore_mem>>
        %dma_wait3A_76 = arith.constant 0 : i32
        %dma_wait3A_77 = arith.constant 0 : i32
        %dma_wait3A_78 = tpu.memref_slice %arg15[%dma_wait3A, %dma_wait3A_76, %dma_wait3A_77] : memref<2x1024x768xf32, #tpu.memory_space<vmem>> -> memref<1x1024x768xf32, #tpu.memory_space<vmem>>
        %dma_wait3A_79 = tpu.memref_squeeze %dma_wait3A_78 : memref<1x1024x768xf32, #tpu.memory_space<vmem>> -> memref<1024x768xf32, #tpu.memory_space<vmem>>
        %dma_wait3A_80 = arith.constant 0 : i32
        %dma_wait3A_81 = tpu.memref_slice %arg11[%get3A_69, %mul3A_71, %dma_wait3A_80] : memref<8x3072x768xf32, #tpu.memory_space<hbm>> -> memref<1x1024x768xf32, #tpu.memory_space<hbm>>
        %dma_wait3A_82 = tpu.memref_squeeze %dma_wait3A_81 : memref<1x1024x768xf32, #tpu.memory_space<hbm>> -> memref<1024x768xf32, #tpu.memory_space<hbm>>
        tpu.wait_dma2 semaphore(%dma_wait3A_75 : memref<!tpu.dma_semaphore, #tpu.memory_space<semaphore_mem>>) src(%dma_wait3A_82 : memref<1024x768xf32, #tpu.memory_space<hbm>>) dst(%dma_wait3A_79 : memref<1024x768xf32, #tpu.memory_space<vmem>>)
        %mul3A_83 = arith.constant 1024 : i32
        %mul3A_84 = arith.muli %arg0, %mul3A_83 : i32
        %dma_wait3A_85 = arith.constant 1 : i32
        %dma_wait3A_86 = arith.constant 1 : i32
        %dma_wait3A_87 = arith.constant 1 : i32
        %dma_wait3A_88 = tpu.memref_slice %arg21[%dma_wait3A_86, %dma_wait3A_87] : memref<3x2x!tpu.dma_semaphore, #tpu.memory_space<semaphore_mem>> -> memref<1x1x!tpu.dma_semaphore, #tpu.memory_space<semaphore_mem>>
        %dma_wait3A_89 = tpu.memref_squeeze %dma_wait3A_88 : memref<1x1x!tpu.dma_semaphore, #tpu.memory_space<semaphore_mem>> -> memref<!tpu.dma_semaphore, #tpu.memory_space<semaphore_mem>>
        %dma_wait3A_90 = arith.constant 0 : i32
        %dma_wait3A_91 = arith.constant 0 : i32
        %dma_wait3A_92 = tpu.memref_slice %arg16[%dma_wait3A_85, %dma_wait3A_90, %dma_wait3A_91] : memref<2x1024x768xf32, #tpu.memory_space<vmem>> -> memref<1x1024x768xf32, #tpu.memory_space<vmem>>
        %dma_wait3A_93 = tpu.memref_squeeze %dma_wait3A_92 : memref<1x1024x768xf32, #tpu.memory_space<vmem>> -> memref<1024x768xf32, #tpu.memory_space<vmem>>
        %dma_wait3A_94 = arith.constant 0 : i32
        %dma_wait3A_95 = tpu.memref_slice %arg12[%get3A_69, %mul3A_84, %dma_wait3A_94] : memref<8x3072x768xf32, #tpu.memory_space<hbm>> -> memref<1x1024x768xf32, #tpu.memory_space<hbm>>
        %dma_wait3A_96 = tpu.memref_squeeze %dma_wait3A_95 : memref<1x1024x768xf32, #tpu.memory_space<hbm>> -> memref<1024x768xf32, #tpu.memory_space<hbm>>
        tpu.wait_dma2 semaphore(%dma_wait3A_89 : memref<!tpu.dma_semaphore, #tpu.memory_space<semaphore_mem>>) src(%dma_wait3A_96 : memref<1024x768xf32, #tpu.memory_space<hbm>>) dst(%dma_wait3A_93 : memref<1024x768xf32, #tpu.memory_space<vmem>>)
        %mul3A_97 = arith.constant 1024 : i32
        %mul3A_98 = arith.muli %arg0, %mul3A_97 : i32
        %dma_wait3A_99 = arith.constant 1 : i32
        %dma_wait3A_100 = arith.constant 2 : i32
        %dma_wait3A_101 = arith.constant 1 : i32
        %dma_wait3A_102 = tpu.memref_slice %arg21[%dma_wait3A_100, %dma_wait3A_101] : memref<3x2x!tpu.dma_semaphore, #tpu.memory_space<semaphore_mem>> -> memref<1x1x!tpu.dma_semaphore, #tpu.memory_space<semaphore_mem>>
        %dma_wait3A_103 = tpu.memref_squeeze %dma_wait3A_102 : memref<1x1x!tpu.dma_semaphore, #tpu.memory_space<semaphore_mem>> -> memref<!tpu.dma_semaphore, #tpu.memory_space<semaphore_mem>>
        %dma_wait3A_104 = arith.constant 0 : i32
        %dma_wait3A_105 = arith.constant 0 : i32
        %dma_wait3A_106 = tpu.memref_slice %arg17[%dma_wait3A_99, %dma_wait3A_104, %dma_wait3A_105] : memref<2x768x1024xf32, #tpu.memory_space<vmem>> -> memref<1x768x1024xf32, #tpu.memory_space<vmem>>
        %dma_wait3A_107 = tpu.memref_squeeze %dma_wait3A_106 : memref<1x768x1024xf32, #tpu.memory_space<vmem>> -> memref<768x1024xf32, #tpu.memory_space<vmem>>
        %dma_wait3A_108 = arith.constant 0 : i32
        %dma_wait3A_109 = tpu.memref_slice %arg13[%get3A_69, %dma_wait3A_108, %mul3A_98] : memref<8x768x3072xf32, #tpu.memory_space<hbm>> -> memref<1x768x1024xf32, #tpu.memory_space<hbm>>
        %dma_wait3A_110 = tpu.memref_squeeze %dma_wait3A_109 : memref<1x768x1024xf32, #tpu.memory_space<hbm>> -> memref<768x1024xf32, #tpu.memory_space<hbm>>
        tpu.wait_dma2 semaphore(%dma_wait3A_103 : memref<!tpu.dma_semaphore, #tpu.memory_space<semaphore_mem>>) src(%dma_wait3A_110 : memref<768x1024xf32, #tpu.memory_space<hbm>>) dst(%dma_wait3A_107 : memref<768x1024xf32, #tpu.memory_space<vmem>>)
        %get3A_111 = arith.constant 1 : index
        %get3A_112 = arith.constant 0 : index
        %get3A_113 = arith.constant 0 : index
        %get3A_114 = vector.load %arg15[%get3A_111, %get3A_112, %get3A_113] : memref<2x1024x768xf32, #tpu.memory_space<vmem>>, vector<1x1024x768xf32>
        %get3A_115 = vector.shape_cast %get3A_114 : vector<1x1024x768xf32> to vector<1024x768xf32>
        %convert_element_type3A_116 = arith.truncf %get3A_115 : vector<1024x768xf32> to vector<1024x768xbf16>
        %swap3A = arith.constant 0 : index
        %swap3A_117 = arith.constant 0 : index
        %swap3A_118 = vector.load %arg18[%swap3A, %swap3A_117] : memref<1024x768xbf16, #tpu.memory_space<vmem>>, vector<1024x768xbf16>
        tpu.vector_store %arg18[%swap3A, %swap3A_117], %convert_element_type3A_116 {strides = array<i32>} : memref<1024x768xbf16, #tpu.memory_space<vmem>>, vector<1024x768xbf16>,
        %get3A_119 = arith.constant 1 : index
        %get3A_120 = arith.constant 0 : index
        %get3A_121 = arith.constant 0 : index
        %get3A_122 = vector.load %arg16[%get3A_119, %get3A_120, %get3A_121] : memref<2x1024x768xf32, #tpu.memory_space<vmem>>, vector<1x1024x768xf32>
        %get3A_123 = vector.shape_cast %get3A_122 : vector<1x1024x768xf32> to vector<1024x768xf32>
        %convert_element_type3A_124 = arith.truncf %get3A_123 : vector<1024x768xf32> to vector<1024x768xbf16>
        %swap3A_125 = arith.constant 0 : index
        %swap3A_126 = arith.constant 0 : index
        %swap3A_127 = vector.load %arg19[%swap3A_125, %swap3A_126] : memref<1024x768xbf16, #tpu.memory_space<vmem>>, vector<1024x768xbf16>
        tpu.vector_store %arg19[%swap3A_125, %swap3A_126], %convert_element_type3A_124 {strides = array<i32>} : memref<1024x768xbf16, #tpu.memory_space<vmem>>, vector<1024x768xbf16>,
        %get3A_128 = arith.constant 1 : index
        %get3A_129 = arith.constant 0 : index
        %get3A_130 = arith.constant 0 : index
        %get3A_131 = vector.load %arg17[%get3A_128, %get3A_129, %get3A_130] : memref<2x768x1024xf32, #tpu.memory_space<vmem>>, vector<1x768x1024xf32>
        %get3A_132 = vector.shape_cast %get3A_131 : vector<1x768x1024xf32> to vector<768x1024xf32>
        %convert_element_type3A_133 = arith.truncf %get3A_132 : vector<768x1024xf32> to vector<768x1024xbf16>
        %swap3A_134 = arith.constant 0 : index
        %swap3A_135 = arith.constant 0 : index
        %swap3A_136 = vector.load %arg20[%swap3A_134, %swap3A_135] : memref<768x1024xbf16, #tpu.memory_space<vmem>>, vector<768x1024xbf16>
        tpu.vector_store %arg20[%swap3A_134, %swap3A_135], %convert_element_type3A_133 {strides = array<i32>} : memref<768x1024xbf16, #tpu.memory_space<vmem>>, vector<768x1024xbf16>,
        %get3A_137 = arith.index_cast %arg1 : i32 to index
        %get3A_138 = memref.load %arg6[%get3A_137] : memref<24xi32, #tpu.memory_space<smem>>
        %eq3A_139 = arith.constant 1 : i32
        %eq3A_140 = arith.cmpi eq, %get3A_138, %eq3A_139 : i32
        %convert_element_type3A_141 = arith.extui %eq3A_140 : i1 to i32
        %cond3A_142 = arith.constant 0 : i32
        %cond3A_143 = arith.cmpi ne, %convert_element_type3A_141, %cond3A_142 : i32
        scf.if %cond3A_143 {
          %get3A_153 = arith.index_cast %arg1 : i32 to index
          %get3A_154 = memref.load %arg5[%get3A_153] : memref<24xi32, #tpu.memory_space<smem>>
          %mul3A_155 = arith.constant 1024 : i32
          %mul3A_156 = arith.muli %arg0, %mul3A_155 : i32
          %dma_start3A = arith.constant 0 : i32
          %dma_start3A_157 = arith.constant 0 : i32
          %dma_start3A_158 = arith.constant 0 : i32
          %dma_start3A_159 = tpu.memref_slice %arg21[%dma_start3A_157, %dma_start3A_158] : memref<3x2x!tpu.dma_semaphore, #tpu.memory_space<semaphore_mem>> -> memref<1x1x!tpu.dma_semaphore, #tpu.memory_space<semaphore_mem>>
          %dma_start3A_160 = tpu.memref_squeeze %dma_start3A_159 : memref<1x1x!tpu.dma_semaphore, #tpu.memory_space<semaphore_mem>> -> memref<!tpu.dma_semaphore, #tpu.memory_space<semaphore_mem>>
          %dma_start3A_161 = arith.constant 0 : i32
          %dma_start3A_162 = arith.constant 0 : i32
          %dma_start3A_163 = tpu.memref_slice %arg15[%dma_start3A, %dma_start3A_161, %dma_start3A_162] : memref<2x1024x768xf32, #tpu.memory_space<vmem>> -> memref<1x1024x768xf32, #tpu.memory_space<vmem>>
          %dma_start3A_164 = tpu.memref_squeeze %dma_start3A_163 : memref<1x1024x768xf32, #tpu.memory_space<vmem>> -> memref<1024x768xf32, #tpu.memory_space<vmem>>
          %dma_start3A_165 = arith.constant 0 : i32
          %dma_start3A_166 = tpu.memref_slice %arg11[%get3A_154, %mul3A_156, %dma_start3A_165] : memref<8x3072x768xf32, #tpu.memory_space<hbm>> -> memref<1x1024x768xf32, #tpu.memory_space<hbm>>
          %dma_start3A_167 = tpu.memref_squeeze %dma_start3A_166 : memref<1x1024x768xf32, #tpu.memory_space<hbm>> -> memref<1024x768xf32, #tpu.memory_space<hbm>>
          tpu.enqueue_dma source(%dma_start3A_167 : memref<1024x768xf32, #tpu.memory_space<hbm>>) target(%dma_start3A_164 : memref<1024x768xf32, #tpu.memory_space<vmem>>) target_semaphore(%dma_start3A_160 : memref<!tpu.dma_semaphore, #tpu.memory_space<semaphore_mem>>)
          %mul3A_168 = arith.constant 1024 : i32
          %mul3A_169 = arith.muli %arg0, %mul3A_168 : i32
          %dma_start3A_170 = arith.constant 0 : i32
          %dma_start3A_171 = arith.constant 1 : i32
          %dma_start3A_172 = arith.constant 0 : i32
          %dma_start3A_173 = tpu.memref_slice %arg21[%dma_start3A_171, %dma_start3A_172] : memref<3x2x!tpu.dma_semaphore, #tpu.memory_space<semaphore_mem>> -> memref<1x1x!tpu.dma_semaphore, #tpu.memory_space<semaphore_mem>>
          %dma_start3A_174 = tpu.memref_squeeze %dma_start3A_173 : memref<1x1x!tpu.dma_semaphore, #tpu.memory_space<semaphore_mem>> -> memref<!tpu.dma_semaphore, #tpu.memory_space<semaphore_mem>>
          %dma_start3A_175 = arith.constant 0 : i32
          %dma_start3A_176 = arith.constant 0 : i32
          %dma_start3A_177 = tpu.memref_slice %arg16[%dma_start3A_170, %dma_start3A_175, %dma_start3A_176] : memref<2x1024x768xf32, #tpu.memory_space<vmem>> -> memref<1x1024x768xf32, #tpu.memory_space<vmem>>
          %dma_start3A_178 = tpu.memref_squeeze %dma_start3A_177 : memref<1x1024x768xf32, #tpu.memory_space<vmem>> -> memref<1024x768xf32, #tpu.memory_space<vmem>>
          %dma_start3A_179 = arith.constant 0 : i32
          %dma_start3A_180 = tpu.memref_slice %arg12[%get3A_154, %mul3A_169, %dma_start3A_179] : memref<8x3072x768xf32, #tpu.memory_space<hbm>> -> memref<1x1024x768xf32, #tpu.memory_space<hbm>>
          %dma_start3A_181 = tpu.memref_squeeze %dma_start3A_180 : memref<1x1024x768xf32, #tpu.memory_space<hbm>> -> memref<1024x768xf32, #tpu.memory_space<hbm>>
          tpu.enqueue_dma source(%dma_start3A_181 : memref<1024x768xf32, #tpu.memory_space<hbm>>) target(%dma_start3A_178 : memref<1024x768xf32, #tpu.memory_space<vmem>>) target_semaphore(%dma_start3A_174 : memref<!tpu.dma_semaphore, #tpu.memory_space<semaphore_mem>>)
          %mul3A_182 = arith.constant 1024 : i32
          %mul3A_183 = arith.muli %arg0, %mul3A_182 : i32
          %dma_start3A_184 = arith.constant 0 : i32
          %dma_start3A_185 = arith.constant 2 : i32
          %dma_start3A_186 = arith.constant 0 : i32
          %dma_start3A_187 = tpu.memref_slice %arg21[%dma_start3A_185, %dma_start3A_186] : memref<3x2x!tpu.dma_semaphore, #tpu.memory_space<semaphore_mem>> -> memref<1x1x!tpu.dma_semaphore, #tpu.memory_space<semaphore_mem>>
          %dma_start3A_188 = tpu.memref_squeeze %dma_start3A_187 : memref<1x1x!tpu.dma_semaphore, #tpu.memory_space<semaphore_mem>> -> memref<!tpu.dma_semaphore, #tpu.memory_space<semaphore_mem>>
          %dma_start3A_189 = arith.constant 0 : i32
          %dma_start3A_190 = arith.constant 0 : i32
          %dma_start3A_191 = tpu.memref_slice %arg17[%dma_start3A_184, %dma_start3A_189, %dma_start3A_190] : memref<2x768x1024xf32, #tpu.memory_space<vmem>> -> memref<1x768x1024xf32, #tpu.memory_space<vmem>>
          %dma_start3A_192 = tpu.memref_squeeze %dma_start3A_191 : memref<1x768x1024xf32, #tpu.memory_space<vmem>> -> memref<768x1024xf32, #tpu.memory_space<vmem>>
          %dma_start3A_193 = arith.constant 0 : i32
          %dma_start3A_194 = tpu.memref_slice %arg13[%get3A_154, %dma_start3A_193, %mul3A_183] : memref<8x768x3072xf32, #tpu.memory_space<hbm>> -> memref<1x768x1024xf32, #tpu.memory_space<hbm>>
          %dma_start3A_195 = tpu.memref_squeeze %dma_start3A_194 : memref<1x768x1024xf32, #tpu.memory_space<hbm>> -> memref<768x1024xf32, #tpu.memory_space<hbm>>
          tpu.enqueue_dma source(%dma_start3A_195 : memref<768x1024xf32, #tpu.memory_space<hbm>>) target(%dma_start3A_192 : memref<768x1024xf32, #tpu.memory_space<vmem>>) target_semaphore(%dma_start3A_188 : memref<!tpu.dma_semaphore, #tpu.memory_space<semaphore_mem>>)
        } else {
        }
        %get3A_144 = arith.index_cast %arg1 : i32 to index
        %get3A_145 = memref.load %arg6[%get3A_144] : memref<24xi32, #tpu.memory_space<smem>>
        %eq3A_146 = arith.constant 0 : i32
        %eq3A_147 = arith.cmpi eq, %get3A_145, %eq3A_146 : i32
        %lt3A = arith.constant 2 : i32
        %lt3A_148 = arith.cmpi slt, %arg0, %lt3A : i32
        %and3A_149 = arith.andi %eq3A_147, %lt3A_148 : i1
        %convert_element_type3A_150 = arith.extui %and3A_149 : i1 to i32
        %cond3A_151 = arith.constant 0 : i32
        %cond3A_152 = arith.cmpi ne, %convert_element_type3A_150, %cond3A_151 : i32
        scf.if %cond3A_152 {
          %get3A_153 = arith.constant 0 : index
          %get3A_154 = memref.load %arg2[%get3A_153] : memref<24xi32, #tpu.memory_space<smem>>
          %add3A_155 = arith.constant 1 : i32
          %add3A_156 = arith.addi %arg0, %add3A_155 : i32
          %mul3A_157 = arith.constant 1024 : i32
          %mul3A_158 = arith.muli %add3A_156, %mul3A_157 : i32
          %dma_start3A = arith.constant 0 : i32
          %dma_start3A_159 = arith.constant 0 : i32
          %dma_start3A_160 = arith.constant 0 : i32
          %dma_start3A_161 = tpu.memref_slice %arg21[%dma_start3A_159, %dma_start3A_160] : memref<3x2x!tpu.dma_semaphore, #tpu.memory_space<semaphore_mem>> -> memref<1x1x!tpu.dma_semaphore, #tpu.memory_space<semaphore_mem>>
          %dma_start3A_162 = tpu.memref_squeeze %dma_start3A_161 : memref<1x1x!tpu.dma_semaphore, #tpu.memory_space<semaphore_mem>> -> memref<!tpu.dma_semaphore, #tpu.memory_space<semaphore_mem>>
          %dma_start3A_163 = arith.constant 0 : i32
          %dma_start3A_164 = arith.constant 0 : i32
          %dma_start3A_165 = tpu.memref_slice %arg15[%dma_start3A, %dma_start3A_163, %dma_start3A_164] : memref<2x1024x768xf32, #tpu.memory_space<vmem>> -> memref<1x1024x768xf32, #tpu.memory_space<vmem>>
          %dma_start3A_166 = tpu.memref_squeeze %dma_start3A_165 : memref<1x1024x768xf32, #tpu.memory_space<vmem>> -> memref<1024x768xf32, #tpu.memory_space<vmem>>
          %dma_start3A_167 = arith.constant 0 : i32
          %dma_start3A_168 = tpu.memref_slice %arg11[%get3A_154, %mul3A_158, %dma_start3A_167] : memref<8x3072x768xf32, #tpu.memory_space<hbm>> -> memref<1x1024x768xf32, #tpu.memory_space<hbm>>
          %dma_start3A_169 = tpu.memref_squeeze %dma_start3A_168 : memref<1x1024x768xf32, #tpu.memory_space<hbm>> -> memref<1024x768xf32, #tpu.memory_space<hbm>>
          tpu.enqueue_dma source(%dma_start3A_169 : memref<1024x768xf32, #tpu.memory_space<hbm>>) target(%dma_start3A_166 : memref<1024x768xf32, #tpu.memory_space<vmem>>) target_semaphore(%dma_start3A_162 : memref<!tpu.dma_semaphore, #tpu.memory_space<semaphore_mem>>)
          %mul3A_170 = arith.constant 1024 : i32
          %mul3A_171 = arith.muli %add3A_156, %mul3A_170 : i32
          %dma_start3A_172 = arith.constant 0 : i32
          %dma_start3A_173 = arith.constant 1 : i32
          %dma_start3A_174 = arith.constant 0 : i32
          %dma_start3A_175 = tpu.memref_slice %arg21[%dma_start3A_173, %dma_start3A_174] : memref<3x2x!tpu.dma_semaphore, #tpu.memory_space<semaphore_mem>> -> memref<1x1x!tpu.dma_semaphore, #tpu.memory_space<semaphore_mem>>
          %dma_start3A_176 = tpu.memref_squeeze %dma_start3A_175 : memref<1x1x!tpu.dma_semaphore, #tpu.memory_space<semaphore_mem>> -> memref<!tpu.dma_semaphore, #tpu.memory_space<semaphore_mem>>
          %dma_start3A_177 = arith.constant 0 : i32
          %dma_start3A_178 = arith.constant 0 : i32
          %dma_start3A_179 = tpu.memref_slice %arg16[%dma_start3A_172, %dma_start3A_177, %dma_start3A_178] : memref<2x1024x768xf32, #tpu.memory_space<vmem>> -> memref<1x1024x768xf32, #tpu.memory_space<vmem>>
          %dma_start3A_180 = tpu.memref_squeeze %dma_start3A_179 : memref<1x1024x768xf32, #tpu.memory_space<vmem>> -> memref<1024x768xf32, #tpu.memory_space<vmem>>
          %dma_start3A_181 = arith.constant 0 : i32
          %dma_start3A_182 = tpu.memref_slice %arg12[%get3A_154, %mul3A_171, %dma_start3A_181] : memref<8x3072x768xf32, #tpu.memory_space<hbm>> -> memref<1x1024x768xf32, #tpu.memory_space<hbm>>
          %dma_start3A_183 = tpu.memref_squeeze %dma_start3A_182 : memref<1x1024x768xf32, #tpu.memory_space<hbm>> -> memref<1024x768xf32, #tpu.memory_space<hbm>>
          tpu.enqueue_dma source(%dma_start3A_183 : memref<1024x768xf32, #tpu.memory_space<hbm>>) target(%dma_start3A_180 : memref<1024x768xf32, #tpu.memory_space<vmem>>) target_semaphore(%dma_start3A_176 : memref<!tpu.dma_semaphore, #tpu.memory_space<semaphore_mem>>)
          %mul3A_184 = arith.constant 1024 : i32
          %mul3A_185 = arith.muli %add3A_156, %mul3A_184 : i32
          %dma_start3A_186 = arith.constant 0 : i32
          %dma_start3A_187 = arith.constant 2 : i32
          %dma_start3A_188 = arith.constant 0 : i32
          %dma_start3A_189 = tpu.memref_slice %arg21[%dma_start3A_187, %dma_start3A_188] : memref<3x2x!tpu.dma_semaphore, #tpu.memory_space<semaphore_mem>> -> memref<1x1x!tpu.dma_semaphore, #tpu.memory_space<semaphore_mem>>
          %dma_start3A_190 = tpu.memref_squeeze %dma_start3A_189 : memref<1x1x!tpu.dma_semaphore, #tpu.memory_space<semaphore_mem>> -> memref<!tpu.dma_semaphore, #tpu.memory_space<semaphore_mem>>
          %dma_start3A_191 = arith.constant 0 : i32
          %dma_start3A_192 = arith.constant 0 : i32
          %dma_start3A_193 = tpu.memref_slice %arg17[%dma_start3A_186, %dma_start3A_191, %dma_start3A_192] : memref<2x768x1024xf32, #tpu.memory_space<vmem>> -> memref<1x768x1024xf32, #tpu.memory_space<vmem>>
          %dma_start3A_194 = tpu.memref_squeeze %dma_start3A_193 : memref<1x768x1024xf32, #tpu.memory_space<vmem>> -> memref<768x1024xf32, #tpu.memory_space<vmem>>
          %dma_start3A_195 = arith.constant 0 : i32
          %dma_start3A_196 = tpu.memref_slice %arg13[%get3A_154, %dma_start3A_195, %mul3A_185] : memref<8x768x3072xf32, #tpu.memory_space<hbm>> -> memref<1x768x1024xf32, #tpu.memory_space<hbm>>
          %dma_start3A_197 = tpu.memref_squeeze %dma_start3A_196 : memref<1x768x1024xf32, #tpu.memory_space<hbm>> -> memref<768x1024xf32, #tpu.memory_space<hbm>>
          tpu.enqueue_dma source(%dma_start3A_197 : memref<768x1024xf32, #tpu.memory_space<hbm>>) target(%dma_start3A_194 : memref<768x1024xf32, #tpu.memory_space<vmem>>) target_semaphore(%dma_start3A_190 : memref<!tpu.dma_semaphore, #tpu.memory_space<semaphore_mem>>)
        } else {
        }
      } else {
      }
    } else {
    }
    %get3A_10 = arith.constant 0 : index
    %get3A_11 = arith.constant 0 : index
    %get3A_12 = vector.load %arg7[%get3A_10, %get3A_11] : memref<256x768xf32, #tpu.memory_space<vmem>>, vector<256x768xf32>
    %convert_element_type3A_13 = arith.truncf %get3A_12 : vector<256x768xf32> to vector<256x768xbf16>
    %get3A_14 = arith.constant 0 : index
    %get3A_15 = arith.constant 0 : index
    %get3A_16 = vector.load %arg18[%get3A_14, %get3A_15] : memref<1024x768xbf16, #tpu.memory_space<vmem>>, vector<1024x768xbf16>
    %dot_general3A = arith.constant dense<0.000000e+00> : vector<256x1024xf32>
    %dot_general3A_17 = tpu.matmul %convert_element_type3A_13, %get3A_16, %dot_general3A {dimension_numbers = #tpu.dot_dimension_numbers<[1], [1], [0], [0], [0, 0, 1, 0], [], []>, transpose_lhs_hint = false} : vector<256x768xbf16>, vector<1024x768xbf16>, vector<256x1024xf32> -> vector<256x1024xf32>
    %get3A_18 = arith.constant 0 : index
    %get3A_19 = arith.constant 0 : index
    %get3A_20 = arith.constant 0 : index
    %get3A_21 = vector.load %arg8[%get3A_18, %get3A_19, %get3A_20] : memref<1x1x1024xf32, #tpu.memory_space<vmem>>, vector<1x1x1024xf32>
    %get3A_22 = vector.shape_cast %get3A_21 : vector<1x1x1024xf32> to vector<1x1024xf32>
    %add3A = vector.broadcast %get3A_22 : vector<1x1024xf32> to vector<256x1024xf32>
    %add3A_23 = arith.addf %dot_general3A_17, %add3A : vector<256x1024xf32>
    %get3A_24 = arith.constant 0 : index
    %get3A_25 = arith.constant 0 : index
    %get3A_26 = vector.load %arg19[%get3A_24, %get3A_25] : memref<1024x768xbf16, #tpu.memory_space<vmem>>, vector<1024x768xbf16>
    %dot_general3A_27 = arith.constant dense<0.000000e+00> : vector<256x1024xf32>
    %dot_general3A_28 = tpu.matmul %convert_element_type3A_13, %get3A_26, %dot_general3A_27 {dimension_numbers = #tpu.dot_dimension_numbers<[1], [1], [0], [0], [0, 0, 1, 0], [], []>, transpose_lhs_hint = false} : vector<256x768xbf16>, vector<1024x768xbf16>, vector<256x1024xf32> -> vector<256x1024xf32>
    %get3A_29 = arith.constant 0 : index
    %get3A_30 = arith.constant 0 : index
    %get3A_31 = arith.constant 0 : index
    %get3A_32 = vector.load %arg9[%get3A_29, %get3A_30, %get3A_31] : memref<1x1x1024xf32, #tpu.memory_space<vmem>>, vector<1x1x1024xf32>
    %get3A_33 = vector.shape_cast %get3A_32 : vector<1x1x1024xf32> to vector<1x1024xf32>
    %add3A_34 = vector.broadcast %get3A_33 : vector<1x1024xf32> to vector<256x1024xf32>
    %add3A_35 = arith.addf %dot_general3A_28, %add3A_34 : vector<256x1024xf32>
    %neg3A = arith.constant 0.000000e+00 : f32
    %neg3A_36 = vector.broadcast %neg3A : f32 to vector<256x1024xf32>
    %neg3A_37 = arith.subf %neg3A_36, %add3A_23 : vector<256x1024xf32>
    %exp3A = math.exp %neg3A_37 : vector<256x1024xf32>
    %add3A_38 = arith.constant 1.000000e+00 : f32
    %add3A_39 = vector.broadcast %add3A_38 : f32 to vector<256x1024xf32>
    %add3A_40 = arith.addf %add3A_39, %exp3A : vector<256x1024xf32>
    %div3A = arith.divf %add3A_23, %add3A_40 : vector<256x1024xf32>
    %mul3A = arith.mulf %div3A, %add3A_35 : vector<256x1024xf32>
    %convert_element_type3A_41 = arith.truncf %mul3A : vector<256x1024xf32> to vector<256x1024xbf16>
    %get3A_42 = arith.constant 0 : index
    %get3A_43 = arith.constant 0 : index
    %get3A_44 = vector.load %arg20[%get3A_42, %get3A_43] : memref<768x1024xbf16, #tpu.memory_space<vmem>>, vector<768x1024xbf16>
    %dot_general3A_45 = arith.constant dense<0.000000e+00> : vector<256x768xf32>
    %dot_general3A_46 = tpu.matmul %convert_element_type3A_41, %get3A_44, %dot_general3A_45 {dimension_numbers = #tpu.dot_dimension_numbers<[1], [1], [0], [0], [0, 0, 1, 0], [], []>, transpose_lhs_hint = false} : vector<256x1024xbf16>, vector<768x1024xbf16>, vector<256x768xf32> -> vector<256x768xf32>
    %eq3A_47 = arith.constant 0 : i32
    %eq3A_48 = arith.cmpi eq, %arg0, %eq3A_47 : i32
    %convert_element_type3A_49 = arith.extui %eq3A_48 : i1 to i32
    %cond3A_50 = arith.constant 0 : i32
    %cond3A_51 = arith.cmpi ne, %convert_element_type3A_49, %cond3A_50 : i32
    scf.if %cond3A_51 {
      %get3A_56 = arith.constant 0 : index
      %get3A_57 = arith.constant 0 : index
      %get3A_58 = arith.constant 0 : index
      %get3A_59 = vector.load %arg10[%get3A_56, %get3A_57, %get3A_58] : memref<1x1x768xf32, #tpu.memory_space<vmem>>, vector<1x1x768xf32>
      %get3A_60 = vector.shape_cast %get3A_59 : vector<1x1x768xf32> to vector<1x768xf32>
      %add3A_61 = vector.broadcast %get3A_60 : vector<1x768xf32> to vector<256x768xf32>
      %add3A_62 = arith.addf %dot_general3A_46, %add3A_61 : vector<256x768xf32>
      %mul3A_63 = arith.constant 256 : i32
      %mul3A_64 = arith.muli %arg1, %mul3A_63 : i32
      %swap3A = arith.index_cast %mul3A_64 : i32 to index
      %swap3A_65 = arith.constant 0 : index
      %swap3A_66 = vector.load %arg14[%swap3A, %swap3A_65] : memref<6144x768xf32, #tpu.memory_space<vmem>>, vector<256x768xf32>
      tpu.vector_store %arg14[%swap3A, %swap3A_65], %add3A_62 {strides = array<i32>} : memref<6144x768xf32, #tpu.memory_space<vmem>>, vector<256x768xf32>,
    } else {
    }
    %gt3A = arith.constant 0 : i32
    %gt3A_52 = arith.cmpi sgt, %arg0, %gt3A : i32
    %convert_element_type3A_53 = arith.extui %gt3A_52 : i1 to i32
    %cond3A_54 = arith.constant 0 : i32
    %cond3A_55 = arith.cmpi ne, %convert_element_type3A_53, %cond3A_54 : i32
    scf.if %cond3A_55 {
      %mul3A_56 = arith.constant 256 : i32
      %mul3A_57 = arith.muli %arg1, %mul3A_56 : i32
      %get3A_58 = arith.index_cast %mul3A_57 : i32 to index
      %get3A_59 = arith.constant 0 : index
      %get3A_60 = vector.load %arg14[%get3A_58, %get3A_59] : memref<6144x768xf32, #tpu.memory_space<vmem>>, vector<256x768xf32>
      %add3A_61 = arith.addf %get3A_60, %dot_general3A_46 : vector<256x768xf32>
      %swap3A = arith.index_cast %mul3A_57 : i32 to index
      %swap3A_62 = arith.constant 0 : index
      %swap3A_63 = vector.load %arg14[%swap3A, %swap3A_62] : memref<6144x768xf32, #tpu.memory_space<vmem>>, vector<256x768xf32>
      tpu.vector_store %arg14[%swap3A, %swap3A_62], %add3A_61 {strides = array<i32>} : memref<6144x768xf32, #tpu.memory_space<vmem>>, vector<256x768xf32>,
    } else {
    }
    return
  }
  func.func @transform_0(%arg0: i32, %arg1: i32, %arg2: memref<24xi32, #tpu.memory_space<smem>>, %arg3: memref<24xi32, #tpu.memory_space<smem>>, %arg4: memref<24xi32, #tpu.memory_space<smem>>, %arg5: memref<24xi32, #tpu.memory_space<smem>>, %arg6: memref<24xi32, #tpu.memory_space<smem>>) -> (i32, i32) {
    %c0_i32 = arith.constant 0 : i32
    %c0_i32_0 = arith.constant 0 : i32
    return %arg1, %c0_i32 : i32, i32
  }
  func.func @transform_1(%arg0: i32, %arg1: i32, %arg2: memref<24xi32, #tpu.memory_space<smem>>, %arg3: memref<24xi32, #tpu.memory_space<smem>>, %arg4: memref<24xi32, #tpu.memory_space<smem>>, %arg5: memref<24xi32, #tpu.memory_space<smem>>, %arg6: memref<24xi32, #tpu.memory_space<smem>>) -> (i32, i32, i32) {
    %get3A = arith.index_cast %arg1 : i32 to index
    %get3A_0 = memref.load %arg2[%get3A] : memref<24xi32, #tpu.memory_space<smem>>
    %mul3A = arith.constant 3 : i32
    %mul3A_1 = arith.muli %get3A_0, %mul3A : i32
    %add3A = arith.addi %mul3A_1, %arg0 : i32
    %c0_i32 = arith.constant 0 : i32
    %c0_i32_2 = arith.constant 0 : i32
    %c0_i32_3 = arith.constant 0 : i32
    return %add3A, %c0_i32, %c0_i32_2 : i32, i32, i32
  }
  func.func @transform_2(%arg0: i32, %arg1: i32, %arg2: memref<24xi32, #tpu.memory_space<smem>>, %arg3: memref<24xi32, #tpu.memory_space<smem>>, %arg4: memref<24xi32, #tpu.memory_space<smem>>, %arg5: memref<24xi32, #tpu.memory_space<smem>>, %arg6: memref<24xi32, #tpu.memory_space<smem>>) -> (i32, i32, i32) {
    %get3A = arith.index_cast %arg1 : i32 to index
    %get3A_0 = memref.load %arg2[%get3A] : memref<24xi32, #tpu.memory_space<smem>>
    %mul3A = arith.constant 3 : i32
    %mul3A_1 = arith.muli %get3A_0, %mul3A : i32
    %add3A = arith.addi %mul3A_1, %arg0 : i32
    %c0_i32 = arith.constant 0 : i32
    %c0_i32_2 = arith.constant 0 : i32
    %c0_i32_3 = arith.constant 0 : i32
    return %add3A, %c0_i32, %c0_i32_2 : i32, i32, i32
  }
  func.func @transform_3(%arg0: i32, %arg1: i32, %arg2: memref<24xi32, #tpu.memory_space<smem>>, %arg3: memref<24xi32, #tpu.memory_space<smem>>, %arg4: memref<24xi32, #tpu.memory_space<smem>>, %arg5: memref<24xi32, #tpu.memory_space<smem>>, %arg6: memref<24xi32, #tpu.memory_space<smem>>) -> (i32, i32, i32) {
    %get3A = arith.index_cast %arg1 : i32 to index
    %get3A_0 = memref.load %arg2[%get3A] : memref<24xi32, #tpu.memory_space<smem>>
    %c0_i32 = arith.constant 0 : i32
    %c0_i32_1 = arith.constant 0 : i32
    %c0_i32_2 = arith.constant 0 : i32
    return %get3A_0, %c0_i32, %c0_i32_1 : i32, i32, i32
  }
  func.func @transform_7(%arg0: i32, %arg1: i32, %arg2: memref<24xi32, #tpu.memory_space<smem>>, %arg3: memref<24xi32, #tpu.memory_space<smem>>, %arg4: memref<24xi32, #tpu.memory_space<smem>>, %arg5: memref<24xi32, #tpu.memory_space<smem>>, %arg6: memref<24xi32, #tpu.memory_space<smem>>) -> (i32, i32) {
    %c0_i32 = arith.constant 0 : i32
    %c0_i32_0 = arith.constant 0 : i32
    %c0_i32_1 = arith.constant 0 : i32
    return %c0_i32, %c0_i32_0 : i32, i32
  }
}

module attributes {stable_mosaic.version = 14 : i64} {
  func.func @_final_body(%arg0: i32, %arg1: memref<256x768xf32, #tpu.memory_space<vmem>>, %arg2: memref<256x768xf32, #tpu.memory_space<vmem>>, %arg3: memref<256x768xf32, #tpu.memory_space<vmem>>, %arg4: memref<256x8xf32, #tpu.memory_space<vmem>>, %arg5: memref<1x768xf32, #tpu.memory_space<vmem>>, %arg6: memref<1x768xf32, #tpu.memory_space<vmem>>, %arg7: memref<256x768xf32, #tpu.memory_space<vmem>>) attributes {dimension_semantics = [#tpu.dimension_semantics<arbitrary>], iteration_bounds = array<i64: 8>, scalar_prefetch = 0 : i64, scratch_operands = 0 : i64, tpu.core_type = #tpu.core_type<tc>, window_params = [{transform_indices = @transform_0, window_bounds = array<i64: 256, 768>}, {transform_indices = @transform_1, window_bounds = array<i64: 256, 768>}, {transform_indices = @transform_2, window_bounds = array<i64: 256, 768>}, {transform_indices = @transform_3, window_bounds = array<i64: 256, 8>}, {pipeline_mode = #tpu.pipeline_mode<synchronous>, transform_indices = @transform_4, window_bounds = array<i64: 1, 768>}, {pipeline_mode = #tpu.pipeline_mode<synchronous>, transform_indices = @transform_5, window_bounds = array<i64: 1, 768>}, {transform_indices = @transform_6, window_bounds = array<i64: 256, 768>}]} {
    %get3A = arith.constant 0 : index
    %get3A_0 = arith.constant 0 : index
    %get3A_1 = vector.load %arg4[%get3A, %get3A_0] : memref<256x8xf32, #tpu.memory_space<vmem>>, vector<256x1xf32>
    %get3A_2 = arith.constant 0 : index
    %get3A_3 = arith.constant 1 : index
    %get3A_4 = vector.load %arg4[%get3A_2, %get3A_3] : memref<256x8xf32, #tpu.memory_space<vmem>>, vector<256x1xf32>
    %get3A_5 = arith.constant 0 : index
    %get3A_6 = arith.constant 0 : index
    %get3A_7 = vector.load %arg1[%get3A_5, %get3A_6] : memref<256x768xf32, #tpu.memory_space<vmem>>, vector<256x768xf32>
    %get3A_8 = arith.constant 0 : index
    %get3A_9 = arith.constant 0 : index
    %get3A_10 = vector.load %arg2[%get3A_8, %get3A_9] : memref<256x768xf32, #tpu.memory_space<vmem>>, vector<256x768xf32>
    %mul3A = vector.broadcast %get3A_1 : vector<256x1xf32> to vector<256x768xf32>
    %mul3A_11 = arith.mulf %mul3A, %get3A_10 : vector<256x768xf32>
    %add3A = arith.addf %get3A_7, %mul3A_11 : vector<256x768xf32>
    %get3A_12 = arith.constant 0 : index
    %get3A_13 = arith.constant 0 : index
    %get3A_14 = vector.load %arg3[%get3A_12, %get3A_13] : memref<256x768xf32, #tpu.memory_space<vmem>>, vector<256x768xf32>
    %mul3A_15 = vector.broadcast %get3A_4 : vector<256x1xf32> to vector<256x768xf32>
    %mul3A_16 = arith.mulf %mul3A_15, %get3A_14 : vector<256x768xf32>
    %add3A_17 = arith.addf %add3A, %mul3A_16 : vector<256x768xf32>
    %reduce_sum3A = arith.constant dense<0.000000e+00> : vector<256xf32>
    %reduce_sum3A_18 = vector.multi_reduction <add>, %add3A_17, %reduce_sum3A [1] : vector<256x768xf32> to vector<256xf32>
    %broadcast_in_dim3A = vector.shape_cast %reduce_sum3A_18 : vector<256xf32> to vector<256x1xf32>
    %div3A = arith.constant 7.680000e+02 : f32
    %div3A_19 = vector.broadcast %div3A : f32 to vector<256x1xf32>
    %div3A_20 = arith.divf %broadcast_in_dim3A, %div3A_19 : vector<256x1xf32>
    %sub3A = vector.broadcast %div3A_20 : vector<256x1xf32> to vector<256x768xf32>
    %sub3A_21 = arith.subf %add3A_17, %sub3A : vector<256x768xf32>
    %mul3A_22 = arith.mulf %sub3A_21, %sub3A_21 : vector<256x768xf32>
    %reduce_sum3A_23 = arith.constant dense<0.000000e+00> : vector<256xf32>
    %reduce_sum3A_24 = vector.multi_reduction <add>, %mul3A_22, %reduce_sum3A_23 [1] : vector<256x768xf32> to vector<256xf32>
    %broadcast_in_dim3A_25 = vector.shape_cast %reduce_sum3A_24 : vector<256xf32> to vector<256x1xf32>
    %div3A_26 = arith.constant 7.680000e+02 : f32
    %div3A_27 = vector.broadcast %div3A_26 : f32 to vector<256x1xf32>
    %div3A_28 = arith.divf %broadcast_in_dim3A_25, %div3A_27 : vector<256x1xf32>
    %add3A_29 = arith.constant 9.99999974E-6 : f32
    %add3A_30 = vector.broadcast %add3A_29 : f32 to vector<256x1xf32>
    %add3A_31 = arith.addf %div3A_28, %add3A_30 : vector<256x1xf32>
    %rsqrt3A = math.rsqrt %add3A_31 : vector<256x1xf32>
    %mul3A_32 = vector.broadcast %rsqrt3A : vector<256x1xf32> to vector<256x768xf32>
    %mul3A_33 = arith.mulf %sub3A_21, %mul3A_32 : vector<256x768xf32>
    %get3A_34 = arith.constant 0 : index
    %get3A_35 = arith.constant 0 : index
    %get3A_36 = vector.load %arg5[%get3A_34, %get3A_35] : memref<1x768xf32, #tpu.memory_space<vmem>>, vector<1x768xf32>
    %mul3A_37 = vector.broadcast %get3A_36 : vector<1x768xf32> to vector<256x768xf32>
    %mul3A_38 = arith.mulf %mul3A_33, %mul3A_37 : vector<256x768xf32>
    %get3A_39 = arith.constant 0 : index
    %get3A_40 = arith.constant 0 : index
    %get3A_41 = vector.load %arg6[%get3A_39, %get3A_40] : memref<1x768xf32, #tpu.memory_space<vmem>>, vector<1x768xf32>
    %add3A_42 = vector.broadcast %get3A_41 : vector<1x768xf32> to vector<256x768xf32>
    %add3A_43 = arith.addf %mul3A_38, %add3A_42 : vector<256x768xf32>
    %swap3A = arith.constant 0 : index
    %swap3A_44 = arith.constant 0 : index
    %swap3A_45 = vector.load %arg7[%swap3A, %swap3A_44] : memref<256x768xf32, #tpu.memory_space<vmem>>, vector<256x768xf32>
    tpu.vector_store %arg7[%swap3A, %swap3A_44], %add3A_43 {strides = array<i32>} : memref<256x768xf32, #tpu.memory_space<vmem>>, vector<256x768xf32>,
    return
  }
  func.func @transform_0(%arg0: i32) -> (i32, i32) {
    %c0_i32 = arith.constant 0 : i32
    %c0_i32_0 = arith.constant 0 : i32
    return %arg0, %c0_i32 : i32, i32
  }
  func.func @transform_1(%arg0: i32) -> (i32, i32) {
    %c0_i32 = arith.constant 0 : i32
    %c0_i32_0 = arith.constant 0 : i32
    return %arg0, %c0_i32 : i32, i32
  }
  func.func @transform_2(%arg0: i32) -> (i32, i32) {
    %c0_i32 = arith.constant 0 : i32
    %c0_i32_0 = arith.constant 0 : i32
    return %arg0, %c0_i32 : i32, i32
  }
  func.func @transform_3(%arg0: i32) -> (i32, i32) {
    %c0_i32 = arith.constant 0 : i32
    %c0_i32_0 = arith.constant 0 : i32
    return %arg0, %c0_i32 : i32, i32
  }
  func.func @transform_4(%arg0: i32) -> (i32, i32) {
    %c0_i32 = arith.constant 0 : i32
    %c0_i32_0 = arith.constant 0 : i32
    %c0_i32_1 = arith.constant 0 : i32
    return %c0_i32, %c0_i32_0 : i32, i32
  }
  func.func @transform_5(%arg0: i32) -> (i32, i32) {
    %c0_i32 = arith.constant 0 : i32
    %c0_i32_0 = arith.constant 0 : i32
    %c0_i32_1 = arith.constant 0 : i32
    return %c0_i32, %c0_i32_0 : i32, i32
  }
  func.func @transform_6(%arg0: i32) -> (i32, i32) {
    %c0_i32 = arith.constant 0 : i32
    %c0_i32_0 = arith.constant 0 : i32
    return %arg0, %c0_i32 : i32, i32
  }
}

</mosaic_0001>

<sc_bundles>
// kernel: kernel.10.cloned.1.call-start
scs
__scs_entry_jumppad:
0x0: {  	(pc) =	sbr.rel $0x88, $3  }
0x1: {  	(tag) =	ssettag $0x0;
	lr =	simm.s32 $0x1  }
0x2: {  	[smem:$0x3F90] =	sst lr;
	_ =	strace $0xD0000000  }
0x3: {  	_ = 	snop  }
0x4: {  	_ = 	snop  }
0x5: {  	_ = 	snop  }
0x6: {  	_ = 	snop  }
0x7: {  	_ = 	snop  }
__scs_overlays_trampoline_lowered:
0x8: {  	[smem:$0x3F9F] =	sst s0  }
0x9: {  	[smem:$0x3FA0] =	sst s1  }
0xa: {  	[smem:$0x3FA1] =	sst s2  }
0xb: {  	[smem:$0x3FA2] =	sst s3  }
0xc: {  	[smem:$0x3FA3] =	sst s4  }
0xd: {  	[smem:$0x3FA4] =	sst s5  }
0xe: {  	[smem:$0x3FA5] =	sst s6  }
0xf: {  	[smem:$0x3FA6] =	sst s7  }
0x10: {  	[smem:$0x3FA7] =	sst s8  }
0x11: {  	[smem:$0x3FA8] =	sst s9;
	s0 =	simm.s32 @!p0 $0x0  }
0x12: {  	s1 =	sld [smem:$0x3F8E];
	s0 =	simm.s32 @p0 $0x1  }
0x13: {  	[smem:$0x3FA9] =	sst s0;
	s0 =	simm.s32 @!p1 $0x0  }
0x14: {  	s2 =	sld [smem:$0x3F8D];
	s0 =	simm.s32 @p1 $0x1  }
0x15: {  	[smem:$0x3FAA] =	sst s0;
	s0 =	simm.s32 @!p2 $0x0  }
0x16: {  	s3 =	sld [smem:$0x3FDB];
	s0 =	simm.s32 @p2 $0x1  }
0x17: {  	s4 =	simm.s32 $0x1BF5;
	[smem:$0x3FAC] =	sst s0  }
0x18: {  	s0 =	sld [smem:$0x3F8F];
	_ =	swait.ge [sflag:s4], $0x0  }
0x19: {  	s7 =	sld [smem:$0x3F90]  }
0x1a: {  	s8 =	sadd.s32 $0xFFFFE003, lr  }
0x1b: {  	s9 =	sadd.s32 $0xFFFFFEF7, lr;
	s5 =	simm.s32 $0xFFFFFFFF;
	p2 =	slt.u32 s8, $0xFFFFF086  }
0x1c: {  	p1 =	slt.u32 s9, $0xF7A;
	s5 =	simm.s32 @!p2 $0x0  }
0x1d: {  	s5 =	simm.s32 @p1 $0x1;
	p0 =	seq.s32 s7, s2  }
0x1e: {  	s7 =	smul.u32 @!p0 $0xF7A, s2;
	p2 =	seq.s32 @!p0 s5, $0x0  }
0x1f: {  	s9 =	smul.u32 $0xF7A, s1;
	s8 =	simm.s32 @!p0 $0x1BF5;
	p2 =	por !p2, p0  }
0x20: {  	[sflag:s8] =	ssyncset.s32 @!p0 $0xFFFFF086;
	s6 =	sadd.s32 @!p0 s3, s7;
	s7 =	simm.s32 @!p0 $0x108  }
0x21: {  	s3 =	sadd.s32 s3, s9;
	s6 =	sadd.s32 @!p0 $0x88, s6;
	s7 =	simm.s32 @p2 $0x1082  }
0x22: {  	[simem:s7], [sflag:s8] =	dma.local @!p0 [hbm:s6], $0xF7A  }
0x23: {  	s9 =	sor.u32 $0xD0000000, s2;
	s6 =	simm.s32 $0x108;
	_ =	swait.ge @!p0 [sflag:s8], $0x0  }
0x24: {  	s3 =	sadd.s32 $0x88, s3;
	s6 =	simm.s32 @!p1 $0x1082;
	[sflag:s4] =	ssyncset.s32 $0xFFFFF086  }
0x25: {  	[simem:s6], [sflag:s4] =	dma.local [hbm:s3], $0xF7A  }
0x26: {  	[smem:$0x3F90] =	sst s1;
	(tag) =	ssettag s2;
	_ =	strace s9  }
0x27: {  	s1 =	sld [smem:$0x3FA0]  }
0x28: {  	s2 =	sld [smem:$0x3FA1]  }
0x29: {  	s4 =	sld [smem:$0x3FA3]  }
0x2a: {  	p0 =	seq.s32 s5, $0x0;
	s5 =	sld [smem:$0x3FA4]  }
0x2b: {  	s6 =	sld [smem:$0x3FA5]  }
0x2c: {  	s7 =	sld [smem:$0x3FA6]  }
0x2d: {  	s3 =	simm.s32 $0x108;
	s8 =	sld [smem:$0x3FA7]  }
0x2e: {  	s3 =	simm.s32 @!p0 $0x1082;
	s9 =	sld [smem:$0x3FA8]  }
0x2f: {  	lr =	sadd.s32 s0, s3;
	s0 =	sld [smem:$0x3F9F]  }
0x30: {  	s3 =	sld [smem:$0x3FA2]  }
0x31: {  	[smem:$0x3FAB] =	sst s10  }
0x32: {  	s10 =	sld [smem:$0x3FA9];
	_ =	sdelay $0x3  }
0x33: {  	p0 =	seq.s32 s10, $0x1;
	s10 =	sld [smem:$0x3FAB];
	_ =	sdelay $0x3  }
0x34: {  	[smem:$0x3FAB] =	sst s10  }
0x35: {  	s10 =	sld [smem:$0x3FAA];
	_ =	sdelay $0x3  }
0x36: {  	p1 =	seq.s32 s10, $0x1;
	s10 =	sld [smem:$0x3FAB];
	_ =	sdelay $0x3  }
0x37: {  	[smem:$0x3FAB] =	sst s10  }
0x38: {  	s10 =	sld [smem:$0x3FAC]  }
0x39: {  	_ = 	snop;
	(pc) =	sbr.ind lr, $3  }
0x3a: {  	_ = 	snop  }
0x3b: {  	_ = 	snop  }
0x3c: {  	p2 =	seq.s32 s10, $0x1;
	s10 =	sld [smem:$0x3FAB]  }
0x3d: {  	_ =	shalt  }
0x3e: {  	_ =	shalt  }
0x3f: {  	_ =	shalt  }
0x40: {  	_ =	shalt  }
0x41: {  	_ =	shalt  }
0x42: {  	_ =	shalt  }
0x43: {  	_ =	shalt  }
0x44: {  	_ =	shalt  }
0x45: {  	_ =	shalt  }
0x46: {  	_ =	shalt  }
0x47: {  	_ =	shalt  }
0x48: {  	_ =	shalt  }
0x49: {  	_ =	shalt  }
0x4a: {  	_ =	shalt  }
0x4b: {  	_ =	shalt  }
0x4c: {  	_ =	shalt  }
0x4d: {  	_ =	shalt  }
0x4e: {  	_ =	shalt  }
0x4f: {  	_ =	shalt  }
0x50: {  	_ =	shalt  }
0x51: {  	_ =	shalt  }
0x52: {  	_ =	shalt  }
0x53: {  	_ =	shalt  }
0x54: {  	_ =	shalt  }
0x55: {  	_ =	shalt  }
0x56: {  	_ =	shalt  }
0x57: {  	_ =	shalt  }
0x58: {  	_ =	shalt  }
0x59: {  	_ =	shalt  }
0x5a: {  	_ =	shalt  }
0x5b: {  	_ =	shalt  }
0x5c: {  	_ =	shalt  }
0x5d: {  	_ =	shalt  }
0x5e: {  	_ =	shalt  }
0x5f: {  	_ =	shalt  }
0x60: {  	_ =	shalt  }
0x61: {  	_ =	shalt  }
0x62: {  	_ =	shalt  }
0x63: {  	_ =	shalt  }
0x64: {  	_ =	shalt  }
0x65: {  	_ =	shalt  }
0x66: {  	_ =	shalt  }
0x67: {  	_ =	shalt  }
0x68: {  	_ =	shalt  }
0x69: {  	_ =	shalt  }
0x6a: {  	_ =	shalt  }
0x6b: {  	_ =	shalt  }
0x6c: {  	_ =	shalt  }
0x6d: {  	_ =	shalt  }
0x6e: {  	_ =	shalt  }
0x6f: {  	_ =	shalt  }
0x70: {  	_ =	shalt  }
0x71: {  	_ =	shalt  }
0x72: {  	_ =	shalt  }
0x73: {  	_ =	shalt  }
0x74: {  	_ =	shalt  }
0x75: {  	_ =	shalt  }
0x76: {  	_ =	shalt  }
0x77: {  	_ =	shalt  }
0x78: {  	_ =	shalt  }
0x79: {  	_ =	shalt  }
0x7a: {  	_ =	shalt  }
0x7b: {  	_ =	shalt  }
0x7c: {  	_ =	shalt  }
0x7d: {  	_ =	shalt  }
0x7e: {  	_ =	shalt  }
0x7f: {  	_ =	shalt  }
0x80: {  	_ =	shalt  }
0x81: {  	_ =	shalt  }
0x82: {  	_ =	shalt  }
0x83: {  	_ =	shalt  }
0x84: {  	_ =	shalt  }
0x85: {  	_ =	shalt  }
0x86: {  	_ =	shalt  }
0x87: {  	_ =	shalt  }
.Lfunc_end0:
.L_simem_size_0:
called_computation_lowered:
.L_overlay_start_0:
0x88: {  	s2 =	sld [smem:$0x3FD9]  }
0x89: {  	s3 =	sld [smem:$0x3FFE];
	_ =	sdelay $0x1  }
0x8a: {  	s1 =	srdreg.scid  }
0x8b: {  	s0 =	sand.u32 $0x1, s1  }
0x8c: {  	s17 =	sshll.u32 s0, $0xA;
	s2 =	sadd.s32 s3, s2  }
0x8d: {  	s2 =	sadd.s32 s2, s17  }
0x8e: {  	[smem:$0x3FB7] =	sst s2  }
0x8f: {  	_ = 	snop  }
0x90: {  	s2 =	sld [smem:$0x3FD0];
	(tm) =	ssettm $0x1  }
0x91: {  	s18 =	sld [smem:$0x3FFB];
	_ =	sdelay $0x3  }
0x92: {  	_ =	strace s18  }
0x93: {  	s3 =	sld [smem:$0x3FFC];
	_ =	sdelay $0x3  }
0x94: {  	_ =	strace s3  }
0x95: {  	s3 =	sld [smem:$0x3FFD];
	_ =	sdelay $0x3  }
0x96: {  	_ =	strace s3  }
0x97: {  	_ =	strace $0x8FFFFFFF  }
0x98: {  	s19 =	sld [smem:$0x3FDB];
	_ =	sdelay $0x1  }
0x99: {  	s4 =	simm.s32 $_scs_section_size  }
0x9a: {  	s5 =	simm.s32 $_size__tile_overlayer_lowered;
	s6 =	simm.s32 $_tile_overlayer_lowered  }
0x9b: {  	s22 =	simm.s32 $0x1BFF;
	s21 =	sshll.u32 s6, $0x1;
	s3 =	sadd.s32 s4, s19  }
0x9c: {  	s7 =	simm.s32 $0x0;
	s20 =	sshll.u32 s5, $0x1;
	s5 =	sadd.s32 s21, s3  }
0x9d: {  	[timem:s7], [sflag:s22] =	dma.local [hbm:s5], s20  }
0x9e: {  	_ =	swait.ge [sflag:s22], s20  }
0x9f: {  	s4 =	ssub.s32 $0x0, s20;
	[sflag:s22] =	ssyncset.done $0x0  }
0xa0: {  	[sflag:s22] =	ssyncadd.s32 s4;
	_ =	sdelay $0x1  }
0xa1: {  	s23 =	simm.s32 $0x1B8B  }
0xa2: {  	_ =	swait.ge [sflag:s23], $0x1  }
0xa3: {  	[sflag:s23] =	ssyncset.done $0x0  }
0xa4: {  	s25 =	simm.s32 $0x1B8E;
	s24 =	sld [smem:$0x3FFE];
	[sflag:s23] =	ssyncadd.s32 $0xFFFFFFFF  }
0xa5: {  	s26 =	simm.s32 $execute0_lowered;
	[smem:$0x3FD2] =	sst s25  }
0xa6: {  	s5 =	sshll.u32 s26, $0x1;
	_ =	strace $0x80000046;
	[dreg:$0x1] =	wrdreg $0xFFFFFFFF  }
0xa7: {  	s28 =	simm.s32 $_size_execute0_lowered;
	s3 =	sadd.s32 s3, s5;
	[dreg:$0x0] =	wrdreg $0x0  }
0xa8: {  	s5 =	sshll.u32 s28, $0x1;
	[dreg:$0x2] =	wrdreg s3  }
0xa9: {  	[dreg:$0x3] =	wrdreg s5  }
0xaa: {  	[dreg:$0x4] =	wrdreg $0xC0  }
0xab: {  	_ =	task [dreg:s7], $0x5FFFF  }
0xac: {  	[dreg:$0x1] =	wrdreg $0xFFFFFFFF  }
0xad: {  	[dreg:$0x0] =	wrdreg $0x60  }
0xae: {  	[dreg:$0x2] =	wrdreg s2  }
0xaf: {  	[dreg:$0x3] =	wrdreg s24  }
0xb0: {  	[dreg:$0x4] =	wrdreg $0x9  }
0xb1: {  	_ =	task.clear_ibuf [dreg:s7], $0x5FFFF;
	_ =	strace $0x90000046  }
0xb2: {  	s29 =	simm.s32 $0x9;
	_ =	strace $0x80000048  }
0xb3: {  	_ =	swait.ge [sflag:s29], $0x1  }
0xb4: {  	[sflag:s29] =	ssyncadd.s32 $0xFFFFFFFF  }
0xb5: {  	_ =	strace $0x90000048  }
0xb6: {  	_ =	sfence  }
0xb7: {  	s30 =	sld [smem:$0x0];
	_ =	sdelay $0x2  }
0xb8: {  	s31 =	sshll.u32 s1, $0xD;
	s1 =	sshrl.u32 s1, $0x2  }
0xb9: {  	s3 =	sand.u32 $0x4000, s31;
	s1 =	sadd.s32 s1, s30  }
0xba: {  	s0 =	sor.u32 s3, s0;
	s1 =	sshll.u32 s1, $0x11  }
0xbb: {  	s0 =	sor.u32 s1, s0  }
0xbc: {  	s0 =	sadd.s32 $0x8F2B, s0  }
0xbd: {  	[sflag:s0] =	ssyncadd.remote.s32 $0x1  }
0xbe: {  	_ =	sfence.sel $0xFFFF  }
0xbf: {  	[dreg:$0x0] =	wrdreg $0xFFFFFFFF;
	(pc) =	sbr.abs _section_cstart, $3  }
0xc0: {  	[dreg:$0x1] =	wrdreg $0xFFFFFFFF  }
0xc1: {  	_ =	task.clear_ibuf [dreg:s7], $0x2FFFF;
	_ =	strace $0x9FFFFFFF  }
0xc2: {  	(tm) =	ssettm $0x7FFFFFFF  }
0xc3: {  	_ =	shalt  }
tec
execute0_lowered:
.L_overlay_start_1:
0x0: {  	(tag) =	ssettag $0x1  }
0x1: {  	s0 =	srdreg.scid  }
0x2: {  	s2 =	stileid.u32;
	s1 =	rddreg [dreg:$0x0]  }
0x3: {  	s5 =	rddreg [dreg:$0x1];
	s25 =	simm.s32 $0xC000;
	s26 =	simm.s32 $0xC080  }
0x4: {  	s7 =	simm.s32 $0x3;
	s10 =	simm.s32 $0x1800;
	s11 =	simm.s32 $0x2000  }
0x5: {  	s12 =	simm.s32 $0x2800;
	s13 =	simm.s32 $0x3000;
	s14 =	simm.s32 $0x3800  }
0x6: {  	s15 =	simm.s32 $0x4000;
	s16 =	simm.s32 $0x4800;
	s17 =	simm.s32 $0x5000  }
0x7: {  	s18 =	simm.s32 $0x5800;
	s19 =	simm.s32 $0x6000;
	s20 =	simm.s32 $0x6800  }
0x8: {  	s21 =	simm.s32 $0x7000;
	s28 =	simm.s32 $0xA000;
	s29 =	simm.s32 $0xA800  }
0x9: {  	s30 =	simm.s32 $0xB000;
	s31 =	simm.s32 $0xB800;
	s0 =	sand.u32 $0x1, s0  }
0xa: {  	s2 =	sshll.u32 s2, $0x4;
	s3 =	sshll.u32 s0, $0x3;
	s0 =	ssub.s32 $0x2, s0  }
0xb: {  	s3 =	sor.u32 s3, s2;
	s2 =	simm.s32 $0x0;
	s23 =	sshrl.u32 s0, $0x1  }
0xc: {  	s4 =	smul.u32 $0x300, s3;
	[smem:$0x7FF] =	sst s2;
	s3 =	sadd.s32 s3, s5  }
0xd: {  	s0 =	ssub.s32 s0, s23;
	s23 =	simm.s32 $0x8000;
	_ =	strace $0x80000047  }
0xe: {  	s22 =	sadd.s32 $0x3E00, s3;
	s24 =	sadd.s32 $0x3F00, s3;
	[dreg:$0x6] =	wrdreg s25  }
0xf: {  	s3 =	sadd.s32 $0x4000, s5;
	s6 =	smax.u32 s0, $0x1;
	[dreg:$0x7] =	wrdreg s26  }
0x10: {  	s25 =	simm.s32 $0x9000;
	s26 =	simm.s32 $0x9800;
	[dreg:$0x4] =	wrdreg s22  }
0x11: {  	v2 =	vlaneseq.u32;
	s0 =	simm.s32 $0x2;
	s1 =	sadd.s32 s1, s4;
	[dreg:$0x5] =	wrdreg s24  }
0x12: {  	vm0 =	vmmov $0xffff;
	v1 =	vshrl.u32 v2, $0x3;
	s4 =	sadd.s32 $0x4100, s5;
	s5 =	sadd.s32 $0x4200, s5;
	s22 =	simm.s32 $0x7800  }
0x13: {  	v0 =	vand.u32 $0x7, v2;
	v2 =	vor.u32 $0x8, v2;
	v1 =	vmul.u32 $0x8, v1;
	s24 =	simm.s32 $0x8800;
	[dreg:$0x3] =	wrdreg s1;
	s1 =	simm.s32 $0x1  }
.LBB2_1:
0x14: {  	s8 =	rddreg [dreg:$0x3]  }
0x15: {  	[tilespmem:s2], [sflag:$0x3] =	stream.linear.gather [hbm4b:s8+s2], $0xC000, $0x38;
	[tilespmem:$0xC100] =	vst v63  }
0x16: {  	_ =	swait.ge [sflag:s7], $0xC000  }
0x17: {  	s8 =	rddreg [dreg:$0x4];
	[sflag:s7] =	ssyncset.done $0x0  }
0x18: {  	s9 =	rddreg [dreg:$0x6];
	[sflag:s7] =	ssyncadd.s32 $0xFFFF4000  }
0x19: {  	[tilespmem:s9], [sflag:$0x3] =	stream.linear.gather [hbm4b:s8+s2], $0x40, $0x38;
	[tilespmem:$0xC100] =	vst v63  }
0x1a: {  	_ =	swait.ge [sflag:s7], $0x40  }
0x1b: {  	s8 =	rddreg [dreg:$0x5];
	[sflag:s7] =	ssyncset.done $0x0  }
0x1c: {  	s9 =	rddreg [dreg:$0x7];
	[sflag:s7] =	ssyncadd.s32 $0xFFFFFFC0  }
0x1d: {  	[tilespmem:s9], [sflag:$0x3] =	stream.linear.gather [hbm4b:s8+s2], $0x40, $0x38;
	[tilespmem:$0xC100] =	vst v63  }
0x1e: {  	_ =	swait.ge [sflag:s7], $0x40  }
0x1f: {  	[sflag:s7] =	ssyncset.done $0x0  }
0x20: {  	[sflag:s7] =	ssyncadd.s32 $0xFFFFFFC0  }
0x21: {  	v3 =	vld [tilespmem:$0xC000];
	_ =	sdelay $0x4  }
0x22: {  	v4 =	vshrl.u32 v3, $0x3  }
0x23: {  	v4 =	vmul.u32 $0x30, v4  }
0x24: {  	v3 =	vand.u32 $0x7, v3  }
0x25: {  	v3 =	vor.u32 v3, v4  }
0x26: {  	v4 =	vperm.xlane v3, v0;
	_ =	sdelay $0x1  }
0x27: {  	v4 =	vadd.s32 v1, v4;
	_ =	sdelay $0x3  }
0x28: {  	v3 =	vperm.xlane v3, v2  }
0x29: {  	[hbm4b:s3+s2] =	stream.indirect_vreg.scatter [tilespmem:s2], [sflag:$0x1], $0x80, v4, vm0, $0xb8;
	[tilespmem:$0xC100] =	vst v63  }
0x2a: {  	s8 =	simm.s32 $0x800;
	v3 =	vadd.s32 v1, v3  }
0x2b: {  	[hbm4b:s4+s2] =	stream.indirect_vreg.scatter [tilespmem:s8], [sflag:$0x1], $0x80, v4, vm0, $0xb8;
	[tilespmem:$0xC100] =	vst v63  }
0x2c: {  	s9 =	simm.s32 $0x1000  }
0x2d: {  	[hbm4b:s5+s2] =	stream.indirect_vreg.scatter [tilespmem:s9], [sflag:$0x1], $0x80, v4, vm0, $0xb8;
	[tilespmem:$0xC100] =	vst v63  }
0x2e: {  	_ = 	snop  }
0x2f: {  	[hbm4b:s3+s2] =	stream.indirect_vreg.scatter [tilespmem:s10], [sflag:$0x1], $0x80, v3, vm0, $0xb8;
	[tilespmem:$0xC100] =	vst v63  }
0x30: {  	_ = 	snop  }
0x31: {  	[hbm4b:s4+s2] =	stream.indirect_vreg.scatter [tilespmem:s11], [sflag:$0x1], $0x80, v3, vm0, $0xb8;
	[tilespmem:$0xC100] =	vst v63  }
0x32: {  	_ = 	snop  }
0x33: {  	[hbm4b:s5+s2] =	stream.indirect_vreg.scatter [tilespmem:s12], [sflag:$0x1], $0x80, v3, vm0, $0xb8;
	[tilespmem:$0xC100] =	vst v63  }
0x34: {  	v3 =	vld [tilespmem:$0xC010];
	_ =	sdelay $0x4  }
0x35: {  	v57 =	vshrl.u32 v3, $0x3  }
0x36: {  	v4 =	vmul.u32 $0x30, v57  }
0x37: {  	v3 =	vand.u32 $0x7, v3  }
0x38: {  	v3 =	vor.u32 v3, v4  }
0x39: {  	v4 =	vperm.xlane v3, v0;
	_ =	sdelay $0x1  }
0x3a: {  	v4 =	vadd.s32 v1, v4;
	_ =	sdelay $0x3  }
0x3b: {  	v3 =	vperm.xlane v3, v2  }
0x3c: {  	[hbm4b:s3+s2] =	stream.indirect_vreg.scatter [tilespmem:s13], [sflag:$0x1], $0x80, v4, vm0, $0xb8;
	[tilespmem:$0xC100] =	vst v63  }
0x3d: {  	v3 =	vadd.s32 v1, v3  }
0x3e: {  	[hbm4b:s4+s2] =	stream.indirect_vreg.scatter [tilespmem:s14], [sflag:$0x1], $0x80, v4, vm0, $0xb8;
	[tilespmem:$0xC100] =	vst v63  }
0x3f: {  	_ = 	snop  }
0x40: {  	[hbm4b:s5+s2] =	stream.indirect_vreg.scatter [tilespmem:s15], [sflag:$0x1], $0x80, v4, vm0, $0xb8;
	[tilespmem:$0xC100] =	vst v63  }
0x41: {  	_ = 	snop  }
0x42: {  	[hbm4b:s3+s2] =	stream.indirect_vreg.scatter [tilespmem:s16], [sflag:$0x1], $0x80, v3, vm0, $0xb8;
	[tilespmem:$0xC100] =	vst v63  }
0x43: {  	_ = 	snop  }
0x44: {  	[hbm4b:s4+s2] =	stream.indirect_vreg.scatter [tilespmem:s17], [sflag:$0x1], $0x80, v3, vm0, $0xb8;
	[tilespmem:$0xC100] =	vst v63  }
0x45: {  	_ = 	snop  }
0x46: {  	[hbm4b:s5+s2] =	stream.indirect_vreg.scatter [tilespmem:s18], [sflag:$0x1], $0x80, v3, vm0, $0xb8;
	[tilespmem:$0xC100] =	vst v63  }
0x47: {  	v3 =	vld [tilespmem:$0xC020];
	_ =	sdelay $0x4  }
0x48: {  	v58 =	vshrl.u32 v3, $0x3  }
0x49: {  	v4 =	vmul.u32 $0x30, v58  }
0x4a: {  	v3 =	vand.u32 $0x7, v3  }
0x4b: {  	v3 =	vor.u32 v3, v4  }
0x4c: {  	v4 =	vperm.xlane v3, v0;
	_ =	sdelay $0x1  }
0x4d: {  	v4 =	vadd.s32 v1, v4;
	_ =	sdelay $0x3  }
0x4e: {  	v3 =	vperm.xlane v3, v2  }
0x4f: {  	[hbm4b:s3+s2] =	stream.indirect_vreg.scatter [tilespmem:s19], [sflag:$0x1], $0x80, v4, vm0, $0xb8;
	[tilespmem:$0xC100] =	vst v63  }
0x50: {  	v3 =	vadd.s32 v1, v3  }
0x51: {  	[hbm4b:s4+s2] =	stream.indirect_vreg.scatter [tilespmem:s20], [sflag:$0x1], $0x80, v4, vm0, $0xb8;
	[tilespmem:$0xC100] =	vst v63  }
0x52: {  	_ = 	snop  }
0x53: {  	[hbm4b:s5+s2] =	stream.indirect_vreg.scatter [tilespmem:s21], [sflag:$0x1], $0x80, v4, vm0, $0xb8;
	[tilespmem:$0xC100] =	vst v63  }
0x54: {  	_ = 	snop  }
0x55: {  	[hbm4b:s3+s2] =	stream.indirect_vreg.scatter [tilespmem:s22], [sflag:$0x1], $0x80, v3, vm0, $0xb8;
	[tilespmem:$0xC100] =	vst v63  }
0x56: {  	_ = 	snop  }
0x57: {  	[hbm4b:s4+s2] =	stream.indirect_vreg.scatter [tilespmem:s23], [sflag:$0x1], $0x80, v3, vm0, $0xb8;
	[tilespmem:$0xC100] =	vst v63  }
0x58: {  	_ = 	snop  }
0x59: {  	[hbm4b:s5+s2] =	stream.indirect_vreg.scatter [tilespmem:s24], [sflag:$0x1], $0x80, v3, vm0, $0xb8;
	[tilespmem:$0xC100] =	vst v63  }
0x5a: {  	v3 =	vld [tilespmem:$0xC030];
	_ =	sdelay $0x4  }
0x5b: {  	v59 =	vshrl.u32 v3, $0x3  }
0x5c: {  	v4 =	vmul.u32 $0x30, v59  }
0x5d: {  	v3 =	vand.u32 $0x7, v3  }
0x5e: {  	v3 =	vor.u32 v3, v4  }
0x5f: {  	v4 =	vperm.xlane v3, v0;
	_ =	sdelay $0x1  }
0x60: {  	v4 =	vadd.s32 v1, v4;
	_ =	sdelay $0x3  }
0x61: {  	v3 =	vperm.xlane v3, v2  }
0x62: {  	[hbm4b:s3+s2] =	stream.indirect_vreg.scatter [tilespmem:s25], [sflag:$0x1], $0x80, v4, vm0, $0xb8;
	[tilespmem:$0xC100] =	vst v63  }
0x63: {  	v3 =	vadd.s32 v1, v3  }
0x64: {  	[hbm4b:s4+s2] =	stream.indirect_vreg.scatter [tilespmem:s26], [sflag:$0x1], $0x80, v4, vm0, $0xb8;
	[tilespmem:$0xC100] =	vst v63  }
0x65: {  	_ = 	snop  }
0x66: {  	[hbm4b:s5+s2] =	stream.indirect_vreg.scatter [tilespmem:s28], [sflag:$0x1], $0x80, v4, vm0, $0xb8;
	[tilespmem:$0xC100] =	vst v63  }
0x67: {  	_ = 	snop  }
0x68: {  	[hbm4b:s3+s2] =	stream.indirect_vreg.scatter [tilespmem:s29], [sflag:$0x1], $0x80, v3, vm0, $0xb8;
	[tilespmem:$0xC100] =	vst v63  }
0x69: {  	_ = 	snop  }
0x6a: {  	[hbm4b:s4+s2] =	stream.indirect_vreg.scatter [tilespmem:s30], [sflag:$0x1], $0x80, v3, vm0, $0xb8;
	[tilespmem:$0xC100] =	vst v63  }
0x6b: {  	_ = 	snop  }
0x6c: {  	[hbm4b:s5+s2] =	stream.indirect_vreg.scatter [tilespmem:s31], [sflag:$0x1], $0x80, v3, vm0, $0xb8;
	[tilespmem:$0xC100] =	vst v63  }
0x6d: {  	v3 =	vld [tilespmem:$0xC080];
	_ =	sdelay $0x4  }
0x6e: {  	v60 =	vshrl.u32 v3, $0x3  }
0x6f: {  	v4 =	vmul.u32 $0x30, v60  }
0x70: {  	v3 =	vand.u32 $0x7, v3  }
0x71: {  	v3 =	vor.u32 v3, v4  }
0x72: {  	v4 =	vperm.xlane v3, v0;
	_ =	sdelay $0x1  }
0x73: {  	v4 =	vadd.s32 v1, v4;
	_ =	sdelay $0x3  }
0x74: {  	v3 =	vperm.xlane v3, v2  }
0x75: {  	[hbm4b:s3+s2] =	stream.indirect_vreg.scatter [tilespmem:s2], [sflag:$0x2], $0x80, v4, vm0, $0xb8;
	[tilespmem:$0xC100] =	vst v63  }
0x76: {  	v3 =	vadd.s32 v1, v3  }
0x77: {  	[hbm4b:s4+s2] =	stream.indirect_vreg.scatter [tilespmem:s8], [sflag:$0x2], $0x80, v4, vm0, $0xb8;
	[tilespmem:$0xC100] =	vst v63  }
0x78: {  	_ = 	snop  }
0x79: {  	[hbm4b:s5+s2] =	stream.indirect_vreg.scatter [tilespmem:s9], [sflag:$0x2], $0x80, v4, vm0, $0xb8;
	[tilespmem:$0xC100] =	vst v63  }
0x7a: {  	_ = 	snop  }
0x7b: {  	[hbm4b:s3+s2] =	stream.indirect_vreg.scatter [tilespmem:s10], [sflag:$0x2], $0x80, v3, vm0, $0xb8;
	[tilespmem:$0xC100] =	vst v63  }
0x7c: {  	_ = 	snop  }
0x7d: {  	[hbm4b:s4+s2] =	stream.indirect_vreg.scatter [tilespmem:s11], [sflag:$0x2], $0x80, v3, vm0, $0xb8;
	[tilespmem:$0xC100] =	vst v63  }
0x7e: {  	_ = 	snop  }
0x7f: {  	[hbm4b:s5+s2] =	stream.indirect_vreg.scatter [tilespmem:s12], [sflag:$0x2], $0x80, v3, vm0, $0xb8;
	[tilespmem:$0xC100] =	vst v63  }
0x80: {  	v3 =	vld [tilespmem:$0xC090];
	_ =	sdelay $0x4  }
0x81: {  	v61 =	vshrl.u32 v3, $0x3  }
0x82: {  	v4 =	vmul.u32 $0x30, v61  }
0x83: {  	v3 =	vand.u32 $0x7, v3  }
0x84: {  	v3 =	vor.u32 v3, v4  }
0x85: {  	v4 =	vperm.xlane v3, v0;
	_ =	sdelay $0x1  }
0x86: {  	v4 =	vadd.s32 v1, v4;
	_ =	sdelay $0x3  }
0x87: {  	v3 =	vperm.xlane v3, v2  }
0x88: {  	[hbm4b:s3+s2] =	stream.indirect_vreg.scatter [tilespmem:s13], [sflag:$0x2], $0x80, v4, vm0, $0xb8;
	[tilespmem:$0xC100] =	vst v63  }
0x89: {  	v3 =	vadd.s32 v1, v3  }
0x8a: {  	[hbm4b:s4+s2] =	stream.indirect_vreg.scatter [tilespmem:s14], [sflag:$0x2], $0x80, v4, vm0, $0xb8;
	[tilespmem:$0xC100] =	vst v63  }
0x8b: {  	_ = 	snop  }
0x8c: {  	[hbm4b:s5+s2] =	stream.indirect_vreg.scatter [tilespmem:s15], [sflag:$0x2], $0x80, v4, vm0, $0xb8;
	[tilespmem:$0xC100] =	vst v63  }
0x8d: {  	_ = 	snop  }
0x8e: {  	[hbm4b:s3+s2] =	stream.indirect_vreg.scatter [tilespmem:s16], [sflag:$0x2], $0x80, v3, vm0, $0xb8;
	[tilespmem:$0xC100] =	vst v63  }
0x8f: {  	_ = 	snop  }
0x90: {  	[hbm4b:s4+s2] =	stream.indirect_vreg.scatter [tilespmem:s17], [sflag:$0x2], $0x80, v3, vm0, $0xb8;
	[tilespmem:$0xC100] =	vst v63  }
0x91: {  	_ = 	snop  }
0x92: {  	[hbm4b:s5+s2] =	stream.indirect_vreg.scatter [tilespmem:s18], [sflag:$0x2], $0x80, v3, vm0, $0xb8;
	[tilespmem:$0xC100] =	vst v63  }
0x93: {  	v3 =	vld [tilespmem:$0xC0A0];
	_ =	sdelay $0x4  }
0x94: {  	v62 =	vshrl.u32 v3, $0x3  }
0x95: {  	v4 =	vmul.u32 $0x30, v62  }
0x96: {  	v3 =	vand.u32 $0x7, v3  }
0x97: {  	v3 =	vor.u32 v3, v4  }
0x98: {  	v4 =	vperm.xlane v3, v0;
	_ =	sdelay $0x1  }
0x99: {  	v4 =	vadd.s32 v1, v4;
	_ =	sdelay $0x3  }
0x9a: {  	v3 =	vperm.xlane v3, v2  }
0x9b: {  	[hbm4b:s3+s2] =	stream.indirect_vreg.scatter [tilespmem:s19], [sflag:$0x2], $0x80, v4, vm0, $0xb8;
	[tilespmem:$0xC100] =	vst v63  }
0x9c: {  	v3 =	vadd.s32 v1, v3  }
0x9d: {  	[hbm4b:s4+s2] =	stream.indirect_vreg.scatter [tilespmem:s20], [sflag:$0x2], $0x80, v4, vm0, $0xb8;
	[tilespmem:$0xC100] =	vst v63  }
0x9e: {  	_ = 	snop  }
0x9f: {  	[hbm4b:s5+s2] =	stream.indirect_vreg.scatter [tilespmem:s21], [sflag:$0x2], $0x80, v4, vm0, $0xb8;
	[tilespmem:$0xC100] =	vst v63  }
0xa0: {  	_ = 	snop  }
0xa1: {  	[hbm4b:s3+s2] =	stream.indirect_vreg.scatter [tilespmem:s22], [sflag:$0x2], $0x80, v3, vm0, $0xb8;
	[tilespmem:$0xC100] =	vst v63  }
0xa2: {  	_ = 	snop  }
0xa3: {  	[hbm4b:s4+s2] =	stream.indirect_vreg.scatter [tilespmem:s23], [sflag:$0x2], $0x80, v3, vm0, $0xb8;
	[tilespmem:$0xC100] =	vst v63  }
0xa4: {  	_ = 	snop  }
0xa5: {  	[hbm4b:s5+s2] =	stream.indirect_vreg.scatter [tilespmem:s24], [sflag:$0x2], $0x80, v3, vm0, $0xb8;
	[tilespmem:$0xC100] =	vst v63  }
0xa6: {  	v3 =	vld [tilespmem:$0xC0B0];
	_ =	sdelay $0x4  }
0xa7: {  	v63 =	vshrl.u32 v3, $0x3  }
0xa8: {  	v4 =	vmul.u32 $0x30, v63  }
0xa9: {  	v3 =	vand.u32 $0x7, v3  }
0xaa: {  	v3 =	vor.u32 v3, v4  }
0xab: {  	v4 =	vperm.xlane v3, v0;
	_ =	sdelay $0x1  }
0xac: {  	v4 =	vadd.s32 v1, v4;
	_ =	sdelay $0x3  }
0xad: {  	v3 =	vperm.xlane v3, v2  }
0xae: {  	[hbm4b:s3+s2] =	stream.indirect_vreg.scatter [tilespmem:s25], [sflag:$0x2], $0x80, v4, vm0, $0xb8;
	[tilespmem:$0xC100] =	vst v63  }
0xaf: {  	v3 =	vadd.s32 v1, v3  }
0xb0: {  	[hbm4b:s4+s2] =	stream.indirect_vreg.scatter [tilespmem:s26], [sflag:$0x2], $0x80, v4, vm0, $0xb8;
	[tilespmem:$0xC100] =	vst v63  }
0xb1: {  	_ = 	snop  }
0xb2: {  	[hbm4b:s5+s2] =	stream.indirect_vreg.scatter [tilespmem:s28], [sflag:$0x2], $0x80, v4, vm0, $0xb8;
	[tilespmem:$0xC100] =	vst v63  }
0xb3: {  	_ = 	snop  }
0xb4: {  	[hbm4b:s3+s2] =	stream.indirect_vreg.scatter [tilespmem:s29], [sflag:$0x2], $0x80, v3, vm0, $0xb8;
	[tilespmem:$0xC100] =	vst v63  }
0xb5: {  	_ = 	snop  }
0xb6: {  	[hbm4b:s4+s2] =	stream.indirect_vreg.scatter [tilespmem:s30], [sflag:$0x2], $0x80, v3, vm0, $0xb8;
	[tilespmem:$0xC100] =	vst v63  }
0xb7: {  	_ = 	snop  }
0xb8: {  	[hbm4b:s5+s2] =	stream.indirect_vreg.scatter [tilespmem:s31], [sflag:$0x2], $0x80, v3, vm0, $0xb8;
	[tilespmem:$0xC100] =	vst v63  }
0xb9: {  	p0 =	sne.s32 s6, $0x1;
	_ =	swait.ge [sflag:s1], $0xC000  }
.Ltmp0:
0xba: {  	[sflag:s1] =	ssyncset.done $0x0;
	(pc) =	sbr.rel @p0 .LBB2_1-.Ltmp0, $4  }
0xbb: {  	[sflag:s1] =	ssyncadd.s32 $0xFFFF4000  }
0xbc: {  	_ =	swait.ge [sflag:s0], $0xC000  }
0xbd: {  	[sflag:s0] =	ssyncset.done $0x0  }
0xbe: {  	s6 =	sadd.s32 $0xFFFFFFFF, s6;
	[sflag:s0] =	ssyncadd.s32 $0xFFFF4000  }
0xbf: {  	_ =	sfence.sel $0x180000  }
0xc0: {  	[bflag:$0x0] =	sbarrier.arrive $0xFFFF  }
0xc1: {  	_ =	strace $0x90000047  }
0xc2: {  	s0 =	stileid.u32;
	[bflag:$0x2] =	sbarrier.arrive $0xFFFF  }
0xc3: {  	p0 =	sne.s32 s0, $0x0;
	s0 =	rddreg [dreg:$0x2]  }
0xc4: {  	s0 =	sadd.s32 @!p0 $0x100000, s0  }
0xc5: {  	[sflag:s0] =	ssyncadd.tile.s32 @!p0 $0x1;
	_ =	shalt  }
.Lfunc_end2:
_tile_overlayer_lowered:
.L_overlay_start_2:
0xc6: {  	(tag) =	ssettag $0x2  }
0xc7: {  	s0 =	rddreg [dreg:$0x0];
	s2 =	stileid.u32  }
0xc8: {  	s1 =	rddreg [dreg:$0x1];
	p0 =	sne.s32 s2, $0x0  }
0xc9: {  	s3 =	rddreg [dreg:$0x2];
	[bflag:$0x3] =	sbarrier.arrive $0xFFFF;
	s2 =	simm.s32 @!p0 $0x1C03  }
0xca: {  	[timem:s3], [sflag:s2] =	dma.local @!p0 [hbm:s0], s1  }
0xcb: {  	s0 =	simm.s32 @!p0 $0x3  }
0xcc: {  	_ =	swait.ge @!p0 [sflag:s0], s1  }
0xcd: {  	s1 =	ssub.s32 @!p0 $0x0, s1;
	[sflag:s0] =	ssyncset.done @!p0 $0x0  }
0xce: {  	[sflag:s0] =	ssyncadd.s32 @!p0 s1  }
0xcf: {  	[bflag:$0x3] =	sbarrier.arrive $0xFFFF  }
0xd0: {  	_ =	shalt  }

// kernel: kernel.13.cloned.1.call-start
scs
__scs_entry_jumppad:
0x0: {  	(pc) =	sbr.rel $0x88, $3  }
0x1: {  	(tag) =	ssettag $0x0;
	lr =	simm.s32 $0x1  }
0x2: {  	[smem:$0x3F90] =	sst lr;
	_ =	strace $0xD0000000  }
0x3: {  	_ = 	snop  }
0x4: {  	_ = 	snop  }
0x5: {  	_ = 	snop  }
0x6: {  	_ = 	snop  }
0x7: {  	_ = 	snop  }
__scs_overlays_trampoline_lowered:
0x8: {  	[smem:$0x3F9F] =	sst s0  }
0x9: {  	[smem:$0x3FA0] =	sst s1  }
0xa: {  	[smem:$0x3FA1] =	sst s2  }
0xb: {  	[smem:$0x3FA2] =	sst s3  }
0xc: {  	[smem:$0x3FA3] =	sst s4  }
0xd: {  	[smem:$0x3FA4] =	sst s5  }
0xe: {  	[smem:$0x3FA5] =	sst s6  }
0xf: {  	[smem:$0x3FA6] =	sst s7  }
0x10: {  	[smem:$0x3FA7] =	sst s8  }
0x11: {  	[smem:$0x3FA8] =	sst s9;
	s0 =	simm.s32 @!p0 $0x0  }
0x12: {  	s1 =	sld [smem:$0x3F8E];
	s0 =	simm.s32 @p0 $0x1  }
0x13: {  	[smem:$0x3FA9] =	sst s0;
	s0 =	simm.s32 @!p1 $0x0  }
0x14: {  	s2 =	sld [smem:$0x3F8D];
	s0 =	simm.s32 @p1 $0x1  }
0x15: {  	[smem:$0x3FAA] =	sst s0;
	s0 =	simm.s32 @!p2 $0x0  }
0x16: {  	s3 =	sld [smem:$0x3FDB];
	s0 =	simm.s32 @p2 $0x1  }
0x17: {  	s4 =	simm.s32 $0x1BF5;
	[smem:$0x3FAC] =	sst s0  }
0x18: {  	s0 =	sld [smem:$0x3F8F];
	_ =	swait.ge [sflag:s4], $0x0  }
0x19: {  	s7 =	sld [smem:$0x3F90]  }
0x1a: {  	s8 =	sadd.s32 $0xFFFFE003, lr  }
0x1b: {  	s9 =	sadd.s32 $0xFFFFFEF7, lr;
	s5 =	simm.s32 $0xFFFFFFFF;
	p2 =	slt.u32 s8, $0xFFFFF086  }
0x1c: {  	p1 =	slt.u32 s9, $0xF7A;
	s5 =	simm.s32 @!p2 $0x0  }
0x1d: {  	s5 =	simm.s32 @p1 $0x1;
	p0 =	seq.s32 s7, s2  }
0x1e: {  	s7 =	smul.u32 @!p0 $0xF7A, s2;
	p2 =	seq.s32 @!p0 s5, $0x0  }
0x1f: {  	s9 =	smul.u32 $0xF7A, s1;
	s8 =	simm.s32 @!p0 $0x1BF5;
	p2 =	por !p2, p0  }
0x20: {  	[sflag:s8] =	ssyncset.s32 @!p0 $0xFFFFF086;
	s6 =	sadd.s32 @!p0 s3, s7;
	s7 =	simm.s32 @!p0 $0x108  }
0x21: {  	s3 =	sadd.s32 s3, s9;
	s6 =	sadd.s32 @!p0 $0x88, s6;
	s7 =	simm.s32 @p2 $0x1082  }
0x22: {  	[simem:s7], [sflag:s8] =	dma.local @!p0 [hbm:s6], $0xF7A  }
0x23: {  	s9 =	sor.u32 $0xD0000000, s2;
	s6 =	simm.s32 $0x108;
	_ =	swait.ge @!p0 [sflag:s8], $0x0  }
0x24: {  	s3 =	sadd.s32 $0x88, s3;
	s6 =	simm.s32 @!p1 $0x1082;
	[sflag:s4] =	ssyncset.s32 $0xFFFFF086  }
0x25: {  	[simem:s6], [sflag:s4] =	dma.local [hbm:s3], $0xF7A  }
0x26: {  	[smem:$0x3F90] =	sst s1;
	(tag) =	ssettag s2;
	_ =	strace s9  }
0x27: {  	s1 =	sld [smem:$0x3FA0]  }
0x28: {  	s2 =	sld [smem:$0x3FA1]  }
0x29: {  	s4 =	sld [smem:$0x3FA3]  }
0x2a: {  	p0 =	seq.s32 s5, $0x0;
	s5 =	sld [smem:$0x3FA4]  }
0x2b: {  	s6 =	sld [smem:$0x3FA5]  }
0x2c: {  	s7 =	sld [smem:$0x3FA6]  }
0x2d: {  	s3 =	simm.s32 $0x108;
	s8 =	sld [smem:$0x3FA7]  }
0x2e: {  	s3 =	simm.s32 @!p0 $0x1082;
	s9 =	sld [smem:$0x3FA8]  }
0x2f: {  	lr =	sadd.s32 s0, s3;
	s0 =	sld [smem:$0x3F9F]  }
0x30: {  	s3 =	sld [smem:$0x3FA2]  }
0x31: {  	[smem:$0x3FAB] =	sst s10  }
0x32: {  	s10 =	sld [smem:$0x3FA9];
	_ =	sdelay $0x3  }
0x33: {  	p0 =	seq.s32 s10, $0x1;
	s10 =	sld [smem:$0x3FAB];
	_ =	sdelay $0x3  }
0x34: {  	[smem:$0x3FAB] =	sst s10  }
0x35: {  	s10 =	sld [smem:$0x3FAA];
	_ =	sdelay $0x3  }
0x36: {  	p1 =	seq.s32 s10, $0x1;
	s10 =	sld [smem:$0x3FAB];
	_ =	sdelay $0x3  }
0x37: {  	[smem:$0x3FAB] =	sst s10  }
0x38: {  	s10 =	sld [smem:$0x3FAC]  }
0x39: {  	_ = 	snop;
	(pc) =	sbr.ind lr, $3  }
0x3a: {  	_ = 	snop  }
0x3b: {  	_ = 	snop  }
0x3c: {  	p2 =	seq.s32 s10, $0x1;
	s10 =	sld [smem:$0x3FAB]  }
0x3d: {  	_ =	shalt  }
0x3e: {  	_ =	shalt  }
0x3f: {  	_ =	shalt  }
0x40: {  	_ =	shalt  }
0x41: {  	_ =	shalt  }
0x42: {  	_ =	shalt  }
0x43: {  	_ =	shalt  }
0x44: {  	_ =	shalt  }
0x45: {  	_ =	shalt  }
0x46: {  	_ =	shalt  }
0x47: {  	_ =	shalt  }
0x48: {  	_ =	shalt  }
0x49: {  	_ =	shalt  }
0x4a: {  	_ =	shalt  }
0x4b: {  	_ =	shalt  }
0x4c: {  	_ =	shalt  }
0x4d: {  	_ =	shalt  }
0x4e: {  	_ =	shalt  }
0x4f: {  	_ =	shalt  }
0x50: {  	_ =	shalt  }
0x51: {  	_ =	shalt  }
0x52: {  	_ =	shalt  }
0x53: {  	_ =	shalt  }
0x54: {  	_ =	shalt  }
0x55: {  	_ =	shalt  }
0x56: {  	_ =	shalt  }
0x57: {  	_ =	shalt  }
0x58: {  	_ =	shalt  }
0x59: {  	_ =	shalt  }
0x5a: {  	_ =	shalt  }
0x5b: {  	_ =	shalt  }
0x5c: {  	_ =	shalt  }
0x5d: {  	_ =	shalt  }
0x5e: {  	_ =	shalt  }
0x5f: {  	_ =	shalt  }
0x60: {  	_ =	shalt  }
0x61: {  	_ =	shalt  }
0x62: {  	_ =	shalt  }
0x63: {  	_ =	shalt  }
0x64: {  	_ =	shalt  }
0x65: {  	_ =	shalt  }
0x66: {  	_ =	shalt  }
0x67: {  	_ =	shalt  }
0x68: {  	_ =	shalt  }
0x69: {  	_ =	shalt  }
0x6a: {  	_ =	shalt  }
0x6b: {  	_ =	shalt  }
0x6c: {  	_ =	shalt  }
0x6d: {  	_ =	shalt  }
0x6e: {  	_ =	shalt  }
0x6f: {  	_ =	shalt  }
0x70: {  	_ =	shalt  }
0x71: {  	_ =	shalt  }
0x72: {  	_ =	shalt  }
0x73: {  	_ =	shalt  }
0x74: {  	_ =	shalt  }
0x75: {  	_ =	shalt  }
0x76: {  	_ =	shalt  }
0x77: {  	_ =	shalt  }
0x78: {  	_ =	shalt  }
0x79: {  	_ =	shalt  }
0x7a: {  	_ =	shalt  }
0x7b: {  	_ =	shalt  }
0x7c: {  	_ =	shalt  }
0x7d: {  	_ =	shalt  }
0x7e: {  	_ =	shalt  }
0x7f: {  	_ =	shalt  }
0x80: {  	_ =	shalt  }
0x81: {  	_ =	shalt  }
0x82: {  	_ =	shalt  }
0x83: {  	_ =	shalt  }
0x84: {  	_ =	shalt  }
0x85: {  	_ =	shalt  }
0x86: {  	_ =	shalt  }
0x87: {  	_ =	shalt  }
.Lfunc_end0:
.L_simem_size_0:
called_computation.1_lowered:
.L_overlay_start_0:
0x88: {  	s2 =	sld [smem:$0x3FD9]  }
0x89: {  	s3 =	sld [smem:$0x3FFE];
	_ =	sdelay $0x1  }
0x8a: {  	s1 =	srdreg.scid  }
0x8b: {  	s0 =	sand.u32 $0x1, s1  }
0x8c: {  	s16 =	sshll.u32 s0, $0xA;
	s2 =	sadd.s32 s3, s2  }
0x8d: {  	s2 =	sadd.s32 s2, s16  }
0x8e: {  	[smem:$0x3FB7] =	sst s2  }
0x8f: {  	_ = 	snop  }
0x90: {  	(tm) =	ssettm $0x1  }
0x91: {  	s17 =	sld [smem:$0x3FFB];
	_ =	sdelay $0x3  }
0x92: {  	_ =	strace s17  }
0x93: {  	s2 =	sld [smem:$0x3FFC];
	_ =	sdelay $0x3  }
0x94: {  	_ =	strace s2  }
0x95: {  	s2 =	sld [smem:$0x3FFD];
	_ =	sdelay $0x3  }
0x96: {  	_ =	strace s2  }
0x97: {  	_ =	strace $0x8FFFFFFF  }
0x98: {  	s18 =	sld [smem:$0x3FDB];
	_ =	sdelay $0x1  }
0x99: {  	s19 =	simm.s32 $_scs_section_size  }
0x9a: {  	s4 =	simm.s32 $_size__tile_overlayer_lowered;
	s5 =	simm.s32 $_tile_overlayer_lowered  }
0x9b: {  	s22 =	simm.s32 $0x1BFF;
	s21 =	sshll.u32 s5, $0x1;
	s2 =	sadd.s32 s19, s18  }
0x9c: {  	s6 =	simm.s32 $0x0;
	s20 =	sshll.u32 s4, $0x1;
	s4 =	sadd.s32 s21, s2  }
0x9d: {  	[timem:s6], [sflag:s22] =	dma.local [hbm:s4], s20  }
0x9e: {  	_ =	swait.ge [sflag:s22], s20  }
0x9f: {  	s3 =	ssub.s32 $0x0, s20;
	[sflag:s22] =	ssyncset.done $0x0  }
0xa0: {  	[sflag:s22] =	ssyncadd.s32 s3;
	_ =	sdelay $0x1  }
0xa1: {  	s23 =	simm.s32 $0x1B8B  }
0xa2: {  	_ =	swait.ge [sflag:s23], $0x1  }
0xa3: {  	[sflag:s23] =	ssyncset.done $0x0  }
0xa4: {  	s25 =	simm.s32 $0x1B8E;
	s24 =	sld [smem:$0x3FFE];
	[sflag:s23] =	ssyncadd.s32 $0xFFFFFFFF  }
0xa5: {  	s26 =	simm.s32 $execute0_lowered;
	[smem:$0x3FD2] =	sst s25  }
0xa6: {  	s4 =	sshll.u32 s26, $0x1;
	_ =	strace $0x80000049;
	[dreg:$0x1] =	wrdreg $0xFFFFFFFF  }
0xa7: {  	s28 =	simm.s32 $_size_execute0_lowered;
	s2 =	sadd.s32 s2, s4;
	[dreg:$0x0] =	wrdreg $0x0  }
0xa8: {  	s4 =	sshll.u32 s28, $0x1;
	[dreg:$0x2] =	wrdreg s2  }
0xa9: {  	[dreg:$0x3] =	wrdreg s4  }
0xaa: {  	[dreg:$0x4] =	wrdreg $0xC0  }
0xab: {  	_ =	task [dreg:s6], $0x5FFFF  }
0xac: {  	[dreg:$0x1] =	wrdreg $0xFFFFFFFF  }
0xad: {  	[dreg:$0x0] =	wrdreg $0x60  }
0xae: {  	[dreg:$0x2] =	wrdreg s24  }
0xaf: {  	[dreg:$0x3] =	wrdreg $0x9  }
0xb0: {  	_ =	task.clear_ibuf [dreg:s6], $0x4FFFF;
	_ =	strace $0x90000049  }
0xb1: {  	s29 =	simm.s32 $0x9;
	_ =	strace $0x8000004B  }
0xb2: {  	_ =	swait.ge [sflag:s29], $0x1  }
0xb3: {  	[sflag:s29] =	ssyncadd.s32 $0xFFFFFFFF  }
0xb4: {  	_ =	strace $0x9000004B  }
0xb5: {  	_ =	sfence  }
0xb6: {  	s30 =	sld [smem:$0x0];
	_ =	sdelay $0x2  }
0xb7: {  	s31 =	sshll.u32 s1, $0xD;
	s1 =	sshrl.u32 s1, $0x2  }
0xb8: {  	s3 =	sand.u32 $0x4000, s31;
	s1 =	sadd.s32 s1, s30  }
0xb9: {  	s0 =	sor.u32 s3, s0;
	s1 =	sshll.u32 s1, $0x11  }
0xba: {  	s0 =	sor.u32 s1, s0  }
0xbb: {  	s0 =	sadd.s32 $0x8F2B, s0  }
0xbc: {  	[sflag:s0] =	ssyncadd.remote.s32 $0x1  }
0xbd: {  	_ =	sfence.sel $0xFFFF  }
0xbe: {  	[dreg:$0x0] =	wrdreg $0xFFFFFFFF;
	(pc) =	sbr.abs _section_cstart, $3  }
0xbf: {  	[dreg:$0x1] =	wrdreg $0xFFFFFFFF  }
0xc0: {  	_ =	task.clear_ibuf [dreg:s6], $0x2FFFF;
	_ =	strace $0x9FFFFFFF  }
0xc1: {  	(tm) =	ssettm $0x7FFFFFFF  }
tec
execute0_lowered:
.L_overlay_start_1:
0x0: {  	(tag) =	ssettag $0x1  }
0x1: {  	s1 =	srdreg.scid  }
0x2: {  	s2 =	simm.s32 $0x0;
	s4 =	sand.u32 $0x1, s1;
	s1 =	rddreg [dreg:$0x0]  }
0x3: {  	s23 =	simm.s32 $0x18000;
	[smem:$0x7FF] =	sst s2  }
0x4: {  	s24 =	simm.s32 $0x18080;
	_ =	strace $0x8000004A;
	[dreg:$0x6] =	wrdreg s23  }
0x5: {  	s25 =	simm.s32 $0x800;
	[dreg:$0x7] =	wrdreg s24  }
0x6: {  	s0 =	stileid.u32;
	s26 =	simm.s32 $0x1000;
	[dreg:$0x8] =	wrdreg s25  }
0x7: {  	s3 =	sshll.u32 s0, $0x4;
	s0 =	simm.s32 $0x1800;
	[dreg:$0x9] =	wrdreg s26  }
0x8: {  	s7 =	simm.s32 $0x3000;
	[dreg:$0xa] =	wrdreg s0  }
0x9: {  	s8 =	simm.s32 $0x3800;
	[dreg:$0xd] =	wrdreg s7  }
0xa: {  	s9 =	simm.s32 $0x4000;
	[dreg:$0xe] =	wrdreg s8  }
0xb: {  	s10 =	simm.s32 $0x4800;
	[dreg:$0xf] =	wrdreg s9  }
0xc: {  	s11 =	simm.s32 $0x5000;
	[dreg:$0x10] =	wrdreg s10  }
0xd: {  	s12 =	simm.s32 $0x5800;
	[dreg:$0x11] =	wrdreg s11  }
0xe: {  	s13 =	simm.s32 $0x6000;
	[dreg:$0x12] =	wrdreg s12  }
0xf: {  	s14 =	simm.s32 $0x6800;
	[dreg:$0x13] =	wrdreg s13  }
0x10: {  	s15 =	simm.s32 $0x7000;
	[dreg:$0x14] =	wrdreg s14  }
0x11: {  	s16 =	simm.s32 $0x7800;
	[dreg:$0x15] =	wrdreg s15  }
0x12: {  	s17 =	simm.s32 $0x8000;
	s18 =	simm.s32 $0x8800;
	[dreg:$0x16] =	wrdreg s16  }
0x13: {  	s19 =	simm.s32 $0x9000;
	s21 =	simm.s32 $0x9800;
	[dreg:$0x17] =	wrdreg s17  }
0x14: {  	s28 =	simm.s32 $0x16800;
	s29 =	simm.s32 $0x17000;
	[dreg:$0x18] =	wrdreg s18  }
0x15: {  	s30 =	simm.s32 $0x17800;
	s31 =	simm.s32 $0x1;
	[dreg:$0x19] =	wrdreg s19  }
0x16: {  	s5 =	sshll.u32 s4, $0x3;
	s4 =	ssub.s32 $0x2, s4;
	[dreg:$0x1a] =	wrdreg s21  }
0x17: {  	s7 =	simm.s32 $0xA800;
	s23 =	simm.s32 $0xB000;
	s24 =	simm.s32 $0xB800  }
0x18: {  	s25 =	simm.s32 $0xC800;
	s8 =	simm.s32 $0xC000;
	s26 =	simm.s32 $0xD000  }
0x19: {  	s10 =	simm.s32 $0xE000;
	s11 =	simm.s32 $0xE800;
	s12 =	simm.s32 $0xF000  }
0x1a: {  	s13 =	simm.s32 $0xF800;
	s14 =	simm.s32 $0x10000;
	s15 =	simm.s32 $0x10800  }
0x1b: {  	s16 =	simm.s32 $0x11000;
	s17 =	simm.s32 $0x11800;
	[dreg:$0x1c] =	wrdreg s7  }
0x1c: {  	s18 =	simm.s32 $0x12000;
	s19 =	simm.s32 $0x12800;
	[dreg:$0x1d] =	wrdreg s23  }
0x1d: {  	s21 =	simm.s32 $0x13800;
	s3 =	sor.u32 s5, s3;
	[dreg:$0x1e] =	wrdreg s24  }
0x1e: {  	s20 =	sshrl.u32 s4, $0x1;
	s7 =	simm.s32 $0x3;
	[dreg:$0x1f] =	wrdreg s25  }
0x1f: {  	[smem:$0x7FD] =	sst s26;
	s23 =	simm.s32 $0x14800;
	s5 =	sadd.s32 s3, s1  }
0x20: {  	s24 =	simm.s32 $0x15000;
	s25 =	simm.s32 $0x15800;
	s6 =	sadd.s32 $0x3E00, s5  }
0x21: {  	s3 =	smul.u32 $0x300, s3;
	s5 =	sadd.s32 $0x3F00, s5;
	[dreg:$0x2] =	wrdreg s6  }
0x22: {  	s26 =	simm.s32 $0x16000;
	[dreg:$0x3] =	wrdreg s5;
	s5 =	simm.s32 $0x2000  }
0x23: {  	s3 =	sadd.s32 s3, s1;
	s6 =	simm.s32 $0x2800;
	[dreg:$0xb] =	wrdreg s5  }
0x24: {  	s22 =	sadd.s32 $0x94000, s3;
	s3 =	sadd.s32 $0xC4000, s3;
	[dreg:$0xc] =	wrdreg s6  }
0x25: {  	s6 =	ssub.s32 s4, s20;
	s4 =	sadd.s32 $0x4100, s1;
	[dreg:$0x4] =	wrdreg s22  }
0x26: {  	v2 =	vlaneseq.u32;
	s5 =	sadd.s32 $0x4200, s1;
	s20 =	simm.s32 $0x13000;
	[dreg:$0x5] =	wrdreg s3  }
0x27: {  	vm0 =	vmmov $0xffff;
	v1 =	vshrl.u32 v2, $0x3;
	s3 =	sadd.s32 $0x4000, s1;
	s22 =	simm.s32 $0xA000;
	s6 =	smax.u32 s6, $0x1  }
0x28: {  	v0 =	vand.u32 $0x7, v2;
	v2 =	vor.u32 $0x8, v2;
	v1 =	vmul.u32 $0x8, v1;
	s1 =	simm.s32 $0x2;
	[dreg:$0x1b] =	wrdreg s22;
	s22 =	simm.s32 $0x14000  }
.LBB2_1:
0x29: {  	s0 =	rddreg [dreg:$0x2]  }
0x2a: {  	s9 =	rddreg [dreg:$0x6]  }
0x2b: {  	[tilespmem:s9], [sflag:$0x3] =	stream.linear.gather [hbm4b:s0+s2], $0x40, $0x38;
	[tilespmem:$0x18100] =	vst v63  }
0x2c: {  	_ =	swait.ge [sflag:s7], $0x40  }
0x2d: {  	s0 =	rddreg [dreg:$0x3];
	[sflag:s7] =	ssyncset.done $0x0  }
0x2e: {  	s9 =	rddreg [dreg:$0x7];
	[sflag:s7] =	ssyncadd.s32 $0xFFFFFFC0  }
0x2f: {  	[tilespmem:s9], [sflag:$0x3] =	stream.linear.gather [hbm4b:s0+s2], $0x40, $0x38;
	[tilespmem:$0x18100] =	vst v63  }
0x30: {  	_ =	swait.ge [sflag:s7], $0x40  }
0x31: {  	[sflag:s7] =	ssyncset.done $0x0  }
0x32: {  	[sflag:s7] =	ssyncadd.s32 $0xFFFFFFC0  }
0x33: {  	v3 =	vld [tilespmem:$0x18000];
	_ =	sdelay $0x4  }
0x34: {  	v4 =	vshrl.u32 v3, $0x3  }
0x35: {  	v4 =	vmul.u32 $0x30, v4  }
0x36: {  	v3 =	vand.u32 $0x7, v3  }
0x37: {  	v3 =	vor.u32 v3, v4  }
0x38: {  	v4 =	vperm.xlane v3, v0;
	_ =	sdelay $0x1  }
0x39: {  	v4 =	vadd.s32 v1, v4;
	_ =	sdelay $0x3  }
0x3a: {  	v3 =	vperm.xlane v3, v2  }
0x3b: {  	[tilespmem:s2], [sflag:$0x1] =	stream.indirect_vreg.gather [hbm4b:s3+s2], $0x80, v4, vm0, $0xb8;
	[tilespmem:$0x18100] =	vst v63  }
0x3c: {  	s0 =	rddreg [dreg:$0x8];
	v3 =	vadd.s32 v1, v3  }
0x3d: {  	[tilespmem:s0], [sflag:$0x1] =	stream.indirect_vreg.gather [hbm4b:s4+s2], $0x80, v4, vm0, $0xb8;
	[tilespmem:$0x18100] =	vst v63  }
0x3e: {  	s9 =	rddreg [dreg:$0x9]  }
0x3f: {  	[tilespmem:s9], [sflag:$0x1] =	stream.indirect_vreg.gather [hbm4b:s5+s2], $0x80, v4, vm0, $0xb8;
	[tilespmem:$0x18100] =	vst v63  }
0x40: {  	s0 =	rddreg [dreg:$0xa]  }
0x41: {  	[tilespmem:s0], [sflag:$0x1] =	stream.indirect_vreg.gather [hbm4b:s3+s2], $0x80, v3, vm0, $0xb8;
	[tilespmem:$0x18100] =	vst v63  }
0x42: {  	s9 =	rddreg [dreg:$0xb]  }
0x43: {  	[tilespmem:s9], [sflag:$0x1] =	stream.indirect_vreg.gather [hbm4b:s4+s2], $0x80, v3, vm0, $0xb8;
	[tilespmem:$0x18100] =	vst v63  }
0x44: {  	s0 =	rddreg [dreg:$0xc]  }
0x45: {  	[tilespmem:s0], [sflag:$0x1] =	stream.indirect_vreg.gather [hbm4b:s5+s2], $0x80, v3, vm0, $0xb8;
	[tilespmem:$0x18100] =	vst v63  }
0x46: {  	v3 =	vld [tilespmem:$0x18010];
	_ =	sdelay $0x4  }
0x47: {  	v57 =	vshrl.u32 v3, $0x3  }
0x48: {  	v4 =	vmul.u32 $0x30, v57  }
0x49: {  	v3 =	vand.u32 $0x7, v3  }
0x4a: {  	v3 =	vor.u32 v3, v4  }
0x4b: {  	v4 =	vperm.xlane v3, v0;
	_ =	sdelay $0x1  }
0x4c: {  	v4 =	vadd.s32 v1, v4;
	_ =	sdelay $0x3  }
0x4d: {  	s0 =	rddreg [dreg:$0xd];
	v3 =	vperm.xlane v3, v2  }
0x4e: {  	[tilespmem:s0], [sflag:$0x1] =	stream.indirect_vreg.gather [hbm4b:s3+s2], $0x80, v4, vm0, $0xb8;
	[tilespmem:$0x18100] =	vst v63  }
0x4f: {  	s9 =	rddreg [dreg:$0xe];
	v3 =	vadd.s32 v1, v3  }
0x50: {  	[tilespmem:s9], [sflag:$0x1] =	stream.indirect_vreg.gather [hbm4b:s4+s2], $0x80, v4, vm0, $0xb8;
	[tilespmem:$0x18100] =	vst v63  }
0x51: {  	s0 =	rddreg [dreg:$0xf]  }
0x52: {  	[tilespmem:s0], [sflag:$0x1] =	stream.indirect_vreg.gather [hbm4b:s5+s2], $0x80, v4, vm0, $0xb8;
	[tilespmem:$0x18100] =	vst v63  }
0x53: {  	s9 =	rddreg [dreg:$0x10]  }
0x54: {  	[tilespmem:s9], [sflag:$0x1] =	stream.indirect_vreg.gather [hbm4b:s3+s2], $0x80, v3, vm0, $0xb8;
	[tilespmem:$0x18100] =	vst v63  }
0x55: {  	s0 =	rddreg [dreg:$0x11]  }
0x56: {  	[tilespmem:s0], [sflag:$0x1] =	stream.indirect_vreg.gather [hbm4b:s4+s2], $0x80, v3, vm0, $0xb8;
	[tilespmem:$0x18100] =	vst v63  }
0x57: {  	s9 =	rddreg [dreg:$0x12]  }
0x58: {  	[tilespmem:s9], [sflag:$0x1] =	stream.indirect_vreg.gather [hbm4b:s5+s2], $0x80, v3, vm0, $0xb8;
	[tilespmem:$0x18100] =	vst v63  }
0x59: {  	v3 =	vld [tilespmem:$0x18020];
	_ =	sdelay $0x4  }
0x5a: {  	v58 =	vshrl.u32 v3, $0x3  }
0x5b: {  	v4 =	vmul.u32 $0x30, v58  }
0x5c: {  	v3 =	vand.u32 $0x7, v3  }
0x5d: {  	v3 =	vor.u32 v3, v4  }
0x5e: {  	v4 =	vperm.xlane v3, v0;
	_ =	sdelay $0x1  }
0x5f: {  	v4 =	vadd.s32 v1, v4;
	_ =	sdelay $0x3  }
0x60: {  	s0 =	rddreg [dreg:$0x13];
	v3 =	vperm.xlane v3, v2  }
0x61: {  	[tilespmem:s0], [sflag:$0x1] =	stream.indirect_vreg.gather [hbm4b:s3+s2], $0x80, v4, vm0, $0xb8;
	[tilespmem:$0x18100] =	vst v63  }
0x62: {  	s9 =	rddreg [dreg:$0x14];
	v3 =	vadd.s32 v1, v3  }
0x63: {  	[tilespmem:s9], [sflag:$0x1] =	stream.indirect_vreg.gather [hbm4b:s4+s2], $0x80, v4, vm0, $0xb8;
	[tilespmem:$0x18100] =	vst v63  }
0x64: {  	s0 =	rddreg [dreg:$0x15]  }
0x65: {  	[tilespmem:s0], [sflag:$0x1] =	stream.indirect_vreg.gather [hbm4b:s5+s2], $0x80, v4, vm0, $0xb8;
	[tilespmem:$0x18100] =	vst v63  }
0x66: {  	s9 =	rddreg [dreg:$0x16]  }
0x67: {  	[tilespmem:s9], [sflag:$0x1] =	stream.indirect_vreg.gather [hbm4b:s3+s2], $0x80, v3, vm0, $0xb8;
	[tilespmem:$0x18100] =	vst v63  }
0x68: {  	s0 =	rddreg [dreg:$0x17]  }
0x69: {  	[tilespmem:s0], [sflag:$0x1] =	stream.indirect_vreg.gather [hbm4b:s4+s2], $0x80, v3, vm0, $0xb8;
	[tilespmem:$0x18100] =	vst v63  }
0x6a: {  	s9 =	rddreg [dreg:$0x18]  }
0x6b: {  	[tilespmem:s9], [sflag:$0x1] =	stream.indirect_vreg.gather [hbm4b:s5+s2], $0x80, v3, vm0, $0xb8;
	[tilespmem:$0x18100] =	vst v63  }
0x6c: {  	v3 =	vld [tilespmem:$0x18030];
	_ =	sdelay $0x4  }
0x6d: {  	v59 =	vshrl.u32 v3, $0x3  }
0x6e: {  	v4 =	vmul.u32 $0x30, v59  }
0x6f: {  	v3 =	vand.u32 $0x7, v3  }
0x70: {  	v3 =	vor.u32 v3, v4  }
0x71: {  	v4 =	vperm.xlane v3, v0;
	_ =	sdelay $0x1  }
0x72: {  	v4 =	vadd.s32 v1, v4;
	_ =	sdelay $0x3  }
0x73: {  	s0 =	rddreg [dreg:$0x19];
	v3 =	vperm.xlane v3, v2  }
0x74: {  	[tilespmem:s0], [sflag:$0x1] =	stream.indirect_vreg.gather [hbm4b:s3+s2], $0x80, v4, vm0, $0xb8;
	[tilespmem:$0x18100] =	vst v63  }
0x75: {  	s9 =	rddreg [dreg:$0x1a];
	v3 =	vadd.s32 v1, v3  }
0x76: {  	[tilespmem:s9], [sflag:$0x1] =	stream.indirect_vreg.gather [hbm4b:s4+s2], $0x80, v4, vm0, $0xb8;
	[tilespmem:$0x18100] =	vst v63  }
0x77: {  	s0 =	rddreg [dreg:$0x1b]  }
0x78: {  	[tilespmem:s0], [sflag:$0x1] =	stream.indirect_vreg.gather [hbm4b:s5+s2], $0x80, v4, vm0, $0xb8;
	[tilespmem:$0x18100] =	vst v63  }
0x79: {  	s9 =	rddreg [dreg:$0x1c]  }
0x7a: {  	[tilespmem:s9], [sflag:$0x1] =	stream.indirect_vreg.gather [hbm4b:s3+s2], $0x80, v3, vm0, $0xb8;
	[tilespmem:$0x18100] =	vst v63  }
0x7b: {  	s0 =	rddreg [dreg:$0x1d]  }
0x7c: {  	[tilespmem:s0], [sflag:$0x1] =	stream.indirect_vreg.gather [hbm4b:s4+s2], $0x80, v3, vm0, $0xb8;
	[tilespmem:$0x18100] =	vst v63  }
0x7d: {  	s9 =	rddreg [dreg:$0x1e]  }
0x7e: {  	[tilespmem:s9], [sflag:$0x1] =	stream.indirect_vreg.gather [hbm4b:s5+s2], $0x80, v3, vm0, $0xb8;
	[tilespmem:$0x18100] =	vst v63  }
0x7f: {  	v3 =	vld [tilespmem:$0x18080];
	_ =	sdelay $0x4  }
0x80: {  	v60 =	vshrl.u32 v3, $0x3  }
0x81: {  	v4 =	vmul.u32 $0x30, v60  }
0x82: {  	v3 =	vand.u32 $0x7, v3  }
0x83: {  	v3 =	vor.u32 v3, v4  }
0x84: {  	v4 =	vperm.xlane v3, v0;
	_ =	sdelay $0x1  }
0x85: {  	v4 =	vadd.s32 v1, v4;
	_ =	sdelay $0x3  }
0x86: {  	s0 =	rddreg [dreg:$0x1f];
	v3 =	vperm.xlane v3, v2  }
0x87: {  	[tilespmem:s8], [sflag:$0x2] =	stream.indirect_vreg.gather [hbm4b:s3+s2], $0x80, v4, vm0, $0xb8;
	[tilespmem:$0x18100] =	vst v63  }
0x88: {  	s9 =	sld [smem:$0x7FD];
	v3 =	vadd.s32 v1, v3  }
0x89: {  	[tilespmem:s0], [sflag:$0x2] =	stream.indirect_vreg.gather [hbm4b:s4+s2], $0x80, v4, vm0, $0xb8;
	[tilespmem:$0x18100] =	vst v63  }
0x8a: {  	_ = 	snop  }
0x8b: {  	[tilespmem:s9], [sflag:$0x2] =	stream.indirect_vreg.gather [hbm4b:s5+s2], $0x80, v4, vm0, $0xb8;
	[tilespmem:$0x18100] =	vst v63  }
0x8c: {  	s9 =	simm.s32 $0xD800  }
0x8d: {  	[tilespmem:s9], [sflag:$0x2] =	stream.indirect_vreg.gather [hbm4b:s3+s2], $0x80, v3, vm0, $0xb8;
	[tilespmem:$0x18100] =	vst v63  }
0x8e: {  	_ = 	snop  }
0x8f: {  	[tilespmem:s10], [sflag:$0x2] =	stream.indirect_vreg.gather [hbm4b:s4+s2], $0x80, v3, vm0, $0xb8;
	[tilespmem:$0x18100] =	vst v63  }
0x90: {  	_ = 	snop  }
0x91: {  	[tilespmem:s11], [sflag:$0x2] =	stream.indirect_vreg.gather [hbm4b:s5+s2], $0x80, v3, vm0, $0xb8;
	[tilespmem:$0x18100] =	vst v63  }
0x92: {  	v3 =	vld [tilespmem:$0x18090];
	_ =	sdelay $0x4  }
0x93: {  	v61 =	vshrl.u32 v3, $0x3  }
0x94: {  	v4 =	vmul.u32 $0x30, v61  }
0x95: {  	v3 =	vand.u32 $0x7, v3  }
0x96: {  	v3 =	vor.u32 v3, v4  }
0x97: {  	v4 =	vperm.xlane v3, v0;
	_ =	sdelay $0x1  }
0x98: {  	v4 =	vadd.s32 v1, v4;
	_ =	sdelay $0x3  }
0x99: {  	v3 =	vperm.xlane v3, v2  }
0x9a: {  	[tilespmem:s12], [sflag:$0x2] =	stream.indirect_vreg.gather [hbm4b:s3+s2], $0x80, v4, vm0, $0xb8;
	[tilespmem:$0x18100] =	vst v63  }
0x9b: {  	v3 =	vadd.s32 v1, v3  }
0x9c: {  	[tilespmem:s13], [sflag:$0x2] =	stream.indirect_vreg.gather [hbm4b:s4+s2], $0x80, v4, vm0, $0xb8;
	[tilespmem:$0x18100] =	vst v63  }
0x9d: {  	_ = 	snop  }
0x9e: {  	[tilespmem:s14], [sflag:$0x2] =	stream.indirect_vreg.gather [hbm4b:s5+s2], $0x80, v4, vm0, $0xb8;
	[tilespmem:$0x18100] =	vst v63  }
0x9f: {  	_ = 	snop  }
0xa0: {  	[tilespmem:s15], [sflag:$0x2] =	stream.indirect_vreg.gather [hbm4b:s3+s2], $0x80, v3, vm0, $0xb8;
	[tilespmem:$0x18100] =	vst v63  }
0xa1: {  	_ = 	snop  }
0xa2: {  	[tilespmem:s16], [sflag:$0x2] =	stream.indirect_vreg.gather [hbm4b:s4+s2], $0x80, v3, vm0, $0xb8;
	[tilespmem:$0x18100] =	vst v63  }
0xa3: {  	_ = 	snop  }
0xa4: {  	[tilespmem:s17], [sflag:$0x2] =	stream.indirect_vreg.gather [hbm4b:s5+s2], $0x80, v3, vm0, $0xb8;
	[tilespmem:$0x18100] =	vst v63  }
0xa5: {  	v3 =	vld [tilespmem:$0x180A0];
	_ =	sdelay $0x4  }
0xa6: {  	v62 =	vshrl.u32 v3, $0x3  }
0xa7: {  	v4 =	vmul.u32 $0x30, v62  }
0xa8: {  	v3 =	vand.u32 $0x7, v3  }
0xa9: {  	v3 =	vor.u32 v3, v4  }
0xaa: {  	v4 =	vperm.xlane v3, v0;
	_ =	sdelay $0x1  }
0xab: {  	v4 =	vadd.s32 v1, v4;
	_ =	sdelay $0x3  }
0xac: {  	v3 =	vperm.xlane v3, v2  }
0xad: {  	[tilespmem:s18], [sflag:$0x2] =	stream.indirect_vreg.gather [hbm4b:s3+s2], $0x80, v4, vm0, $0xb8;
	[tilespmem:$0x18100] =	vst v63  }
0xae: {  	v3 =	vadd.s32 v1, v3  }
0xaf: {  	[tilespmem:s19], [sflag:$0x2] =	stream.indirect_vreg.gather [hbm4b:s4+s2], $0x80, v4, vm0, $0xb8;
	[tilespmem:$0x18100] =	vst v63  }
0xb0: {  	_ = 	snop  }
0xb1: {  	[tilespmem:s20], [sflag:$0x2] =	stream.indirect_vreg.gather [hbm4b:s5+s2], $0x80, v4, vm0, $0xb8;
	[tilespmem:$0x18100] =	vst v63  }
0xb2: {  	_ = 	snop  }
0xb3: {  	[tilespmem:s21], [sflag:$0x2] =	stream.indirect_vreg.gather [hbm4b:s3+s2], $0x80, v3, vm0, $0xb8;
	[tilespmem:$0x18100] =	vst v63  }
0xb4: {  	_ = 	snop  }
0xb5: {  	[tilespmem:s22], [sflag:$0x2] =	stream.indirect_vreg.gather [hbm4b:s4+s2], $0x80, v3, vm0, $0xb8;
	[tilespmem:$0x18100] =	vst v63  }
0xb6: {  	_ = 	snop  }
0xb7: {  	[tilespmem:s23], [sflag:$0x2] =	stream.indirect_vreg.gather [hbm4b:s5+s2], $0x80, v3, vm0, $0xb8;
	[tilespmem:$0x18100] =	vst v63  }
0xb8: {  	v3 =	vld [tilespmem:$0x180B0];
	_ =	sdelay $0x4  }
0xb9: {  	v63 =	vshrl.u32 v3, $0x3  }
0xba: {  	v4 =	vmul.u32 $0x30, v63  }
0xbb: {  	v3 =	vand.u32 $0x7, v3  }
0xbc: {  	v3 =	vor.u32 v3, v4  }
0xbd: {  	v4 =	vperm.xlane v3, v0;
	_ =	sdelay $0x1  }
0xbe: {  	v4 =	vadd.s32 v1, v4;
	_ =	sdelay $0x3  }
0xbf: {  	v3 =	vperm.xlane v3, v2  }
0xc0: {  	[tilespmem:s24], [sflag:$0x2] =	stream.indirect_vreg.gather [hbm4b:s3+s2], $0x80, v4, vm0, $0xb8;
	[tilespmem:$0x18100] =	vst v63  }
0xc1: {  	v3 =	vadd.s32 v1, v3  }
0xc2: {  	[tilespmem:s25], [sflag:$0x2] =	stream.indirect_vreg.gather [hbm4b:s4+s2], $0x80, v4, vm0, $0xb8;
	[tilespmem:$0x18100] =	vst v63  }
0xc3: {  	_ = 	snop  }
0xc4: {  	[tilespmem:s26], [sflag:$0x2] =	stream.indirect_vreg.gather [hbm4b:s5+s2], $0x80, v4, vm0, $0xb8;
	[tilespmem:$0x18100] =	vst v63  }
0xc5: {  	_ = 	snop  }
0xc6: {  	[tilespmem:s28], [sflag:$0x2] =	stream.indirect_vreg.gather [hbm4b:s3+s2], $0x80, v3, vm0, $0xb8;
	[tilespmem:$0x18100] =	vst v63  }
0xc7: {  	_ = 	snop  }
0xc8: {  	[tilespmem:s29], [sflag:$0x2] =	stream.indirect_vreg.gather [hbm4b:s4+s2], $0x80, v3, vm0, $0xb8;
	[tilespmem:$0x18100] =	vst v63  }
0xc9: {  	_ = 	snop  }
0xca: {  	[tilespmem:s30], [sflag:$0x2] =	stream.indirect_vreg.gather [hbm4b:s5+s2], $0x80, v3, vm0, $0xb8;
	[tilespmem:$0x18100] =	vst v63  }
0xcb: {  	_ =	swait.ge [sflag:s31], $0xC000  }
0xcc: {  	[sflag:s31] =	ssyncset.done $0x0  }
0xcd: {  	[sflag:s31] =	ssyncadd.s32 $0xFFFF4000  }
0xce: {  	_ =	swait.ge [sflag:s1], $0xC000  }
0xcf: {  	[sflag:s1] =	ssyncset.done $0x0  }
0xd0: {  	s9 =	rddreg [dreg:$0x4];
	[sflag:s1] =	ssyncadd.s32 $0xFFFF4000  }
0xd1: {  	[hbm4b:s9+s2] =	stream.linear.scatter [tilespmem:s2], [sflag:$0x3], $0xC000, $0x38;
	[tilespmem:$0x18100] =	vst v63  }
0xd2: {  	_ =	swait.ge [sflag:s7], $0xC000  }
0xd3: {  	p0 =	sne.s32 s6, $0x1;
	[sflag:s7] =	ssyncset.done $0x0  }
.Ltmp0:
0xd4: {  	s9 =	rddreg [dreg:$0x5];
	[sflag:s7] =	ssyncadd.s32 $0xFFFF4000;
	(pc) =	sbr.rel @p0 .LBB2_1-.Ltmp0, $4  }
0xd5: {  	[hbm4b:s9+s2] =	stream.linear.scatter [tilespmem:s8], [sflag:$0x3], $0xC000, $0x38;
	[tilespmem:$0x18100] =	vst v63  }
0xd6: {  	_ =	swait.ge [sflag:s7], $0xC000  }
0xd7: {  	[sflag:s7] =	ssyncset.done $0x0  }
0xd8: {  	s6 =	sadd.s32 $0xFFFFFFFF, s6;
	[sflag:s7] =	ssyncadd.s32 $0xFFFF4000  }
0xd9: {  	_ =	sfence.sel $0x180000  }
0xda: {  	[bflag:$0x0] =	sbarrier.arrive $0xFFFF  }
0xdb: {  	_ =	strace $0x9000004A  }
0xdc: {  	s0 =	stileid.u32;
	[bflag:$0x2] =	sbarrier.arrive $0xFFFF  }
0xdd: {  	p0 =	sne.s32 s0, $0x0;
	s0 =	rddreg [dreg:$0x1]  }
0xde: {  	s0 =	sadd.s32 @!p0 $0x100000, s0  }
0xdf: {  	[sflag:s0] =	ssyncadd.tile.s32 @!p0 $0x1;
	_ =	shalt  }
.Lfunc_end2:
_tile_overlayer_lowered:
.L_overlay_start_2:
0xe0: {  	(tag) =	ssettag $0x2  }
0xe1: {  	s0 =	rddreg [dreg:$0x0];
	s2 =	stileid.u32  }
0xe2: {  	s1 =	rddreg [dreg:$0x1];
	p0 =	sne.s32 s2, $0x0  }
0xe3: {  	s3 =	rddreg [dreg:$0x2];
	[bflag:$0x3] =	sbarrier.arrive $0xFFFF;
	s2 =	simm.s32 @!p0 $0x1C03  }
0xe4: {  	[timem:s3], [sflag:s2] =	dma.local @!p0 [hbm:s0], s1  }
0xe5: {  	s0 =	simm.s32 @!p0 $0x3  }
0xe6: {  	_ =	swait.ge @!p0 [sflag:s0], s1  }
0xe7: {  	s1 =	ssub.s32 @!p0 $0x0, s1;
	[sflag:s0] =	ssyncset.done @!p0 $0x0  }
0xe8: {  	[sflag:s0] =	ssyncadd.s32 @!p0 s1  }
0xe9: {  	[bflag:$0x3] =	sbarrier.arrive $0xFFFF  }
0xea: {  	_ =	shalt  }

</sc_bundles>
